<compile_context>
chip_gen: v7x
topology: tpu7x:2x2x1
jax: 0.10.2.dev20260603
libtpu: 0.0.44.dev20260713+nightly
codegen_flags: <defaults>
</compile_context>

<pallas_src>
import functools

import jax
import jax.numpy as jnp
from jax import lax
from jax.experimental import pallas as pl
from jax.experimental.pallas import tpu as pltpu
from jax.experimental.pallas import tpu_sc as plsc

N = 10000
E = 320000
IN_C = 128
H = 256
HH = 128
G = 64
NC = 2
NS = 16
K = 128
EPT = E // NS
IDXG = 32
NGRP = 5
CT = IDXG * NGRP
EPTP = CT * K
GROWS = 2 * N + 8
DUMMY = N
ZR = 632
ACCR = ZR * NS
DPT = 624

_MESH = plsc.VectorSubcoreMesh(core_axis_name="c", subcore_axis_name="s",
                               num_cores=NC, num_subcores=NS)



def _dump(acc, out_hbm, c, s):
    @pl.when(s < NS - 1)
    def _():
        pltpu.sync_copy(acc.at[pl.ds(s * DPT, DPT)],
                        out_hbm.at[pl.ds(c * N + s * DPT, DPT)])

    @pl.when(s == NS - 1)
    def _():
        pltpu.sync_copy(acc.at[pl.ds((NS - 1) * DPT, N - (NS - 1) * DPT)],
                        out_hbm.at[pl.ds(c * N + (NS - 1) * DPT,
                                         N - (NS - 1) * DPT)])

@functools.partial(
    pl.kernel,
    out_type=jax.ShapeDtypeStruct((2 * N, HH), jnp.float32),
    mesh=_MESH,
    scratch_types=[
        pltpu.VMEM((CT, K), jnp.int32),
        pltpu.VMEM((K, HH), jnp.float32),
        pltpu.VMEM_SHARED((ACCR, HH), jnp.float32),
        pltpu.SemaphoreType.DMA,
    ],
)
def _sc_deg(dstp_hbm, ones_hbm, z_hbm, out_hbm, dst_v, ones_v, acc, ssem):
    c = lax.axis_index("c")
    s = lax.axis_index("s")
    pltpu.sync_copy(z_hbm, acc.at[pl.ds(s * ZR, ZR)])
    pltpu.sync_copy(dstp_hbm.at[s], dst_v)
    pltpu.sync_copy(ones_hbm, ones_v)
    plsc.subcore_barrier()
    half = CT // 2
    lo = c * half

    def fire8(gq, carry):
        base = lo + gq * 8
        for u in range(8):
            pltpu.async_copy(ones_v, acc.at[dst_v.at[base + u]], ssem,
                             add=True)
        for _ in range(8):
            pltpu.make_async_copy(ones_v, acc.at[dst_v.at[base]],
                                  ssem).wait()
        return carry

    lax.fori_loop(0, half // 8, fire8, 0)
    plsc.subcore_barrier()
    _dump(acc, out_hbm, c, s)


@functools.partial(
    pl.kernel,
    out_type=jax.ShapeDtypeStruct((2 * N, HH), jnp.float32),
    mesh=_MESH,
    scratch_types=[
        pltpu.VMEM((IDXG, K), jnp.int32),
        pltpu.VMEM((IDXG, K), jnp.int32),
        pltpu.VMEM((K, HH), jnp.float32),
        pltpu.VMEM((K, HH), jnp.float32),
        pltpu.VMEM_SHARED((ACCR, HH), jnp.float32),
        pltpu.SemaphoreType.DMA,
        pltpu.SemaphoreType.DMA,
        pltpu.SemaphoreType.DMA,
        pltpu.SemaphoreType.DMA,
    ],
)
def _sc_scatter(g_hbm, srcp_hbm, dstp_hbm, z_hbm, out_hbm,
                src_v, dst_v, rows_a, rows_b, acc,
                gsem_a, gsem_b, ssem_a, ssem_b):
    c = lax.axis_index("c")
    s = lax.axis_index("s")
    tid = c * NS + s
    pltpu.sync_copy(z_hbm, acc.at[pl.ds(s * ZR, ZR)])
    plsc.subcore_barrier()

    def group(gi, carry):
        pltpu.sync_copy(srcp_hbm.at[tid, pl.ds(gi * IDXG, IDXG)], src_v)
        pltpu.sync_copy(dstp_hbm.at[s, pl.ds(gi * IDXG, IDXG)], dst_v)
        def gather2(j, buf, gsem):
            pltpu.async_copy(g_hbm.at[src_v.at[j, pl.ds(0, K // 2)]],
                             buf.at[pl.ds(0, K // 2)], gsem)
            pltpu.async_copy(g_hbm.at[src_v.at[j, pl.ds(K // 2, K // 2)]],
                             buf.at[pl.ds(K // 2, K // 2)], gsem)

        gather2(0, rows_a, gsem_a)

        def step(j, cur, gsem_cur, ssem_cur, nxt, gsem_nxt, ssem_nxt):
            @pl.when(j + 1 < IDXG)
            def _():
                @pl.when(j >= 1)
                def _():
                    pltpu.make_async_copy(nxt, acc.at[dst_v.at[j]],
                                          ssem_nxt).wait()

                gather2(j + 1, nxt, gsem_nxt)

            pltpu.make_async_copy(g_hbm.at[src_v.at[j]], cur,
                                  gsem_cur).wait()
            pltpu.async_copy(cur, acc.at[dst_v.at[j]], ssem_cur, add=True)

        def pair(k, carry2):
            step(2 * k, rows_a, gsem_a, ssem_a, rows_b, gsem_b, ssem_b)
            step(2 * k + 1, rows_b, gsem_b, ssem_b, rows_a, gsem_a, ssem_a)
            return carry2

        carry = lax.fori_loop(0, IDXG // 2, pair, carry)
        pltpu.make_async_copy(rows_a, acc.at[dst_v.at[0]], ssem_a).wait()
        pltpu.make_async_copy(rows_b, acc.at[dst_v.at[0]], ssem_b).wait()
        return carry

    lax.fori_loop(0, NGRP, group, 0)
    plsc.subcore_barrier()
    _dump(acc, out_hbm, c, s)



_TC_PARAMS = pltpu.CompilerParams(vmem_limit_bytes=60 * 1024 * 1024)

def _dinv_from(dg_ref):
    deg = dg_ref[0:N, 0:1] + dg_ref[N:2 * N, 0:1] + 1.0
    return lax.rsqrt(deg)


def _store_halves(out_ref, gn):
    out_ref[0:N, :] = gn[:, 0:HH]
    out_ref[N:2 * N, :] = gn[:, HH:H]
    out_ref[2 * N:GROWS, :] = jnp.zeros((GROWS - 2 * N, HH), jnp.float32)


def _split_bf16(x):
    hi = x.astype(jnp.bfloat16)
    lo = (x - hi.astype(jnp.float32)).astype(jnp.bfloat16)
    return hi, lo


def _mm3(x, w):
    xh, xl = _split_bf16(x)
    wh, wl = _split_bf16(w)
    a = jnp.concatenate([xh, xl, xh], axis=1)
    b = jnp.concatenate([wh, wh, wl], axis=0)
    return jnp.dot(a, b, preferred_element_type=jnp.float32)


def _pdot(p_bf, x):
    xh, xl = _split_bf16(x)
    return (jnp.dot(p_bf, xh, preferred_element_type=jnp.float32)
            + jnp.dot(p_bf, xl, preferred_element_type=jnp.float32))


_BCAST_DIMS = (((0,), (0,)), ((), ()))


def _pbcast(p_bf, x):
    xh, xl = _split_bf16(x)
    return (lax.dot_general(p_bf, xh, _BCAST_DIMS,
                            preferred_element_type=jnp.float32)
            + lax.dot_general(p_bf, xl, _BCAST_DIMS,
                              preferred_element_type=jnp.float32))


def _tc_embed_body(x_ref, we_ref, be_ref, w0_ref, dg_ref, out_ref):
    wc = _mm3(we_ref[...], w0_ref[...])
    bc = _mm3(be_ref[...], w0_ref[...])
    g = _mm3(x_ref[...], wc) + bc
    _store_halves(out_ref, g * _dinv_from(dg_ref))


_tc_embed = pl.pallas_call(
    _tc_embed_body,
    out_shape=jax.ShapeDtypeStruct((GROWS, HH), jnp.float32),
    compiler_params=_TC_PARAMS,
)


def _norm_pool_half(agg_ref, gt_ref, dg_ref, batch_ref, b_ref, gw_ref,
                    gb_ref, gs_ref):
    dinv = _dinv_from(dg_ref)
    t = dinv * (agg_ref[...] + gt_ref[...]) + b_ref[...]
    p = (lax.broadcasted_iota(jnp.int32, (G, N), 0)
         == batch_ref[...]).astype(jnp.bfloat16)
    cnt = jnp.maximum(jnp.sum(p.astype(jnp.float32), axis=1,
                              keepdims=True), 1.0)
    mean = _pdot(p, t) / cnt
    meanfull = _pbcast(p, mean)
    o = t - meanfull * gs_ref[...]
    var = _pdot(p, o * o) / cnt
    inv_std = lax.rsqrt(var + 1e-5)
    isf = _pbcast(p, inv_std)
    h = gw_ref[...] * o * isf + gb_ref[...]
    h = jnp.where(h >= 0, h, 0.01 * h)
    feats = _pdot(p, h) / cnt
    return h, feats


def _tc_norm_mid_body(agg_ref, gt_ref, dg_ref, batch_ref, b_ref, gw_ref,
                      gb_ref, gs_ref, h_ref, feats_ref):
    h, feats = _norm_pool_half(agg_ref, gt_ref, dg_ref, batch_ref, b_ref,
                               gw_ref, gb_ref, gs_ref)
    h_ref[...] = h
    feats_ref[...] = feats


def _tc_norm_last_body(agg_ref, gt_ref, dg_ref, batch_ref, b_ref, gw_ref,
                       gb_ref, gs_ref, f0_ref, f1_ref, merge_ref):
    _, feats = _norm_pool_half(agg_ref, gt_ref, dg_ref, batch_ref, b_ref,
                               gw_ref, gb_ref, gs_ref)
    merge_ref[...] = (f0_ref[...] + f1_ref[...] + feats) * (1.0 / 3.0)


_half_rows = pl.BlockSpec((N, HH), lambda f: (f, 0))
_half_cols_row = pl.BlockSpec((1, HH), lambda f: (0, f))
_half_cols_g = pl.BlockSpec((G, HH), lambda f: (0, f))
_full_deg = pl.BlockSpec((2 * N, 8), lambda f: (0, 0))
_full_batch = pl.BlockSpec((1, N), lambda f: (0, 0))

_tc_norm_mid = pl.pallas_call(
    _tc_norm_mid_body,
    grid=(2,),
    in_specs=[_half_rows, _half_rows, _full_deg, _full_batch,
              _half_cols_row, _half_cols_row, _half_cols_row, _half_cols_row],
    out_specs=[_half_rows, _half_cols_g],
    out_shape=[
        jax.ShapeDtypeStruct((2 * N, HH), jnp.float32),
        jax.ShapeDtypeStruct((G, H), jnp.float32),
    ],
    compiler_params=_TC_PARAMS,
)

_tc_norm_last = pl.pallas_call(
    _tc_norm_last_body,
    grid=(2,),
    in_specs=[_half_rows, _half_rows, _full_deg, _full_batch,
              _half_cols_row, _half_cols_row, _half_cols_row, _half_cols_row,
              _half_cols_g, _half_cols_g],
    out_specs=_half_cols_g,
    out_shape=jax.ShapeDtypeStruct((G, H), jnp.float32),
    compiler_params=_TC_PARAMS,
)


def _tc_matmul_body(h_ref, w_ref, dg_ref, out_ref):
    gn = (_mm3(h_ref[0:N, :], w_ref[0:HH, :])
          + _mm3(h_ref[N:2 * N, :], w_ref[HH:H, :]))
    _store_halves(out_ref, gn * _dinv_from(dg_ref))


_tc_matmul = pl.pallas_call(
    _tc_matmul_body,
    out_shape=jax.ShapeDtypeStruct((GROWS, HH), jnp.float32),
    compiler_params=_TC_PARAMS,
)



def kernel(x, edge_index, batch, W_emb, b_emb, W0, b0, gn_w0, gn_b0, gn_s0,
           W1, b1, gn_w1, gn_b1, gn_s1, W2, b2, gn_w2, gn_b2, gn_s2):
    src = edge_index[0]
    dst = edge_index[1]
    src_t = src.reshape(NS, EPT)
    pad = ((0, 0), (0, EPTP - EPT))
    src0 = jnp.pad(src_t, pad, constant_values=2 * N)
    src1 = jnp.pad(src_t + N, pad, constant_values=2 * N)
    srcp = jnp.concatenate([src0, src1], axis=0).reshape(2 * NS, CT, K)
    dstp = jnp.pad(dst.reshape(NS, EPT), pad,
                   constant_values=DUMMY).reshape(NS, CT, K)

    ones_rows = jnp.ones((K, HH), jnp.float32)
    z128 = jnp.zeros((ZR, HH), jnp.float32)
    batch_r = batch.reshape(1, N)
    be = b_emb.reshape(1, H)
    layer = [
        (W0, b0.reshape(1, H), gn_w0.reshape(1, H), gn_b0.reshape(1, H),
         gn_s0.reshape(1, H)),
        (W1, b1.reshape(1, H), gn_w1.reshape(1, H), gn_b1.reshape(1, H),
         gn_s1.reshape(1, H)),
        (W2, b2.reshape(1, H), gn_w2.reshape(1, H), gn_b2.reshape(1, H),
         gn_s2.reshape(1, H)),
    ]

    degacc = _sc_deg(dstp, ones_rows, z128)[:, 0:8]

    gt0 = _tc_embed(x, W_emb, be, W0, degacc)
    agg0 = _sc_scatter(gt0, srcp, dstp, z128)
    h1, f0 = _tc_norm_mid(agg0, gt0, degacc, batch_r, layer[0][1],
                          layer[0][2], layer[0][3], layer[0][4])
    gt1 = _tc_matmul(h1, W1, degacc)
    agg1 = _sc_scatter(gt1, srcp, dstp, z128)
    h2, f1 = _tc_norm_mid(agg1, gt1, degacc, batch_r, layer[1][1],
                          layer[1][2], layer[1][3], layer[1][4])
    gt2 = _tc_matmul(h2, W2, degacc)
    agg2 = _sc_scatter(gt2, srcp, dstp, z128)
    merge = _tc_norm_last(agg2, gt2, degacc, batch_r, layer[2][1],
                          layer[2][2], layer[2][3], layer[2][4], f0, f1)
    return merge

# --- scband reference (transcript-rebuilt; emitter-appended) ---
"""Pipeline reference for scband-base-line-11991548691179 (READ-ONLY COPY).

The authoritative reference and input builder live on the scoring server;
editing this copy changes nothing except your own understanding.
"""

import jax, jax.numpy as jnp
import numpy as np

N = 10000
E = 320000
IN_C = 128
H = 256
NUM_GRAPHS = 64
NUM_LAYERS = 3


def setup_inputs(seed: int = 0):
    key = jax.random.key(seed)
    ks = jax.random.split(key, 8 + 5 * NUM_LAYERS)
    inp = {}
    inp["x"] = jax.random.normal(ks[0], (N, IN_C), dtype=jnp.float32)
    inp["edge_index"] = jax.random.randint(ks[1], (2, E), 0, N, dtype=jnp.int32)
    inp["batch"] = jnp.sort(jax.random.randint(ks[2], (N,), 0, NUM_GRAPHS, dtype=jnp.int32))
    inp["W_emb"] = jax.random.normal(ks[3], (IN_C, H), dtype=jnp.float32) * 0.05
    inp["b_emb"] = jnp.zeros((H,), dtype=jnp.float32)
    for i in range(NUM_LAYERS):
        inp[f"W{i}"] = jax.random.normal(ks[4 + 5 * i], (H, H), dtype=jnp.float32) * 0.05
        inp[f"b{i}"] = jnp.zeros((H,), dtype=jnp.float32)
        inp[f"gn_w{i}"] = jnp.ones((H,), dtype=jnp.float32)
        inp[f"gn_b{i}"] = jnp.zeros((H,), dtype=jnp.float32)
        inp[f"gn_s{i}"] = jnp.ones((H,), dtype=jnp.float32)
    return inp


def _segment_mean(v, seg, num_segments):
    s = jax.ops.segment_sum(v, seg, num_segments=num_segments)
    cnt = jax.ops.segment_sum(jnp.ones((v.shape[0], 1), v.dtype), seg, num_segments=num_segments)
    return s / jnp.clip(cnt, 1.0)


def _gcn_conv(x, src, dst, W, b):
    n = x.shape[0]
    loop = jnp.arange(n, dtype=src.dtype)
    s = jnp.concatenate([src, loop])
    d = jnp.concatenate([dst, loop])
    deg = jnp.zeros((n,), x.dtype).at[d].add(1.0)
    dinv = jnp.where(deg > 0, deg ** -0.5, 0.0)
    norm = dinv[s] * dinv[d]
    h = x @ W
    msg = h[s] * norm[:, None]
    out = jnp.zeros((n, h.shape[1]), x.dtype).at[d].add(msg)
    return out + b


def _graph_norm(x, batch, w, b, mean_scale, num_graphs, eps=1e-5):
    mean = _segment_mean(x, batch, num_graphs)
    out = x - mean[batch] * mean_scale
    var = _segment_mean(out * out, batch, num_graphs)
    std = jnp.sqrt(var + eps)
    return w * out / std[batch] + b


def _dirichlet_energy(x, src, dst):
    diff = x[src] - x[dst]
    return jnp.sum(diff * diff) / x.shape[0]


def _mad(x, batch, num_graphs):
    gmean = _segment_mean(x, batch, num_graphs)[batch]
    num = jnp.sum(x * gmean, axis=-1)
    den = jnp.linalg.norm(x, axis=-1) * jnp.linalg.norm(gmean, axis=-1) + 1e-12
    return jnp.mean(1.0 - num / den)


def _forward(x, edge_index, batch, W_emb, b_emb, layer_params):
    src, dst = edge_index[0], edge_index[1]
    h = x @ W_emb + b_emb
    de = [_dirichlet_energy(h, src, dst)]
    mads = [_mad(h, batch, NUM_GRAPHS)]
    feats = []
    for (W, b, gw, gb, gs) in layer_params:
        h = _gcn_conv(h, src, dst, W, b)
        h = _graph_norm(h, batch, gw, gb, gs, NUM_GRAPHS)
        h = jax.nn.leaky_relu(h, negative_slope=0.01)
        de.append(_dirichlet_energy(h, src, dst))
        mads.append(_mad(h, batch, NUM_GRAPHS))
        feats.append(_segment_mean(h, batch, NUM_GRAPHS))
    merge = jnp.mean(jnp.stack(feats, axis=0), axis=0)
    _de_rates = [de[i + 1] / de[0] for i in range(NUM_LAYERS)]
    _mad_rates = [mads[i + 1] / mads[0] for i in range(NUM_LAYERS)]
    return merge


def reference(x, edge_index, batch, W_emb, b_emb, W0, b0, gn_w0, gn_b0, gn_s0, W1, b1, gn_w1, gn_b1, gn_s1, W2, b2, gn_w2, gn_b2, gn_s2):
    layers = [(W0, b0, gn_w0, gn_b0, gn_s0), (W1, b1, gn_w1, gn_b1, gn_s1), (W2, b2, gn_w2, gn_b2, gn_s2)]
    return _forward(x, edge_index, batch, W_emb, b_emb, layers)

if __name__ == "__main__":
    import jax
    _d = setup_inputs()
    print(jax.jit(kernel)(*tuple(_d.values())))

</pallas_src>

<mosaic_0001>
#map = affine_map<(d0, d1) -> (0, 0)>
#map1 = affine_map<(d0, d1) -> (0, 0, 0)>
module attributes {stable_mosaic.version = 14 : i64} {
  func.func @_sc_scatter(%arg0: i32, %arg1: i32, %arg2: memref<20008x128xf32, #tpu.memory_space<hbm>>, %arg3: memref<32x160x128xi32, #tpu.memory_space<hbm>>, %arg4: memref<16x160x128xi32, #tpu.memory_space<hbm>>, %arg5: memref<632x128xf32, #tpu.memory_space<hbm>>, %arg6: memref<20000x128xf32, #tpu.memory_space<hbm>>, %arg7: memref<32x128xi32, #tpu.memory_space<vmem>>, %arg8: memref<32x128xi32, #tpu.memory_space<vmem>>, %arg9: memref<128x128xf32, #tpu.memory_space<vmem>>, %arg10: memref<128x128xf32, #tpu.memory_space<vmem>>, %arg11: memref<10112x128xf32, #tpu.memory_space<vmem_shared>>, %arg12: memref<!tpu.dma_semaphore, #tpu.memory_space<semaphore_mem>>, %arg13: memref<!tpu.dma_semaphore, #tpu.memory_space<semaphore_mem>>, %arg14: memref<!tpu.dma_semaphore, #tpu.memory_space<semaphore_mem>>, %arg15: memref<!tpu.dma_semaphore, #tpu.memory_space<semaphore_mem>>) attributes {dimension_semantics = [#tpu.dimension_semantics<core_parallel>, #tpu.dimension_semantics<subcore_parallel>], iteration_bounds = array<i64: 2, 16>, scalar_prefetch = 0 : i64, scratch_operands = 9 : i64, tpu.core_type = #tpu.core_type<sc_vector_subcore>, window_params = [{transform_indices = #map}, {transform_indices = #map1}, {transform_indices = #map1}, {transform_indices = #map}, {transform_indices = #map}]} {
    %mul3A = arith.constant 16 : i32
    %mul3A_0 = arith.muli %arg0, %mul3A : i32
    %add3A = arith.addi %mul3A_0, %arg1 : i32
    %mul3A_1 = arith.constant 632 : i32
    %mul3A_2 = arith.muli %arg1, %mul3A_1 : i32
    "tpu.region"() ({
      %run_scoped3A = tpu.sem_alloc : memref<!tpu.dma_semaphore, #tpu.memory_space<semaphore_mem>>
      %dma_start3A = arith.constant 0 : i32
      %dma_start3A_15 = tpu.memref_slice %arg11[%mul3A_2, %dma_start3A] : memref<10112x128xf32, #tpu.memory_space<vmem_shared>> -> memref<632x128xf32, #tpu.memory_space<vmem_shared>>
      tpu.enqueue_dma source(%arg5 : memref<632x128xf32, #tpu.memory_space<hbm>>) target(%dma_start3A_15 : memref<632x128xf32, #tpu.memory_space<vmem_shared>>) target_semaphore(%run_scoped3A : memref<!tpu.dma_semaphore, #tpu.memory_space<semaphore_mem>>)
      %dma_wait3A = arith.constant 0 : i32
      %dma_wait3A_16 = tpu.memref_slice %arg11[%mul3A_2, %dma_wait3A] : memref<10112x128xf32, #tpu.memory_space<vmem_shared>> -> memref<632x128xf32, #tpu.memory_space<vmem_shared>>
      tpu.wait_dma2 semaphore(%run_scoped3A : memref<!tpu.dma_semaphore, #tpu.memory_space<semaphore_mem>>) src(%arg5 : memref<632x128xf32, #tpu.memory_space<hbm>>) dst(%dma_wait3A_16 : memref<632x128xf32, #tpu.memory_space<vmem_shared>>)
      tpu.yield
    }) : () -> ()
    %barrier3A = arith.constant 0 : index
    tpu.barrier barrier_id(%barrier3A)
    %scan3A = arith.constant 0 : i32
    %scan3A_3 = arith.constant 0 : i32
    %scan3A_4 = arith.constant 5 : i32
    %scan3A_5 = arith.addi %scan3A_3, %scan3A_4 : i32
    %scan3A_6 = arith.constant 1 : i32
    scf.for %scan3A_15 = %scan3A_3 to %scan3A_5 step %scan3A_6  : i32 {
      %mul3A_16 = arith.constant 32 : i32
      %mul3A_17 = arith.muli %scan3A_15, %mul3A_16 : i32
      "tpu.region"() ({
        %run_scoped3A = tpu.sem_alloc : memref<!tpu.dma_semaphore, #tpu.memory_space<semaphore_mem>>
        %dma_start3A_57 = arith.constant 0 : i32
        %dma_start3A_58 = tpu.memref_slice %arg3[%add3A, %mul3A_17, %dma_start3A_57] : memref<32x160x128xi32, #tpu.memory_space<hbm>> -> memref<1x32x128xi32, #tpu.memory_space<hbm>>
        %dma_start3A_59 = tpu.memref_squeeze %dma_start3A_58 : memref<1x32x128xi32, #tpu.memory_space<hbm>> -> memref<32x128xi32, #tpu.memory_space<hbm>>
        %dma_start3A_60 = arith.constant 0 : i32
        %dma_start3A_61 = tpu.memref_slice %arg3[%add3A, %mul3A_17, %dma_start3A_60] : memref<32x160x128xi32, #tpu.memory_space<hbm>> -> memref<1x32x128xi32, #tpu.memory_space<hbm>>
        %dma_start3A_62 = tpu.memref_squeeze %dma_start3A_61 : memref<1x32x128xi32, #tpu.memory_space<hbm>> -> memref<32x128xi32, #tpu.memory_space<hbm>>
        tpu.enqueue_dma source(%dma_start3A_62 : memref<32x128xi32, #tpu.memory_space<hbm>>) target(%arg7 : memref<32x128xi32, #tpu.memory_space<vmem>>) target_semaphore(%run_scoped3A : memref<!tpu.dma_semaphore, #tpu.memory_space<semaphore_mem>>)
        %dma_wait3A_63 = arith.constant 0 : i32
        %dma_wait3A_64 = tpu.memref_slice %arg3[%add3A, %mul3A_17, %dma_wait3A_63] : memref<32x160x128xi32, #tpu.memory_space<hbm>> -> memref<1x32x128xi32, #tpu.memory_space<hbm>>
        %dma_wait3A_65 = tpu.memref_squeeze %dma_wait3A_64 : memref<1x32x128xi32, #tpu.memory_space<hbm>> -> memref<32x128xi32, #tpu.memory_space<hbm>>
        %dma_wait3A_66 = arith.constant 0 : i32
        %dma_wait3A_67 = tpu.memref_slice %arg3[%add3A, %mul3A_17, %dma_wait3A_66] : memref<32x160x128xi32, #tpu.memory_space<hbm>> -> memref<1x32x128xi32, #tpu.memory_space<hbm>>
        %dma_wait3A_68 = tpu.memref_squeeze %dma_wait3A_67 : memref<1x32x128xi32, #tpu.memory_space<hbm>> -> memref<32x128xi32, #tpu.memory_space<hbm>>
        tpu.wait_dma2 semaphore(%run_scoped3A : memref<!tpu.dma_semaphore, #tpu.memory_space<semaphore_mem>>) src(%dma_wait3A_68 : memref<32x128xi32, #tpu.memory_space<hbm>>) dst(%arg7 : memref<32x128xi32, #tpu.memory_space<vmem>>)
        tpu.yield
      }) : () -> ()
      %mul3A_18 = arith.constant 32 : i32
      %mul3A_19 = arith.muli %scan3A_15, %mul3A_18 : i32
      "tpu.region"() ({
        %run_scoped3A = tpu.sem_alloc : memref<!tpu.dma_semaphore, #tpu.memory_space<semaphore_mem>>
        %dma_start3A_57 = arith.constant 0 : i32
        %dma_start3A_58 = tpu.memref_slice %arg4[%arg1, %mul3A_19, %dma_start3A_57] : memref<16x160x128xi32, #tpu.memory_space<hbm>> -> memref<1x32x128xi32, #tpu.memory_space<hbm>>
        %dma_start3A_59 = tpu.memref_squeeze %dma_start3A_58 : memref<1x32x128xi32, #tpu.memory_space<hbm>> -> memref<32x128xi32, #tpu.memory_space<hbm>>
        %dma_start3A_60 = arith.constant 0 : i32
        %dma_start3A_61 = tpu.memref_slice %arg4[%arg1, %mul3A_19, %dma_start3A_60] : memref<16x160x128xi32, #tpu.memory_space<hbm>> -> memref<1x32x128xi32, #tpu.memory_space<hbm>>
        %dma_start3A_62 = tpu.memref_squeeze %dma_start3A_61 : memref<1x32x128xi32, #tpu.memory_space<hbm>> -> memref<32x128xi32, #tpu.memory_space<hbm>>
        tpu.enqueue_dma source(%dma_start3A_62 : memref<32x128xi32, #tpu.memory_space<hbm>>) target(%arg8 : memref<32x128xi32, #tpu.memory_space<vmem>>) target_semaphore(%run_scoped3A : memref<!tpu.dma_semaphore, #tpu.memory_space<semaphore_mem>>)
        %dma_wait3A_63 = arith.constant 0 : i32
        %dma_wait3A_64 = tpu.memref_slice %arg4[%arg1, %mul3A_19, %dma_wait3A_63] : memref<16x160x128xi32, #tpu.memory_space<hbm>> -> memref<1x32x128xi32, #tpu.memory_space<hbm>>
        %dma_wait3A_65 = tpu.memref_squeeze %dma_wait3A_64 : memref<1x32x128xi32, #tpu.memory_space<hbm>> -> memref<32x128xi32, #tpu.memory_space<hbm>>
        %dma_wait3A_66 = arith.constant 0 : i32
        %dma_wait3A_67 = tpu.memref_slice %arg4[%arg1, %mul3A_19, %dma_wait3A_66] : memref<16x160x128xi32, #tpu.memory_space<hbm>> -> memref<1x32x128xi32, #tpu.memory_space<hbm>>
        %dma_wait3A_68 = tpu.memref_squeeze %dma_wait3A_67 : memref<1x32x128xi32, #tpu.memory_space<hbm>> -> memref<32x128xi32, #tpu.memory_space<hbm>>
        tpu.wait_dma2 semaphore(%run_scoped3A : memref<!tpu.dma_semaphore, #tpu.memory_space<semaphore_mem>>) src(%dma_wait3A_68 : memref<32x128xi32, #tpu.memory_space<hbm>>) dst(%arg8 : memref<32x128xi32, #tpu.memory_space<vmem>>)
        tpu.yield
      }) : () -> ()
      %dma_start3A = arith.constant 0 : i32
      %dma_start3A_20 = arith.constant 0 : i32
      %dma_start3A_21 = arith.constant 0 : i32
      %dma_start3A_22 = tpu.memref_slice %arg9[%dma_start3A_20, %dma_start3A_21] : memref<128x128xf32, #tpu.memory_space<vmem>> -> memref<64x128xf32, #tpu.memory_space<vmem>>
      %dma_start3A_23 = arith.constant 0 : i32
      %dma_start3A_24 = tpu.memref_slice %arg7[%dma_start3A, %dma_start3A_23] : memref<32x128xi32, #tpu.memory_space<vmem>> -> memref<1x64xi32, #tpu.memory_space<vmem>>
      %dma_start3A_25 = tpu.memref_squeeze %dma_start3A_24 : memref<1x64xi32, #tpu.memory_space<vmem>> -> memref<64xi32, #tpu.memory_space<vmem>>
      %dma_start3A_26 = arith.constant 0 : i32
      %dma_start3A_27 = arith.constant 0 : i32
      %dma_start3A_28 = tpu.memref_slice %arg2[%dma_start3A_26, %dma_start3A_27] : memref<20008x128xf32, #tpu.memory_space<hbm>> -> memref<20008x128xf32, #tpu.memory_space<hbm>>
      tpu.enqueue_indirect_dma source(%dma_start3A_28 : memref<20008x128xf32, #tpu.memory_space<hbm>>) target(%dma_start3A_22 : memref<64x128xf32, #tpu.memory_space<vmem>>) offsets(%dma_start3A_25 : memref<64xi32, #tpu.memory_space<vmem>>) semaphore(%arg12 : memref<!tpu.dma_semaphore, #tpu.memory_space<semaphore_mem>>)
      %dma_start3A_29 = arith.constant 0 : i32
      %dma_start3A_30 = arith.constant 64 : i32
      %dma_start3A_31 = arith.constant 0 : i32
      %dma_start3A_32 = tpu.memref_slice %arg9[%dma_start3A_30, %dma_start3A_31] : memref<128x128xf32, #tpu.memory_space<vmem>> -> memref<64x128xf32, #tpu.memory_space<vmem>>
      %dma_start3A_33 = arith.constant 64 : i32
      %dma_start3A_34 = tpu.memref_slice %arg7[%dma_start3A_29, %dma_start3A_33] : memref<32x128xi32, #tpu.memory_space<vmem>> -> memref<1x64xi32, #tpu.memory_space<vmem>>
      %dma_start3A_35 = tpu.memref_squeeze %dma_start3A_34 : memref<1x64xi32, #tpu.memory_space<vmem>> -> memref<64xi32, #tpu.memory_space<vmem>>
      %dma_start3A_36 = arith.constant 0 : i32
      %dma_start3A_37 = arith.constant 0 : i32
      %dma_start3A_38 = tpu.memref_slice %arg2[%dma_start3A_36, %dma_start3A_37] : memref<20008x128xf32, #tpu.memory_space<hbm>> -> memref<20008x128xf32, #tpu.memory_space<hbm>>
      tpu.enqueue_indirect_dma source(%dma_start3A_38 : memref<20008x128xf32, #tpu.memory_space<hbm>>) target(%dma_start3A_32 : memref<64x128xf32, #tpu.memory_space<vmem>>) offsets(%dma_start3A_35 : memref<64xi32, #tpu.memory_space<vmem>>) semaphore(%arg12 : memref<!tpu.dma_semaphore, #tpu.memory_space<semaphore_mem>>)
      %scan3A_39 = arith.constant 0 : i32
      %scan3A_40 = arith.constant 16 : i32
      %scan3A_41 = arith.addi %scan3A_39, %scan3A_40 : i32
      %scan3A_42 = arith.constant 1 : i32
      scf.for %scan3A_57 = %scan3A_39 to %scan3A_41 step %scan3A_42  : i32 {
        %mul3A_58 = arith.constant 2 : i32
        %mul3A_59 = arith.muli %mul3A_58, %scan3A_57 : i32
        %add3A_60 = arith.constant 1 : i32
        %add3A_61 = arith.addi %mul3A_59, %add3A_60 : i32
        %lt3A_62 = arith.constant 32 : i32
        %lt3A_63 = arith.cmpi slt, %add3A_61, %lt3A_62 : i32
        %convert_element_type3A_64 = arith.extui %lt3A_63 : i1 to i32
        %cond3A_65 = arith.constant 0 : i32
        %cond3A_66 = arith.cmpi ne, %convert_element_type3A_64, %cond3A_65 : i32
        scf.if %cond3A_66 {
          %ge3A = arith.constant 1 : i32
          %ge3A_102 = arith.cmpi sge, %mul3A_59, %ge3A : i32
          %convert_element_type3A_103 = arith.extui %ge3A_102 : i1 to i32
          %cond3A_104 = arith.constant 0 : i32
          %cond3A_105 = arith.cmpi ne, %convert_element_type3A_103, %cond3A_104 : i32
          scf.if %cond3A_105 {
            %dma_wait3A_126 = arith.constant 0 : i32
            %dma_wait3A_127 = tpu.memref_slice %arg8[%mul3A_59, %dma_wait3A_126] : memref<32x128xi32, #tpu.memory_space<vmem>> -> memref<1x128xi32, #tpu.memory_space<vmem>>
            %dma_wait3A_128 = tpu.memref_squeeze %dma_wait3A_127 : memref<1x128xi32, #tpu.memory_space<vmem>> -> memref<128xi32, #tpu.memory_space<vmem>>
            %dma_wait3A_129 = arith.constant 0 : i32
            %dma_wait3A_130 = arith.constant 0 : i32
            %dma_wait3A_131 = tpu.memref_slice %arg11[%dma_wait3A_129, %dma_wait3A_130] : memref<10112x128xf32, #tpu.memory_space<vmem_shared>> -> memref<10112x128xf32, #tpu.memory_space<vmem_shared>>
            tpu.wait_indirect_dma semaphore(%arg15 : memref<!tpu.dma_semaphore, #tpu.memory_space<semaphore_mem>>) src(%arg10 : memref<128x128xf32, #tpu.memory_space<vmem>>) dst(%dma_wait3A_131 : memref<10112x128xf32, #tpu.memory_space<vmem_shared>>)
          } else {
          }
          %add3A_106 = arith.constant 1 : i32
          %add3A_107 = arith.addi %mul3A_59, %add3A_106 : i32
          %dma_start3A_108 = arith.constant 0 : i32
          %dma_start3A_109 = arith.constant 0 : i32
          %dma_start3A_110 = tpu.memref_slice %arg10[%dma_start3A_108, %dma_start3A_109] : memref<128x128xf32, #tpu.memory_space<vmem>> -> memref<64x128xf32, #tpu.memory_space<vmem>>
          %dma_start3A_111 = arith.constant 0 : i32
          %dma_start3A_112 = tpu.memref_slice %arg7[%add3A_107, %dma_start3A_111] : memref<32x128xi32, #tpu.memory_space<vmem>> -> memref<1x64xi32, #tpu.memory_space<vmem>>
          %dma_start3A_113 = tpu.memref_squeeze %dma_start3A_112 : memref<1x64xi32, #tpu.memory_space<vmem>> -> memref<64xi32, #tpu.memory_space<vmem>>
          %dma_start3A_114 = arith.constant 0 : i32
          %dma_start3A_115 = arith.constant 0 : i32
          %dma_start3A_116 = tpu.memref_slice %arg2[%dma_start3A_114, %dma_start3A_115] : memref<20008x128xf32, #tpu.memory_space<hbm>> -> memref<20008x128xf32, #tpu.memory_space<hbm>>
          tpu.enqueue_indirect_dma source(%dma_start3A_116 : memref<20008x128xf32, #tpu.memory_space<hbm>>) target(%dma_start3A_110 : memref<64x128xf32, #tpu.memory_space<vmem>>) offsets(%dma_start3A_113 : memref<64xi32, #tpu.memory_space<vmem>>) semaphore(%arg13 : memref<!tpu.dma_semaphore, #tpu.memory_space<semaphore_mem>>)
          %dma_start3A_117 = arith.constant 64 : i32
          %dma_start3A_118 = arith.constant 0 : i32
          %dma_start3A_119 = tpu.memref_slice %arg10[%dma_start3A_117, %dma_start3A_118] : memref<128x128xf32, #tpu.memory_space<vmem>> -> memref<64x128xf32, #tpu.memory_space<vmem>>
          %dma_start3A_120 = arith.constant 64 : i32
          %dma_start3A_121 = tpu.memref_slice %arg7[%add3A_107, %dma_start3A_120] : memref<32x128xi32, #tpu.memory_space<vmem>> -> memref<1x64xi32, #tpu.memory_space<vmem>>
          %dma_start3A_122 = tpu.memref_squeeze %dma_start3A_121 : memref<1x64xi32, #tpu.memory_space<vmem>> -> memref<64xi32, #tpu.memory_space<vmem>>
          %dma_start3A_123 = arith.constant 0 : i32
          %dma_start3A_124 = arith.constant 0 : i32
          %dma_start3A_125 = tpu.memref_slice %arg2[%dma_start3A_123, %dma_start3A_124] : memref<20008x128xf32, #tpu.memory_space<hbm>> -> memref<20008x128xf32, #tpu.memory_space<hbm>>
          tpu.enqueue_indirect_dma source(%dma_start3A_125 : memref<20008x128xf32, #tpu.memory_space<hbm>>) target(%dma_start3A_119 : memref<64x128xf32, #tpu.memory_space<vmem>>) offsets(%dma_start3A_122 : memref<64xi32, #tpu.memory_space<vmem>>) semaphore(%arg13 : memref<!tpu.dma_semaphore, #tpu.memory_space<semaphore_mem>>)
        } else {
        }
        %dma_wait3A_67 = arith.constant 0 : i32
        %dma_wait3A_68 = tpu.memref_slice %arg7[%mul3A_59, %dma_wait3A_67] : memref<32x128xi32, #tpu.memory_space<vmem>> -> memref<1x128xi32, #tpu.memory_space<vmem>>
        %dma_wait3A_69 = tpu.memref_squeeze %dma_wait3A_68 : memref<1x128xi32, #tpu.memory_space<vmem>> -> memref<128xi32, #tpu.memory_space<vmem>>
        %dma_wait3A_70 = arith.constant 0 : i32
        %dma_wait3A_71 = arith.constant 0 : i32
        %dma_wait3A_72 = tpu.memref_slice %arg2[%dma_wait3A_70, %dma_wait3A_71] : memref<20008x128xf32, #tpu.memory_space<hbm>> -> memref<20008x128xf32, #tpu.memory_space<hbm>>
        tpu.wait_indirect_dma semaphore(%arg12 : memref<!tpu.dma_semaphore, #tpu.memory_space<semaphore_mem>>) src(%dma_wait3A_72 : memref<20008x128xf32, #tpu.memory_space<hbm>>) dst(%arg9 : memref<128x128xf32, #tpu.memory_space<vmem>>)
        %dma_start3A_73 = arith.constant 0 : i32
        %dma_start3A_74 = tpu.memref_slice %arg8[%mul3A_59, %dma_start3A_73] : memref<32x128xi32, #tpu.memory_space<vmem>> -> memref<1x128xi32, #tpu.memory_space<vmem>>
        %dma_start3A_75 = tpu.memref_squeeze %dma_start3A_74 : memref<1x128xi32, #tpu.memory_space<vmem>> -> memref<128xi32, #tpu.memory_space<vmem>>
        %dma_start3A_76 = arith.constant 0 : i32
        %dma_start3A_77 = arith.constant 0 : i32
        %dma_start3A_78 = tpu.memref_slice %arg11[%dma_start3A_76, %dma_start3A_77] : memref<10112x128xf32, #tpu.memory_space<vmem_shared>> -> memref<10112x128xf32, #tpu.memory_space<vmem_shared>>
        tpu.enqueue_indirect_dma source(%arg9 : memref<128x128xf32, #tpu.memory_space<vmem>>) target(%dma_start3A_78 : memref<10112x128xf32, #tpu.memory_space<vmem_shared>>) offsets(%dma_start3A_75 : memref<128xi32, #tpu.memory_space<vmem>>) semaphore(%arg14 : memref<!tpu.dma_semaphore, #tpu.memory_space<semaphore_mem>>) {add = true}
        %mul3A_79 = arith.constant 2 : i32
        %mul3A_80 = arith.muli %mul3A_79, %scan3A_57 : i32
        %add3A_81 = arith.constant 1 : i32
        %add3A_82 = arith.addi %mul3A_80, %add3A_81 : i32
        %add3A_83 = arith.constant 1 : i32
        %add3A_84 = arith.addi %add3A_82, %add3A_83 : i32
        %lt3A_85 = arith.constant 32 : i32
        %lt3A_86 = arith.cmpi slt, %add3A_84, %lt3A_85 : i32
        %convert_element_type3A_87 = arith.extui %lt3A_86 : i1 to i32
        %cond3A_88 = arith.constant 0 : i32
        %cond3A_89 = arith.cmpi ne, %convert_element_type3A_87, %cond3A_88 : i32
        scf.if %cond3A_89 {
          %ge3A = arith.constant 1 : i32
          %ge3A_102 = arith.cmpi sge, %add3A_82, %ge3A : i32
          %convert_element_type3A_103 = arith.extui %ge3A_102 : i1 to i32
          %cond3A_104 = arith.constant 0 : i32
          %cond3A_105 = arith.cmpi ne, %convert_element_type3A_103, %cond3A_104 : i32
          scf.if %cond3A_105 {
            %dma_wait3A_126 = arith.constant 0 : i32
            %dma_wait3A_127 = tpu.memref_slice %arg8[%add3A_82, %dma_wait3A_126] : memref<32x128xi32, #tpu.memory_space<vmem>> -> memref<1x128xi32, #tpu.memory_space<vmem>>
            %dma_wait3A_128 = tpu.memref_squeeze %dma_wait3A_127 : memref<1x128xi32, #tpu.memory_space<vmem>> -> memref<128xi32, #tpu.memory_space<vmem>>
            %dma_wait3A_129 = arith.constant 0 : i32
            %dma_wait3A_130 = arith.constant 0 : i32
            %dma_wait3A_131 = tpu.memref_slice %arg11[%dma_wait3A_129, %dma_wait3A_130] : memref<10112x128xf32, #tpu.memory_space<vmem_shared>> -> memref<10112x128xf32, #tpu.memory_space<vmem_shared>>
            tpu.wait_indirect_dma semaphore(%arg14 : memref<!tpu.dma_semaphore, #tpu.memory_space<semaphore_mem>>) src(%arg9 : memref<128x128xf32, #tpu.memory_space<vmem>>) dst(%dma_wait3A_131 : memref<10112x128xf32, #tpu.memory_space<vmem_shared>>)
          } else {
          }
          %add3A_106 = arith.constant 1 : i32
          %add3A_107 = arith.addi %add3A_82, %add3A_106 : i32
          %dma_start3A_108 = arith.constant 0 : i32
          %dma_start3A_109 = arith.constant 0 : i32
          %dma_start3A_110 = tpu.memref_slice %arg9[%dma_start3A_108, %dma_start3A_109] : memref<128x128xf32, #tpu.memory_space<vmem>> -> memref<64x128xf32, #tpu.memory_space<vmem>>
          %dma_start3A_111 = arith.constant 0 : i32
          %dma_start3A_112 = tpu.memref_slice %arg7[%add3A_107, %dma_start3A_111] : memref<32x128xi32, #tpu.memory_space<vmem>> -> memref<1x64xi32, #tpu.memory_space<vmem>>
          %dma_start3A_113 = tpu.memref_squeeze %dma_start3A_112 : memref<1x64xi32, #tpu.memory_space<vmem>> -> memref<64xi32, #tpu.memory_space<vmem>>
          %dma_start3A_114 = arith.constant 0 : i32
          %dma_start3A_115 = arith.constant 0 : i32
          %dma_start3A_116 = tpu.memref_slice %arg2[%dma_start3A_114, %dma_start3A_115] : memref<20008x128xf32, #tpu.memory_space<hbm>> -> memref<20008x128xf32, #tpu.memory_space<hbm>>
          tpu.enqueue_indirect_dma source(%dma_start3A_116 : memref<20008x128xf32, #tpu.memory_space<hbm>>) target(%dma_start3A_110 : memref<64x128xf32, #tpu.memory_space<vmem>>) offsets(%dma_start3A_113 : memref<64xi32, #tpu.memory_space<vmem>>) semaphore(%arg12 : memref<!tpu.dma_semaphore, #tpu.memory_space<semaphore_mem>>)
          %dma_start3A_117 = arith.constant 64 : i32
          %dma_start3A_118 = arith.constant 0 : i32
          %dma_start3A_119 = tpu.memref_slice %arg9[%dma_start3A_117, %dma_start3A_118] : memref<128x128xf32, #tpu.memory_space<vmem>> -> memref<64x128xf32, #tpu.memory_space<vmem>>
          %dma_start3A_120 = arith.constant 64 : i32
          %dma_start3A_121 = tpu.memref_slice %arg7[%add3A_107, %dma_start3A_120] : memref<32x128xi32, #tpu.memory_space<vmem>> -> memref<1x64xi32, #tpu.memory_space<vmem>>
          %dma_start3A_122 = tpu.memref_squeeze %dma_start3A_121 : memref<1x64xi32, #tpu.memory_space<vmem>> -> memref<64xi32, #tpu.memory_space<vmem>>
          %dma_start3A_123 = arith.constant 0 : i32
          %dma_start3A_124 = arith.constant 0 : i32
          %dma_start3A_125 = tpu.memref_slice %arg2[%dma_start3A_123, %dma_start3A_124] : memref<20008x128xf32, #tpu.memory_space<hbm>> -> memref<20008x128xf32, #tpu.memory_space<hbm>>
          tpu.enqueue_indirect_dma source(%dma_start3A_125 : memref<20008x128xf32, #tpu.memory_space<hbm>>) target(%dma_start3A_119 : memref<64x128xf32, #tpu.memory_space<vmem>>) offsets(%dma_start3A_122 : memref<64xi32, #tpu.memory_space<vmem>>) semaphore(%arg12 : memref<!tpu.dma_semaphore, #tpu.memory_space<semaphore_mem>>)
        } else {
        }
        %dma_wait3A_90 = arith.constant 0 : i32
        %dma_wait3A_91 = tpu.memref_slice %arg7[%add3A_82, %dma_wait3A_90] : memref<32x128xi32, #tpu.memory_space<vmem>> -> memref<1x128xi32, #tpu.memory_space<vmem>>
        %dma_wait3A_92 = tpu.memref_squeeze %dma_wait3A_91 : memref<1x128xi32, #tpu.memory_space<vmem>> -> memref<128xi32, #tpu.memory_space<vmem>>
        %dma_wait3A_93 = arith.constant 0 : i32
        %dma_wait3A_94 = arith.constant 0 : i32
        %dma_wait3A_95 = tpu.memref_slice %arg2[%dma_wait3A_93, %dma_wait3A_94] : memref<20008x128xf32, #tpu.memory_space<hbm>> -> memref<20008x128xf32, #tpu.memory_space<hbm>>
        tpu.wait_indirect_dma semaphore(%arg13 : memref<!tpu.dma_semaphore, #tpu.memory_space<semaphore_mem>>) src(%dma_wait3A_95 : memref<20008x128xf32, #tpu.memory_space<hbm>>) dst(%arg10 : memref<128x128xf32, #tpu.memory_space<vmem>>)
        %dma_start3A_96 = arith.constant 0 : i32
        %dma_start3A_97 = tpu.memref_slice %arg8[%add3A_82, %dma_start3A_96] : memref<32x128xi32, #tpu.memory_space<vmem>> -> memref<1x128xi32, #tpu.memory_space<vmem>>
        %dma_start3A_98 = tpu.memref_squeeze %dma_start3A_97 : memref<1x128xi32, #tpu.memory_space<vmem>> -> memref<128xi32, #tpu.memory_space<vmem>>
        %dma_start3A_99 = arith.constant 0 : i32
        %dma_start3A_100 = arith.constant 0 : i32
        %dma_start3A_101 = tpu.memref_slice %arg11[%dma_start3A_99, %dma_start3A_100] : memref<10112x128xf32, #tpu.memory_space<vmem_shared>> -> memref<10112x128xf32, #tpu.memory_space<vmem_shared>>
        tpu.enqueue_indirect_dma source(%arg10 : memref<128x128xf32, #tpu.memory_space<vmem>>) target(%dma_start3A_101 : memref<10112x128xf32, #tpu.memory_space<vmem_shared>>) offsets(%dma_start3A_98 : memref<128xi32, #tpu.memory_space<vmem>>) semaphore(%arg15 : memref<!tpu.dma_semaphore, #tpu.memory_space<semaphore_mem>>) {add = true}
      }
      %scan3A_43 = arith.constant 16 : i32
      %dma_wait3A = arith.constant 0 : i32
      %dma_wait3A_44 = arith.constant 0 : i32
      %dma_wait3A_45 = tpu.memref_slice %arg8[%dma_wait3A, %dma_wait3A_44] : memref<32x128xi32, #tpu.memory_space<vmem>> -> memref<1x128xi32, #tpu.memory_space<vmem>>
      %dma_wait3A_46 = tpu.memref_squeeze %dma_wait3A_45 : memref<1x128xi32, #tpu.memory_space<vmem>> -> memref<128xi32, #tpu.memory_space<vmem>>
      %dma_wait3A_47 = arith.constant 0 : i32
      %dma_wait3A_48 = arith.constant 0 : i32
      %dma_wait3A_49 = tpu.memref_slice %arg11[%dma_wait3A_47, %dma_wait3A_48] : memref<10112x128xf32, #tpu.memory_space<vmem_shared>> -> memref<10112x128xf32, #tpu.memory_space<vmem_shared>>
      tpu.wait_indirect_dma semaphore(%arg14 : memref<!tpu.dma_semaphore, #tpu.memory_space<semaphore_mem>>) src(%arg9 : memref<128x128xf32, #tpu.memory_space<vmem>>) dst(%dma_wait3A_49 : memref<10112x128xf32, #tpu.memory_space<vmem_shared>>)
      %dma_wait3A_50 = arith.constant 0 : i32
      %dma_wait3A_51 = arith.constant 0 : i32
      %dma_wait3A_52 = tpu.memref_slice %arg8[%dma_wait3A_50, %dma_wait3A_51] : memref<32x128xi32, #tpu.memory_space<vmem>> -> memref<1x128xi32, #tpu.memory_space<vmem>>
      %dma_wait3A_53 = tpu.memref_squeeze %dma_wait3A_52 : memref<1x128xi32, #tpu.memory_space<vmem>> -> memref<128xi32, #tpu.memory_space<vmem>>
      %dma_wait3A_54 = arith.constant 0 : i32
      %dma_wait3A_55 = arith.constant 0 : i32
      %dma_wait3A_56 = tpu.memref_slice %arg11[%dma_wait3A_54, %dma_wait3A_55] : memref<10112x128xf32, #tpu.memory_space<vmem_shared>> -> memref<10112x128xf32, #tpu.memory_space<vmem_shared>>
      tpu.wait_indirect_dma semaphore(%arg15 : memref<!tpu.dma_semaphore, #tpu.memory_space<semaphore_mem>>) src(%arg10 : memref<128x128xf32, #tpu.memory_space<vmem>>) dst(%dma_wait3A_56 : memref<10112x128xf32, #tpu.memory_space<vmem_shared>>)
    }
    %scan3A_7 = arith.constant 5 : i32
    %barrier3A_8 = arith.constant 0 : index
    tpu.barrier barrier_id(%barrier3A_8)
    %lt3A = arith.constant 15 : i32
    %lt3A_9 = arith.cmpi slt, %arg1, %lt3A : i32
    %convert_element_type3A = arith.extui %lt3A_9 : i1 to i32
    %cond3A = arith.constant 0 : i32
    %cond3A_10 = arith.cmpi ne, %convert_element_type3A, %cond3A : i32
    scf.if %cond3A_10 {
      %mul3A_15 = arith.constant 624 : i32
      %mul3A_16 = arith.muli %arg1, %mul3A_15 : i32
      %mul3A_17 = arith.constant 10000 : i32
      %mul3A_18 = arith.muli %arg0, %mul3A_17 : i32
      %mul3A_19 = arith.constant 624 : i32
      %mul3A_20 = arith.muli %arg1, %mul3A_19 : i32
      %add3A_21 = arith.addi %mul3A_18, %mul3A_20 : i32
      "tpu.region"() ({
        %run_scoped3A = tpu.sem_alloc : memref<!tpu.dma_semaphore, #tpu.memory_space<semaphore_mem>>
        %dma_start3A = arith.constant 0 : i32
        %dma_start3A_22 = tpu.memref_slice %arg6[%add3A_21, %dma_start3A] : memref<20000x128xf32, #tpu.memory_space<hbm>> -> memref<624x128xf32, #tpu.memory_space<hbm>>
        %dma_start3A_23 = arith.constant 0 : i32
        %dma_start3A_24 = tpu.memref_slice %arg11[%mul3A_16, %dma_start3A_23] : memref<10112x128xf32, #tpu.memory_space<vmem_shared>> -> memref<624x128xf32, #tpu.memory_space<vmem_shared>>
        tpu.enqueue_dma source(%dma_start3A_24 : memref<624x128xf32, #tpu.memory_space<vmem_shared>>) target(%dma_start3A_22 : memref<624x128xf32, #tpu.memory_space<hbm>>) target_semaphore(%run_scoped3A : memref<!tpu.dma_semaphore, #tpu.memory_space<semaphore_mem>>)
        %dma_wait3A = arith.constant 0 : i32
        %dma_wait3A_25 = tpu.memref_slice %arg6[%add3A_21, %dma_wait3A] : memref<20000x128xf32, #tpu.memory_space<hbm>> -> memref<624x128xf32, #tpu.memory_space<hbm>>
        %dma_wait3A_26 = arith.constant 0 : i32
        %dma_wait3A_27 = tpu.memref_slice %arg11[%mul3A_16, %dma_wait3A_26] : memref<10112x128xf32, #tpu.memory_space<vmem_shared>> -> memref<624x128xf32, #tpu.memory_space<vmem_shared>>
        tpu.wait_dma2 semaphore(%run_scoped3A : memref<!tpu.dma_semaphore, #tpu.memory_space<semaphore_mem>>) src(%dma_wait3A_27 : memref<624x128xf32, #tpu.memory_space<vmem_shared>>) dst(%dma_wait3A_25 : memref<624x128xf32, #tpu.memory_space<hbm>>)
        tpu.yield
      }) : () -> ()
    } else {
    }
    %eq3A = arith.constant 15 : i32
    %eq3A_11 = arith.cmpi eq, %arg1, %eq3A : i32
    %convert_element_type3A_12 = arith.extui %eq3A_11 : i1 to i32
    %cond3A_13 = arith.constant 0 : i32
    %cond3A_14 = arith.cmpi ne, %convert_element_type3A_12, %cond3A_13 : i32
    scf.if %cond3A_14 {
      %mul3A_15 = arith.constant 10000 : i32
      %mul3A_16 = arith.muli %arg0, %mul3A_15 : i32
      %add3A_17 = arith.constant 9360 : i32
      %add3A_18 = arith.addi %mul3A_16, %add3A_17 : i32
      "tpu.region"() ({
        %run_scoped3A = tpu.sem_alloc : memref<!tpu.dma_semaphore, #tpu.memory_space<semaphore_mem>>
        %dma_start3A = arith.constant 0 : i32
        %dma_start3A_19 = tpu.memref_slice %arg6[%add3A_18, %dma_start3A] : memref<20000x128xf32, #tpu.memory_space<hbm>> -> memref<640x128xf32, #tpu.memory_space<hbm>>
        %dma_start3A_20 = arith.constant 9360 : i32
        %dma_start3A_21 = arith.constant 0 : i32
        %dma_start3A_22 = tpu.memref_slice %arg11[%dma_start3A_20, %dma_start3A_21] : memref<10112x128xf32, #tpu.memory_space<vmem_shared>> -> memref<640x128xf32, #tpu.memory_space<vmem_shared>>
        tpu.enqueue_dma source(%dma_start3A_22 : memref<640x128xf32, #tpu.memory_space<vmem_shared>>) target(%dma_start3A_19 : memref<640x128xf32, #tpu.memory_space<hbm>>) target_semaphore(%run_scoped3A : memref<!tpu.dma_semaphore, #tpu.memory_space<semaphore_mem>>)
        %dma_wait3A = arith.constant 0 : i32
        %dma_wait3A_23 = tpu.memref_slice %arg6[%add3A_18, %dma_wait3A] : memref<20000x128xf32, #tpu.memory_space<hbm>> -> memref<640x128xf32, #tpu.memory_space<hbm>>
        %dma_wait3A_24 = arith.constant 9360 : i32
        %dma_wait3A_25 = arith.constant 0 : i32
        %dma_wait3A_26 = tpu.memref_slice %arg11[%dma_wait3A_24, %dma_wait3A_25] : memref<10112x128xf32, #tpu.memory_space<vmem_shared>> -> memref<640x128xf32, #tpu.memory_space<vmem_shared>>
        tpu.wait_dma2 semaphore(%run_scoped3A : memref<!tpu.dma_semaphore, #tpu.memory_space<semaphore_mem>>) src(%dma_wait3A_26 : memref<640x128xf32, #tpu.memory_space<vmem_shared>>) dst(%dma_wait3A_23 : memref<640x128xf32, #tpu.memory_space<hbm>>)
        tpu.yield
      }) : () -> ()
    } else {
    }
    return
  }
}

#map = affine_map<(d0, d1) -> (0, 0)>
#map1 = affine_map<(d0, d1) -> (0, 0, 0)>
module attributes {stable_mosaic.version = 14 : i64} {
  func.func @_sc_scatter(%arg0: i32, %arg1: i32, %arg2: memref<20008x128xf32, #tpu.memory_space<hbm>>, %arg3: memref<32x160x128xi32, #tpu.memory_space<hbm>>, %arg4: memref<16x160x128xi32, #tpu.memory_space<hbm>>, %arg5: memref<632x128xf32, #tpu.memory_space<hbm>>, %arg6: memref<20000x128xf32, #tpu.memory_space<hbm>>, %arg7: memref<32x128xi32, #tpu.memory_space<vmem>>, %arg8: memref<32x128xi32, #tpu.memory_space<vmem>>, %arg9: memref<128x128xf32, #tpu.memory_space<vmem>>, %arg10: memref<128x128xf32, #tpu.memory_space<vmem>>, %arg11: memref<10112x128xf32, #tpu.memory_space<vmem_shared>>, %arg12: memref<!tpu.dma_semaphore, #tpu.memory_space<semaphore_mem>>, %arg13: memref<!tpu.dma_semaphore, #tpu.memory_space<semaphore_mem>>, %arg14: memref<!tpu.dma_semaphore, #tpu.memory_space<semaphore_mem>>, %arg15: memref<!tpu.dma_semaphore, #tpu.memory_space<semaphore_mem>>) attributes {dimension_semantics = [#tpu.dimension_semantics<core_parallel>, #tpu.dimension_semantics<subcore_parallel>], iteration_bounds = array<i64: 2, 16>, scalar_prefetch = 0 : i64, scratch_operands = 9 : i64, tpu.core_type = #tpu.core_type<sc_vector_subcore>, window_params = [{transform_indices = #map}, {transform_indices = #map1}, {transform_indices = #map1}, {transform_indices = #map}, {transform_indices = #map}]} {
    %mul3A = arith.constant 16 : i32
    %mul3A_0 = arith.muli %arg0, %mul3A : i32
    %add3A = arith.addi %mul3A_0, %arg1 : i32
    %mul3A_1 = arith.constant 632 : i32
    %mul3A_2 = arith.muli %arg1, %mul3A_1 : i32
    "tpu.region"() ({
      %run_scoped3A = tpu.sem_alloc : memref<!tpu.dma_semaphore, #tpu.memory_space<semaphore_mem>>
      %dma_start3A = arith.constant 0 : i32
      %dma_start3A_15 = tpu.memref_slice %arg11[%mul3A_2, %dma_start3A] : memref<10112x128xf32, #tpu.memory_space<vmem_shared>> -> memref<632x128xf32, #tpu.memory_space<vmem_shared>>
      tpu.enqueue_dma source(%arg5 : memref<632x128xf32, #tpu.memory_space<hbm>>) target(%dma_start3A_15 : memref<632x128xf32, #tpu.memory_space<vmem_shared>>) target_semaphore(%run_scoped3A : memref<!tpu.dma_semaphore, #tpu.memory_space<semaphore_mem>>)
      %dma_wait3A = arith.constant 0 : i32
      %dma_wait3A_16 = tpu.memref_slice %arg11[%mul3A_2, %dma_wait3A] : memref<10112x128xf32, #tpu.memory_space<vmem_shared>> -> memref<632x128xf32, #tpu.memory_space<vmem_shared>>
      tpu.wait_dma2 semaphore(%run_scoped3A : memref<!tpu.dma_semaphore, #tpu.memory_space<semaphore_mem>>) src(%arg5 : memref<632x128xf32, #tpu.memory_space<hbm>>) dst(%dma_wait3A_16 : memref<632x128xf32, #tpu.memory_space<vmem_shared>>)
      tpu.yield
    }) : () -> ()
    %barrier3A = arith.constant 0 : index
    tpu.barrier barrier_id(%barrier3A)
    %scan3A = arith.constant 0 : i32
    %scan3A_3 = arith.constant 0 : i32
    %scan3A_4 = arith.constant 5 : i32
    %scan3A_5 = arith.addi %scan3A_3, %scan3A_4 : i32
    %scan3A_6 = arith.constant 1 : i32
    scf.for %scan3A_15 = %scan3A_3 to %scan3A_5 step %scan3A_6  : i32 {
      %mul3A_16 = arith.constant 32 : i32
      %mul3A_17 = arith.muli %scan3A_15, %mul3A_16 : i32
      "tpu.region"() ({
        %run_scoped3A = tpu.sem_alloc : memref<!tpu.dma_semaphore, #tpu.memory_space<semaphore_mem>>
        %dma_start3A_57 = arith.constant 0 : i32
        %dma_start3A_58 = tpu.memref_slice %arg3[%add3A, %mul3A_17, %dma_start3A_57] : memref<32x160x128xi32, #tpu.memory_space<hbm>> -> memref<1x32x128xi32, #tpu.memory_space<hbm>>
        %dma_start3A_59 = tpu.memref_squeeze %dma_start3A_58 : memref<1x32x128xi32, #tpu.memory_space<hbm>> -> memref<32x128xi32, #tpu.memory_space<hbm>>
        %dma_start3A_60 = arith.constant 0 : i32
        %dma_start3A_61 = tpu.memref_slice %arg3[%add3A, %mul3A_17, %dma_start3A_60] : memref<32x160x128xi32, #tpu.memory_space<hbm>> -> memref<1x32x128xi32, #tpu.memory_space<hbm>>
        %dma_start3A_62 = tpu.memref_squeeze %dma_start3A_61 : memref<1x32x128xi32, #tpu.memory_space<hbm>> -> memref<32x128xi32, #tpu.memory_space<hbm>>
        tpu.enqueue_dma source(%dma_start3A_62 : memref<32x128xi32, #tpu.memory_space<hbm>>) target(%arg7 : memref<32x128xi32, #tpu.memory_space<vmem>>) target_semaphore(%run_scoped3A : memref<!tpu.dma_semaphore, #tpu.memory_space<semaphore_mem>>)
        %dma_wait3A_63 = arith.constant 0 : i32
        %dma_wait3A_64 = tpu.memref_slice %arg3[%add3A, %mul3A_17, %dma_wait3A_63] : memref<32x160x128xi32, #tpu.memory_space<hbm>> -> memref<1x32x128xi32, #tpu.memory_space<hbm>>
        %dma_wait3A_65 = tpu.memref_squeeze %dma_wait3A_64 : memref<1x32x128xi32, #tpu.memory_space<hbm>> -> memref<32x128xi32, #tpu.memory_space<hbm>>
        %dma_wait3A_66 = arith.constant 0 : i32
        %dma_wait3A_67 = tpu.memref_slice %arg3[%add3A, %mul3A_17, %dma_wait3A_66] : memref<32x160x128xi32, #tpu.memory_space<hbm>> -> memref<1x32x128xi32, #tpu.memory_space<hbm>>
        %dma_wait3A_68 = tpu.memref_squeeze %dma_wait3A_67 : memref<1x32x128xi32, #tpu.memory_space<hbm>> -> memref<32x128xi32, #tpu.memory_space<hbm>>
        tpu.wait_dma2 semaphore(%run_scoped3A : memref<!tpu.dma_semaphore, #tpu.memory_space<semaphore_mem>>) src(%dma_wait3A_68 : memref<32x128xi32, #tpu.memory_space<hbm>>) dst(%arg7 : memref<32x128xi32, #tpu.memory_space<vmem>>)
        tpu.yield
      }) : () -> ()
      %mul3A_18 = arith.constant 32 : i32
      %mul3A_19 = arith.muli %scan3A_15, %mul3A_18 : i32
      "tpu.region"() ({
        %run_scoped3A = tpu.sem_alloc : memref<!tpu.dma_semaphore, #tpu.memory_space<semaphore_mem>>
        %dma_start3A_57 = arith.constant 0 : i32
        %dma_start3A_58 = tpu.memref_slice %arg4[%arg1, %mul3A_19, %dma_start3A_57] : memref<16x160x128xi32, #tpu.memory_space<hbm>> -> memref<1x32x128xi32, #tpu.memory_space<hbm>>
        %dma_start3A_59 = tpu.memref_squeeze %dma_start3A_58 : memref<1x32x128xi32, #tpu.memory_space<hbm>> -> memref<32x128xi32, #tpu.memory_space<hbm>>
        %dma_start3A_60 = arith.constant 0 : i32
        %dma_start3A_61 = tpu.memref_slice %arg4[%arg1, %mul3A_19, %dma_start3A_60] : memref<16x160x128xi32, #tpu.memory_space<hbm>> -> memref<1x32x128xi32, #tpu.memory_space<hbm>>
        %dma_start3A_62 = tpu.memref_squeeze %dma_start3A_61 : memref<1x32x128xi32, #tpu.memory_space<hbm>> -> memref<32x128xi32, #tpu.memory_space<hbm>>
        tpu.enqueue_dma source(%dma_start3A_62 : memref<32x128xi32, #tpu.memory_space<hbm>>) target(%arg8 : memref<32x128xi32, #tpu.memory_space<vmem>>) target_semaphore(%run_scoped3A : memref<!tpu.dma_semaphore, #tpu.memory_space<semaphore_mem>>)
        %dma_wait3A_63 = arith.constant 0 : i32
        %dma_wait3A_64 = tpu.memref_slice %arg4[%arg1, %mul3A_19, %dma_wait3A_63] : memref<16x160x128xi32, #tpu.memory_space<hbm>> -> memref<1x32x128xi32, #tpu.memory_space<hbm>>
        %dma_wait3A_65 = tpu.memref_squeeze %dma_wait3A_64 : memref<1x32x128xi32, #tpu.memory_space<hbm>> -> memref<32x128xi32, #tpu.memory_space<hbm>>
        %dma_wait3A_66 = arith.constant 0 : i32
        %dma_wait3A_67 = tpu.memref_slice %arg4[%arg1, %mul3A_19, %dma_wait3A_66] : memref<16x160x128xi32, #tpu.memory_space<hbm>> -> memref<1x32x128xi32, #tpu.memory_space<hbm>>
        %dma_wait3A_68 = tpu.memref_squeeze %dma_wait3A_67 : memref<1x32x128xi32, #tpu.memory_space<hbm>> -> memref<32x128xi32, #tpu.memory_space<hbm>>
        tpu.wait_dma2 semaphore(%run_scoped3A : memref<!tpu.dma_semaphore, #tpu.memory_space<semaphore_mem>>) src(%dma_wait3A_68 : memref<32x128xi32, #tpu.memory_space<hbm>>) dst(%arg8 : memref<32x128xi32, #tpu.memory_space<vmem>>)
        tpu.yield
      }) : () -> ()
      %dma_start3A = arith.constant 0 : i32
      %dma_start3A_20 = arith.constant 0 : i32
      %dma_start3A_21 = arith.constant 0 : i32
      %dma_start3A_22 = tpu.memref_slice %arg9[%dma_start3A_20, %dma_start3A_21] : memref<128x128xf32, #tpu.memory_space<vmem>> -> memref<64x128xf32, #tpu.memory_space<vmem>>
      %dma_start3A_23 = arith.constant 0 : i32
      %dma_start3A_24 = tpu.memref_slice %arg7[%dma_start3A, %dma_start3A_23] : memref<32x128xi32, #tpu.memory_space<vmem>> -> memref<1x64xi32, #tpu.memory_space<vmem>>
      %dma_start3A_25 = tpu.memref_squeeze %dma_start3A_24 : memref<1x64xi32, #tpu.memory_space<vmem>> -> memref<64xi32, #tpu.memory_space<vmem>>
      %dma_start3A_26 = arith.constant 0 : i32
      %dma_start3A_27 = arith.constant 0 : i32
      %dma_start3A_28 = tpu.memref_slice %arg2[%dma_start3A_26, %dma_start3A_27] : memref<20008x128xf32, #tpu.memory_space<hbm>> -> memref<20008x128xf32, #tpu.memory_space<hbm>>
      tpu.enqueue_indirect_dma source(%dma_start3A_28 : memref<20008x128xf32, #tpu.memory_space<hbm>>) target(%dma_start3A_22 : memref<64x128xf32, #tpu.memory_space<vmem>>) offsets(%dma_start3A_25 : memref<64xi32, #tpu.memory_space<vmem>>) semaphore(%arg12 : memref<!tpu.dma_semaphore, #tpu.memory_space<semaphore_mem>>)
      %dma_start3A_29 = arith.constant 0 : i32
      %dma_start3A_30 = arith.constant 64 : i32
      %dma_start3A_31 = arith.constant 0 : i32
      %dma_start3A_32 = tpu.memref_slice %arg9[%dma_start3A_30, %dma_start3A_31] : memref<128x128xf32, #tpu.memory_space<vmem>> -> memref<64x128xf32, #tpu.memory_space<vmem>>
      %dma_start3A_33 = arith.constant 64 : i32
      %dma_start3A_34 = tpu.memref_slice %arg7[%dma_start3A_29, %dma_start3A_33] : memref<32x128xi32, #tpu.memory_space<vmem>> -> memref<1x64xi32, #tpu.memory_space<vmem>>
      %dma_start3A_35 = tpu.memref_squeeze %dma_start3A_34 : memref<1x64xi32, #tpu.memory_space<vmem>> -> memref<64xi32, #tpu.memory_space<vmem>>
      %dma_start3A_36 = arith.constant 0 : i32
      %dma_start3A_37 = arith.constant 0 : i32
      %dma_start3A_38 = tpu.memref_slice %arg2[%dma_start3A_36, %dma_start3A_37] : memref<20008x128xf32, #tpu.memory_space<hbm>> -> memref<20008x128xf32, #tpu.memory_space<hbm>>
      tpu.enqueue_indirect_dma source(%dma_start3A_38 : memref<20008x128xf32, #tpu.memory_space<hbm>>) target(%dma_start3A_32 : memref<64x128xf32, #tpu.memory_space<vmem>>) offsets(%dma_start3A_35 : memref<64xi32, #tpu.memory_space<vmem>>) semaphore(%arg12 : memref<!tpu.dma_semaphore, #tpu.memory_space<semaphore_mem>>)
      %scan3A_39 = arith.constant 0 : i32
      %scan3A_40 = arith.constant 16 : i32
      %scan3A_41 = arith.addi %scan3A_39, %scan3A_40 : i32
      %scan3A_42 = arith.constant 1 : i32
      scf.for %scan3A_57 = %scan3A_39 to %scan3A_41 step %scan3A_42  : i32 {
        %mul3A_58 = arith.constant 2 : i32
        %mul3A_59 = arith.muli %mul3A_58, %scan3A_57 : i32
        %add3A_60 = arith.constant 1 : i32
        %add3A_61 = arith.addi %mul3A_59, %add3A_60 : i32
        %lt3A_62 = arith.constant 32 : i32
        %lt3A_63 = arith.cmpi slt, %add3A_61, %lt3A_62 : i32
        %convert_element_type3A_64 = arith.extui %lt3A_63 : i1 to i32
        %cond3A_65 = arith.constant 0 : i32
        %cond3A_66 = arith.cmpi ne, %convert_element_type3A_64, %cond3A_65 : i32
        scf.if %cond3A_66 {
          %ge3A = arith.constant 1 : i32
          %ge3A_102 = arith.cmpi sge, %mul3A_59, %ge3A : i32
          %convert_element_type3A_103 = arith.extui %ge3A_102 : i1 to i32
          %cond3A_104 = arith.constant 0 : i32
          %cond3A_105 = arith.cmpi ne, %convert_element_type3A_103, %cond3A_104 : i32
          scf.if %cond3A_105 {
            %dma_wait3A_126 = arith.constant 0 : i32
            %dma_wait3A_127 = tpu.memref_slice %arg8[%mul3A_59, %dma_wait3A_126] : memref<32x128xi32, #tpu.memory_space<vmem>> -> memref<1x128xi32, #tpu.memory_space<vmem>>
            %dma_wait3A_128 = tpu.memref_squeeze %dma_wait3A_127 : memref<1x128xi32, #tpu.memory_space<vmem>> -> memref<128xi32, #tpu.memory_space<vmem>>
            %dma_wait3A_129 = arith.constant 0 : i32
            %dma_wait3A_130 = arith.constant 0 : i32
            %dma_wait3A_131 = tpu.memref_slice %arg11[%dma_wait3A_129, %dma_wait3A_130] : memref<10112x128xf32, #tpu.memory_space<vmem_shared>> -> memref<10112x128xf32, #tpu.memory_space<vmem_shared>>
            tpu.wait_indirect_dma semaphore(%arg15 : memref<!tpu.dma_semaphore, #tpu.memory_space<semaphore_mem>>) src(%arg10 : memref<128x128xf32, #tpu.memory_space<vmem>>) dst(%dma_wait3A_131 : memref<10112x128xf32, #tpu.memory_space<vmem_shared>>)
          } else {
          }
          %add3A_106 = arith.constant 1 : i32
          %add3A_107 = arith.addi %mul3A_59, %add3A_106 : i32
          %dma_start3A_108 = arith.constant 0 : i32
          %dma_start3A_109 = arith.constant 0 : i32
          %dma_start3A_110 = tpu.memref_slice %arg10[%dma_start3A_108, %dma_start3A_109] : memref<128x128xf32, #tpu.memory_space<vmem>> -> memref<64x128xf32, #tpu.memory_space<vmem>>
          %dma_start3A_111 = arith.constant 0 : i32
          %dma_start3A_112 = tpu.memref_slice %arg7[%add3A_107, %dma_start3A_111] : memref<32x128xi32, #tpu.memory_space<vmem>> -> memref<1x64xi32, #tpu.memory_space<vmem>>
          %dma_start3A_113 = tpu.memref_squeeze %dma_start3A_112 : memref<1x64xi32, #tpu.memory_space<vmem>> -> memref<64xi32, #tpu.memory_space<vmem>>
          %dma_start3A_114 = arith.constant 0 : i32
          %dma_start3A_115 = arith.constant 0 : i32
          %dma_start3A_116 = tpu.memref_slice %arg2[%dma_start3A_114, %dma_start3A_115] : memref<20008x128xf32, #tpu.memory_space<hbm>> -> memref<20008x128xf32, #tpu.memory_space<hbm>>
          tpu.enqueue_indirect_dma source(%dma_start3A_116 : memref<20008x128xf32, #tpu.memory_space<hbm>>) target(%dma_start3A_110 : memref<64x128xf32, #tpu.memory_space<vmem>>) offsets(%dma_start3A_113 : memref<64xi32, #tpu.memory_space<vmem>>) semaphore(%arg13 : memref<!tpu.dma_semaphore, #tpu.memory_space<semaphore_mem>>)
          %dma_start3A_117 = arith.constant 64 : i32
          %dma_start3A_118 = arith.constant 0 : i32
          %dma_start3A_119 = tpu.memref_slice %arg10[%dma_start3A_117, %dma_start3A_118] : memref<128x128xf32, #tpu.memory_space<vmem>> -> memref<64x128xf32, #tpu.memory_space<vmem>>
          %dma_start3A_120 = arith.constant 64 : i32
          %dma_start3A_121 = tpu.memref_slice %arg7[%add3A_107, %dma_start3A_120] : memref<32x128xi32, #tpu.memory_space<vmem>> -> memref<1x64xi32, #tpu.memory_space<vmem>>
          %dma_start3A_122 = tpu.memref_squeeze %dma_start3A_121 : memref<1x64xi32, #tpu.memory_space<vmem>> -> memref<64xi32, #tpu.memory_space<vmem>>
          %dma_start3A_123 = arith.constant 0 : i32
          %dma_start3A_124 = arith.constant 0 : i32
          %dma_start3A_125 = tpu.memref_slice %arg2[%dma_start3A_123, %dma_start3A_124] : memref<20008x128xf32, #tpu.memory_space<hbm>> -> memref<20008x128xf32, #tpu.memory_space<hbm>>
          tpu.enqueue_indirect_dma source(%dma_start3A_125 : memref<20008x128xf32, #tpu.memory_space<hbm>>) target(%dma_start3A_119 : memref<64x128xf32, #tpu.memory_space<vmem>>) offsets(%dma_start3A_122 : memref<64xi32, #tpu.memory_space<vmem>>) semaphore(%arg13 : memref<!tpu.dma_semaphore, #tpu.memory_space<semaphore_mem>>)
        } else {
        }
        %dma_wait3A_67 = arith.constant 0 : i32
        %dma_wait3A_68 = tpu.memref_slice %arg7[%mul3A_59, %dma_wait3A_67] : memref<32x128xi32, #tpu.memory_space<vmem>> -> memref<1x128xi32, #tpu.memory_space<vmem>>
        %dma_wait3A_69 = tpu.memref_squeeze %dma_wait3A_68 : memref<1x128xi32, #tpu.memory_space<vmem>> -> memref<128xi32, #tpu.memory_space<vmem>>
        %dma_wait3A_70 = arith.constant 0 : i32
        %dma_wait3A_71 = arith.constant 0 : i32
        %dma_wait3A_72 = tpu.memref_slice %arg2[%dma_wait3A_70, %dma_wait3A_71] : memref<20008x128xf32, #tpu.memory_space<hbm>> -> memref<20008x128xf32, #tpu.memory_space<hbm>>
        tpu.wait_indirect_dma semaphore(%arg12 : memref<!tpu.dma_semaphore, #tpu.memory_space<semaphore_mem>>) src(%dma_wait3A_72 : memref<20008x128xf32, #tpu.memory_space<hbm>>) dst(%arg9 : memref<128x128xf32, #tpu.memory_space<vmem>>)
        %dma_start3A_73 = arith.constant 0 : i32
        %dma_start3A_74 = tpu.memref_slice %arg8[%mul3A_59, %dma_start3A_73] : memref<32x128xi32, #tpu.memory_space<vmem>> -> memref<1x128xi32, #tpu.memory_space<vmem>>
        %dma_start3A_75 = tpu.memref_squeeze %dma_start3A_74 : memref<1x128xi32, #tpu.memory_space<vmem>> -> memref<128xi32, #tpu.memory_space<vmem>>
        %dma_start3A_76 = arith.constant 0 : i32
        %dma_start3A_77 = arith.constant 0 : i32
        %dma_start3A_78 = tpu.memref_slice %arg11[%dma_start3A_76, %dma_start3A_77] : memref<10112x128xf32, #tpu.memory_space<vmem_shared>> -> memref<10112x128xf32, #tpu.memory_space<vmem_shared>>
        tpu.enqueue_indirect_dma source(%arg9 : memref<128x128xf32, #tpu.memory_space<vmem>>) target(%dma_start3A_78 : memref<10112x128xf32, #tpu.memory_space<vmem_shared>>) offsets(%dma_start3A_75 : memref<128xi32, #tpu.memory_space<vmem>>) semaphore(%arg14 : memref<!tpu.dma_semaphore, #tpu.memory_space<semaphore_mem>>) {add = true}
        %mul3A_79 = arith.constant 2 : i32
        %mul3A_80 = arith.muli %mul3A_79, %scan3A_57 : i32
        %add3A_81 = arith.constant 1 : i32
        %add3A_82 = arith.addi %mul3A_80, %add3A_81 : i32
        %add3A_83 = arith.constant 1 : i32
        %add3A_84 = arith.addi %add3A_82, %add3A_83 : i32
        %lt3A_85 = arith.constant 32 : i32
        %lt3A_86 = arith.cmpi slt, %add3A_84, %lt3A_85 : i32
        %convert_element_type3A_87 = arith.extui %lt3A_86 : i1 to i32
        %cond3A_88 = arith.constant 0 : i32
        %cond3A_89 = arith.cmpi ne, %convert_element_type3A_87, %cond3A_88 : i32
        scf.if %cond3A_89 {
          %ge3A = arith.constant 1 : i32
          %ge3A_102 = arith.cmpi sge, %add3A_82, %ge3A : i32
          %convert_element_type3A_103 = arith.extui %ge3A_102 : i1 to i32
          %cond3A_104 = arith.constant 0 : i32
          %cond3A_105 = arith.cmpi ne, %convert_element_type3A_103, %cond3A_104 : i32
          scf.if %cond3A_105 {
            %dma_wait3A_126 = arith.constant 0 : i32
            %dma_wait3A_127 = tpu.memref_slice %arg8[%add3A_82, %dma_wait3A_126] : memref<32x128xi32, #tpu.memory_space<vmem>> -> memref<1x128xi32, #tpu.memory_space<vmem>>
            %dma_wait3A_128 = tpu.memref_squeeze %dma_wait3A_127 : memref<1x128xi32, #tpu.memory_space<vmem>> -> memref<128xi32, #tpu.memory_space<vmem>>
            %dma_wait3A_129 = arith.constant 0 : i32
            %dma_wait3A_130 = arith.constant 0 : i32
            %dma_wait3A_131 = tpu.memref_slice %arg11[%dma_wait3A_129, %dma_wait3A_130] : memref<10112x128xf32, #tpu.memory_space<vmem_shared>> -> memref<10112x128xf32, #tpu.memory_space<vmem_shared>>
            tpu.wait_indirect_dma semaphore(%arg14 : memref<!tpu.dma_semaphore, #tpu.memory_space<semaphore_mem>>) src(%arg9 : memref<128x128xf32, #tpu.memory_space<vmem>>) dst(%dma_wait3A_131 : memref<10112x128xf32, #tpu.memory_space<vmem_shared>>)
          } else {
          }
          %add3A_106 = arith.constant 1 : i32
          %add3A_107 = arith.addi %add3A_82, %add3A_106 : i32
          %dma_start3A_108 = arith.constant 0 : i32
          %dma_start3A_109 = arith.constant 0 : i32
          %dma_start3A_110 = tpu.memref_slice %arg9[%dma_start3A_108, %dma_start3A_109] : memref<128x128xf32, #tpu.memory_space<vmem>> -> memref<64x128xf32, #tpu.memory_space<vmem>>
          %dma_start3A_111 = arith.constant 0 : i32
          %dma_start3A_112 = tpu.memref_slice %arg7[%add3A_107, %dma_start3A_111] : memref<32x128xi32, #tpu.memory_space<vmem>> -> memref<1x64xi32, #tpu.memory_space<vmem>>
          %dma_start3A_113 = tpu.memref_squeeze %dma_start3A_112 : memref<1x64xi32, #tpu.memory_space<vmem>> -> memref<64xi32, #tpu.memory_space<vmem>>
          %dma_start3A_114 = arith.constant 0 : i32
          %dma_start3A_115 = arith.constant 0 : i32
          %dma_start3A_116 = tpu.memref_slice %arg2[%dma_start3A_114, %dma_start3A_115] : memref<20008x128xf32, #tpu.memory_space<hbm>> -> memref<20008x128xf32, #tpu.memory_space<hbm>>
          tpu.enqueue_indirect_dma source(%dma_start3A_116 : memref<20008x128xf32, #tpu.memory_space<hbm>>) target(%dma_start3A_110 : memref<64x128xf32, #tpu.memory_space<vmem>>) offsets(%dma_start3A_113 : memref<64xi32, #tpu.memory_space<vmem>>) semaphore(%arg12 : memref<!tpu.dma_semaphore, #tpu.memory_space<semaphore_mem>>)
          %dma_start3A_117 = arith.constant 64 : i32
          %dma_start3A_118 = arith.constant 0 : i32
          %dma_start3A_119 = tpu.memref_slice %arg9[%dma_start3A_117, %dma_start3A_118] : memref<128x128xf32, #tpu.memory_space<vmem>> -> memref<64x128xf32, #tpu.memory_space<vmem>>
          %dma_start3A_120 = arith.constant 64 : i32
          %dma_start3A_121 = tpu.memref_slice %arg7[%add3A_107, %dma_start3A_120] : memref<32x128xi32, #tpu.memory_space<vmem>> -> memref<1x64xi32, #tpu.memory_space<vmem>>
          %dma_start3A_122 = tpu.memref_squeeze %dma_start3A_121 : memref<1x64xi32, #tpu.memory_space<vmem>> -> memref<64xi32, #tpu.memory_space<vmem>>
          %dma_start3A_123 = arith.constant 0 : i32
          %dma_start3A_124 = arith.constant 0 : i32
          %dma_start3A_125 = tpu.memref_slice %arg2[%dma_start3A_123, %dma_start3A_124] : memref<20008x128xf32, #tpu.memory_space<hbm>> -> memref<20008x128xf32, #tpu.memory_space<hbm>>
          tpu.enqueue_indirect_dma source(%dma_start3A_125 : memref<20008x128xf32, #tpu.memory_space<hbm>>) target(%dma_start3A_119 : memref<64x128xf32, #tpu.memory_space<vmem>>) offsets(%dma_start3A_122 : memref<64xi32, #tpu.memory_space<vmem>>) semaphore(%arg12 : memref<!tpu.dma_semaphore, #tpu.memory_space<semaphore_mem>>)
        } else {
        }
        %dma_wait3A_90 = arith.constant 0 : i32
        %dma_wait3A_91 = tpu.memref_slice %arg7[%add3A_82, %dma_wait3A_90] : memref<32x128xi32, #tpu.memory_space<vmem>> -> memref<1x128xi32, #tpu.memory_space<vmem>>
        %dma_wait3A_92 = tpu.memref_squeeze %dma_wait3A_91 : memref<1x128xi32, #tpu.memory_space<vmem>> -> memref<128xi32, #tpu.memory_space<vmem>>
        %dma_wait3A_93 = arith.constant 0 : i32
        %dma_wait3A_94 = arith.constant 0 : i32
        %dma_wait3A_95 = tpu.memref_slice %arg2[%dma_wait3A_93, %dma_wait3A_94] : memref<20008x128xf32, #tpu.memory_space<hbm>> -> memref<20008x128xf32, #tpu.memory_space<hbm>>
        tpu.wait_indirect_dma semaphore(%arg13 : memref<!tpu.dma_semaphore, #tpu.memory_space<semaphore_mem>>) src(%dma_wait3A_95 : memref<20008x128xf32, #tpu.memory_space<hbm>>) dst(%arg10 : memref<128x128xf32, #tpu.memory_space<vmem>>)
        %dma_start3A_96 = arith.constant 0 : i32
        %dma_start3A_97 = tpu.memref_slice %arg8[%add3A_82, %dma_start3A_96] : memref<32x128xi32, #tpu.memory_space<vmem>> -> memref<1x128xi32, #tpu.memory_space<vmem>>
        %dma_start3A_98 = tpu.memref_squeeze %dma_start3A_97 : memref<1x128xi32, #tpu.memory_space<vmem>> -> memref<128xi32, #tpu.memory_space<vmem>>
        %dma_start3A_99 = arith.constant 0 : i32
        %dma_start3A_100 = arith.constant 0 : i32
        %dma_start3A_101 = tpu.memref_slice %arg11[%dma_start3A_99, %dma_start3A_100] : memref<10112x128xf32, #tpu.memory_space<vmem_shared>> -> memref<10112x128xf32, #tpu.memory_space<vmem_shared>>
        tpu.enqueue_indirect_dma source(%arg10 : memref<128x128xf32, #tpu.memory_space<vmem>>) target(%dma_start3A_101 : memref<10112x128xf32, #tpu.memory_space<vmem_shared>>) offsets(%dma_start3A_98 : memref<128xi32, #tpu.memory_space<vmem>>) semaphore(%arg15 : memref<!tpu.dma_semaphore, #tpu.memory_space<semaphore_mem>>) {add = true}
      }
      %scan3A_43 = arith.constant 16 : i32
      %dma_wait3A = arith.constant 0 : i32
      %dma_wait3A_44 = arith.constant 0 : i32
      %dma_wait3A_45 = tpu.memref_slice %arg8[%dma_wait3A, %dma_wait3A_44] : memref<32x128xi32, #tpu.memory_space<vmem>> -> memref<1x128xi32, #tpu.memory_space<vmem>>
      %dma_wait3A_46 = tpu.memref_squeeze %dma_wait3A_45 : memref<1x128xi32, #tpu.memory_space<vmem>> -> memref<128xi32, #tpu.memory_space<vmem>>
      %dma_wait3A_47 = arith.constant 0 : i32
      %dma_wait3A_48 = arith.constant 0 : i32
      %dma_wait3A_49 = tpu.memref_slice %arg11[%dma_wait3A_47, %dma_wait3A_48] : memref<10112x128xf32, #tpu.memory_space<vmem_shared>> -> memref<10112x128xf32, #tpu.memory_space<vmem_shared>>
      tpu.wait_indirect_dma semaphore(%arg14 : memref<!tpu.dma_semaphore, #tpu.memory_space<semaphore_mem>>) src(%arg9 : memref<128x128xf32, #tpu.memory_space<vmem>>) dst(%dma_wait3A_49 : memref<10112x128xf32, #tpu.memory_space<vmem_shared>>)
      %dma_wait3A_50 = arith.constant 0 : i32
      %dma_wait3A_51 = arith.constant 0 : i32
      %dma_wait3A_52 = tpu.memref_slice %arg8[%dma_wait3A_50, %dma_wait3A_51] : memref<32x128xi32, #tpu.memory_space<vmem>> -> memref<1x128xi32, #tpu.memory_space<vmem>>
      %dma_wait3A_53 = tpu.memref_squeeze %dma_wait3A_52 : memref<1x128xi32, #tpu.memory_space<vmem>> -> memref<128xi32, #tpu.memory_space<vmem>>
      %dma_wait3A_54 = arith.constant 0 : i32
      %dma_wait3A_55 = arith.constant 0 : i32
      %dma_wait3A_56 = tpu.memref_slice %arg11[%dma_wait3A_54, %dma_wait3A_55] : memref<10112x128xf32, #tpu.memory_space<vmem_shared>> -> memref<10112x128xf32, #tpu.memory_space<vmem_shared>>
      tpu.wait_indirect_dma semaphore(%arg15 : memref<!tpu.dma_semaphore, #tpu.memory_space<semaphore_mem>>) src(%arg10 : memref<128x128xf32, #tpu.memory_space<vmem>>) dst(%dma_wait3A_56 : memref<10112x128xf32, #tpu.memory_space<vmem_shared>>)
    }
    %scan3A_7 = arith.constant 5 : i32
    %barrier3A_8 = arith.constant 0 : index
    tpu.barrier barrier_id(%barrier3A_8)
    %lt3A = arith.constant 15 : i32
    %lt3A_9 = arith.cmpi slt, %arg1, %lt3A : i32
    %convert_element_type3A = arith.extui %lt3A_9 : i1 to i32
    %cond3A = arith.constant 0 : i32
    %cond3A_10 = arith.cmpi ne, %convert_element_type3A, %cond3A : i32
    scf.if %cond3A_10 {
      %mul3A_15 = arith.constant 624 : i32
      %mul3A_16 = arith.muli %arg1, %mul3A_15 : i32
      %mul3A_17 = arith.constant 10000 : i32
      %mul3A_18 = arith.muli %arg0, %mul3A_17 : i32
      %mul3A_19 = arith.constant 624 : i32
      %mul3A_20 = arith.muli %arg1, %mul3A_19 : i32
      %add3A_21 = arith.addi %mul3A_18, %mul3A_20 : i32
      "tpu.region"() ({
        %run_scoped3A = tpu.sem_alloc : memref<!tpu.dma_semaphore, #tpu.memory_space<semaphore_mem>>
        %dma_start3A = arith.constant 0 : i32
        %dma_start3A_22 = tpu.memref_slice %arg6[%add3A_21, %dma_start3A] : memref<20000x128xf32, #tpu.memory_space<hbm>> -> memref<624x128xf32, #tpu.memory_space<hbm>>
        %dma_start3A_23 = arith.constant 0 : i32
        %dma_start3A_24 = tpu.memref_slice %arg11[%mul3A_16, %dma_start3A_23] : memref<10112x128xf32, #tpu.memory_space<vmem_shared>> -> memref<624x128xf32, #tpu.memory_space<vmem_shared>>
        tpu.enqueue_dma source(%dma_start3A_24 : memref<624x128xf32, #tpu.memory_space<vmem_shared>>) target(%dma_start3A_22 : memref<624x128xf32, #tpu.memory_space<hbm>>) target_semaphore(%run_scoped3A : memref<!tpu.dma_semaphore, #tpu.memory_space<semaphore_mem>>)
        %dma_wait3A = arith.constant 0 : i32
        %dma_wait3A_25 = tpu.memref_slice %arg6[%add3A_21, %dma_wait3A] : memref<20000x128xf32, #tpu.memory_space<hbm>> -> memref<624x128xf32, #tpu.memory_space<hbm>>
        %dma_wait3A_26 = arith.constant 0 : i32
        %dma_wait3A_27 = tpu.memref_slice %arg11[%mul3A_16, %dma_wait3A_26] : memref<10112x128xf32, #tpu.memory_space<vmem_shared>> -> memref<624x128xf32, #tpu.memory_space<vmem_shared>>
        tpu.wait_dma2 semaphore(%run_scoped3A : memref<!tpu.dma_semaphore, #tpu.memory_space<semaphore_mem>>) src(%dma_wait3A_27 : memref<624x128xf32, #tpu.memory_space<vmem_shared>>) dst(%dma_wait3A_25 : memref<624x128xf32, #tpu.memory_space<hbm>>)
        tpu.yield
      }) : () -> ()
    } else {
    }
    %eq3A = arith.constant 15 : i32
    %eq3A_11 = arith.cmpi eq, %arg1, %eq3A : i32
    %convert_element_type3A_12 = arith.extui %eq3A_11 : i1 to i32
    %cond3A_13 = arith.constant 0 : i32
    %cond3A_14 = arith.cmpi ne, %convert_element_type3A_12, %cond3A_13 : i32
    scf.if %cond3A_14 {
      %mul3A_15 = arith.constant 10000 : i32
      %mul3A_16 = arith.muli %arg0, %mul3A_15 : i32
      %add3A_17 = arith.constant 9360 : i32
      %add3A_18 = arith.addi %mul3A_16, %add3A_17 : i32
      "tpu.region"() ({
        %run_scoped3A = tpu.sem_alloc : memref<!tpu.dma_semaphore, #tpu.memory_space<semaphore_mem>>
        %dma_start3A = arith.constant 0 : i32
        %dma_start3A_19 = tpu.memref_slice %arg6[%add3A_18, %dma_start3A] : memref<20000x128xf32, #tpu.memory_space<hbm>> -> memref<640x128xf32, #tpu.memory_space<hbm>>
        %dma_start3A_20 = arith.constant 9360 : i32
        %dma_start3A_21 = arith.constant 0 : i32
        %dma_start3A_22 = tpu.memref_slice %arg11[%dma_start3A_20, %dma_start3A_21] : memref<10112x128xf32, #tpu.memory_space<vmem_shared>> -> memref<640x128xf32, #tpu.memory_space<vmem_shared>>
        tpu.enqueue_dma source(%dma_start3A_22 : memref<640x128xf32, #tpu.memory_space<vmem_shared>>) target(%dma_start3A_19 : memref<640x128xf32, #tpu.memory_space<hbm>>) target_semaphore(%run_scoped3A : memref<!tpu.dma_semaphore, #tpu.memory_space<semaphore_mem>>)
        %dma_wait3A = arith.constant 0 : i32
        %dma_wait3A_23 = tpu.memref_slice %arg6[%add3A_18, %dma_wait3A] : memref<20000x128xf32, #tpu.memory_space<hbm>> -> memref<640x128xf32, #tpu.memory_space<hbm>>
        %dma_wait3A_24 = arith.constant 9360 : i32
        %dma_wait3A_25 = arith.constant 0 : i32
        %dma_wait3A_26 = tpu.memref_slice %arg11[%dma_wait3A_24, %dma_wait3A_25] : memref<10112x128xf32, #tpu.memory_space<vmem_shared>> -> memref<640x128xf32, #tpu.memory_space<vmem_shared>>
        tpu.wait_dma2 semaphore(%run_scoped3A : memref<!tpu.dma_semaphore, #tpu.memory_space<semaphore_mem>>) src(%dma_wait3A_26 : memref<640x128xf32, #tpu.memory_space<vmem_shared>>) dst(%dma_wait3A_23 : memref<640x128xf32, #tpu.memory_space<hbm>>)
        tpu.yield
      }) : () -> ()
    } else {
    }
    return
  }
}

#map = affine_map<(d0, d1) -> (0, 0, 0)>
#map1 = affine_map<(d0, d1) -> (0, 0)>
module attributes {stable_mosaic.version = 14 : i64} {
  func.func @_sc_deg(%arg0: i32, %arg1: i32, %arg2: memref<16x160x128xi32, #tpu.memory_space<hbm>>, %arg3: memref<128x128xf32, #tpu.memory_space<hbm>>, %arg4: memref<632x128xf32, #tpu.memory_space<hbm>>, %arg5: memref<20000x128xf32, #tpu.memory_space<hbm>>, %arg6: memref<160x128xi32, #tpu.memory_space<vmem>>, %arg7: memref<128x128xf32, #tpu.memory_space<vmem>>, %arg8: memref<10112x128xf32, #tpu.memory_space<vmem_shared>>, %arg9: memref<!tpu.dma_semaphore, #tpu.memory_space<semaphore_mem>>) attributes {dimension_semantics = [#tpu.dimension_semantics<core_parallel>, #tpu.dimension_semantics<subcore_parallel>], iteration_bounds = array<i64: 2, 16>, scalar_prefetch = 0 : i64, scratch_operands = 4 : i64, tpu.core_type = #tpu.core_type<sc_vector_subcore>, window_params = [{transform_indices = #map}, {transform_indices = #map1}, {transform_indices = #map1}, {transform_indices = #map1}]} {
    %mul3A = arith.constant 632 : i32
    %mul3A_0 = arith.muli %arg1, %mul3A : i32
    "tpu.region"() ({
      %run_scoped3A = tpu.sem_alloc : memref<!tpu.dma_semaphore, #tpu.memory_space<semaphore_mem>>
      %dma_start3A = arith.constant 0 : i32
      %dma_start3A_15 = tpu.memref_slice %arg8[%mul3A_0, %dma_start3A] : memref<10112x128xf32, #tpu.memory_space<vmem_shared>> -> memref<632x128xf32, #tpu.memory_space<vmem_shared>>
      tpu.enqueue_dma source(%arg4 : memref<632x128xf32, #tpu.memory_space<hbm>>) target(%dma_start3A_15 : memref<632x128xf32, #tpu.memory_space<vmem_shared>>) target_semaphore(%run_scoped3A : memref<!tpu.dma_semaphore, #tpu.memory_space<semaphore_mem>>)
      %dma_wait3A = arith.constant 0 : i32
      %dma_wait3A_16 = tpu.memref_slice %arg8[%mul3A_0, %dma_wait3A] : memref<10112x128xf32, #tpu.memory_space<vmem_shared>> -> memref<632x128xf32, #tpu.memory_space<vmem_shared>>
      tpu.wait_dma2 semaphore(%run_scoped3A : memref<!tpu.dma_semaphore, #tpu.memory_space<semaphore_mem>>) src(%arg4 : memref<632x128xf32, #tpu.memory_space<hbm>>) dst(%dma_wait3A_16 : memref<632x128xf32, #tpu.memory_space<vmem_shared>>)
      tpu.yield
    }) : () -> ()
    "tpu.region"() ({
      %run_scoped3A = tpu.sem_alloc : memref<!tpu.dma_semaphore, #tpu.memory_space<semaphore_mem>>
      %dma_start3A = arith.constant 0 : i32
      %dma_start3A_15 = arith.constant 0 : i32
      %dma_start3A_16 = tpu.memref_slice %arg2[%arg1, %dma_start3A, %dma_start3A_15] : memref<16x160x128xi32, #tpu.memory_space<hbm>> -> memref<1x160x128xi32, #tpu.memory_space<hbm>>
      %dma_start3A_17 = tpu.memref_squeeze %dma_start3A_16 : memref<1x160x128xi32, #tpu.memory_space<hbm>> -> memref<160x128xi32, #tpu.memory_space<hbm>>
      %dma_start3A_18 = arith.constant 0 : i32
      %dma_start3A_19 = arith.constant 0 : i32
      %dma_start3A_20 = tpu.memref_slice %arg2[%arg1, %dma_start3A_18, %dma_start3A_19] : memref<16x160x128xi32, #tpu.memory_space<hbm>> -> memref<1x160x128xi32, #tpu.memory_space<hbm>>
      %dma_start3A_21 = tpu.memref_squeeze %dma_start3A_20 : memref<1x160x128xi32, #tpu.memory_space<hbm>> -> memref<160x128xi32, #tpu.memory_space<hbm>>
      tpu.enqueue_dma source(%dma_start3A_21 : memref<160x128xi32, #tpu.memory_space<hbm>>) target(%arg6 : memref<160x128xi32, #tpu.memory_space<vmem>>) target_semaphore(%run_scoped3A : memref<!tpu.dma_semaphore, #tpu.memory_space<semaphore_mem>>)
      %dma_wait3A = arith.constant 0 : i32
      %dma_wait3A_22 = arith.constant 0 : i32
      %dma_wait3A_23 = tpu.memref_slice %arg2[%arg1, %dma_wait3A, %dma_wait3A_22] : memref<16x160x128xi32, #tpu.memory_space<hbm>> -> memref<1x160x128xi32, #tpu.memory_space<hbm>>
      %dma_wait3A_24 = tpu.memref_squeeze %dma_wait3A_23 : memref<1x160x128xi32, #tpu.memory_space<hbm>> -> memref<160x128xi32, #tpu.memory_space<hbm>>
      %dma_wait3A_25 = arith.constant 0 : i32
      %dma_wait3A_26 = arith.constant 0 : i32
      %dma_wait3A_27 = tpu.memref_slice %arg2[%arg1, %dma_wait3A_25, %dma_wait3A_26] : memref<16x160x128xi32, #tpu.memory_space<hbm>> -> memref<1x160x128xi32, #tpu.memory_space<hbm>>
      %dma_wait3A_28 = tpu.memref_squeeze %dma_wait3A_27 : memref<1x160x128xi32, #tpu.memory_space<hbm>> -> memref<160x128xi32, #tpu.memory_space<hbm>>
      tpu.wait_dma2 semaphore(%run_scoped3A : memref<!tpu.dma_semaphore, #tpu.memory_space<semaphore_mem>>) src(%dma_wait3A_28 : memref<160x128xi32, #tpu.memory_space<hbm>>) dst(%arg6 : memref<160x128xi32, #tpu.memory_space<vmem>>)
      tpu.yield
    }) : () -> ()
    "tpu.region"() ({
      %run_scoped3A = tpu.sem_alloc : memref<!tpu.dma_semaphore, #tpu.memory_space<semaphore_mem>>
      tpu.enqueue_dma source(%arg3 : memref<128x128xf32, #tpu.memory_space<hbm>>) target(%arg7 : memref<128x128xf32, #tpu.memory_space<vmem>>) target_semaphore(%run_scoped3A : memref<!tpu.dma_semaphore, #tpu.memory_space<semaphore_mem>>)
      tpu.wait_dma2 semaphore(%run_scoped3A : memref<!tpu.dma_semaphore, #tpu.memory_space<semaphore_mem>>) src(%arg3 : memref<128x128xf32, #tpu.memory_space<hbm>>) dst(%arg7 : memref<128x128xf32, #tpu.memory_space<vmem>>)
      tpu.yield
    }) : () -> ()
    %barrier3A = arith.constant 0 : index
    tpu.barrier barrier_id(%barrier3A)
    %mul3A_1 = arith.constant 80 : i32
    %mul3A_2 = arith.muli %arg0, %mul3A_1 : i32
    %scan3A = arith.constant 0 : i32
    %scan3A_3 = arith.constant 0 : i32
    %scan3A_4 = arith.constant 10 : i32
    %scan3A_5 = arith.addi %scan3A_3, %scan3A_4 : i32
    %scan3A_6 = arith.constant 1 : i32
    scf.for %scan3A_15 = %scan3A_3 to %scan3A_5 step %scan3A_6  : i32 {
      %mul3A_16 = arith.constant 8 : i32
      %mul3A_17 = arith.muli %scan3A_15, %mul3A_16 : i32
      %add3A = arith.addi %mul3A_2, %mul3A_17 : i32
      %add3A_18 = arith.constant 0 : i32
      %add3A_19 = arith.addi %add3A, %add3A_18 : i32
      %dma_start3A = arith.constant 0 : i32
      %dma_start3A_20 = tpu.memref_slice %arg6[%add3A_19, %dma_start3A] : memref<160x128xi32, #tpu.memory_space<vmem>> -> memref<1x128xi32, #tpu.memory_space<vmem>>
      %dma_start3A_21 = tpu.memref_squeeze %dma_start3A_20 : memref<1x128xi32, #tpu.memory_space<vmem>> -> memref<128xi32, #tpu.memory_space<vmem>>
      %dma_start3A_22 = arith.constant 0 : i32
      %dma_start3A_23 = arith.constant 0 : i32
      %dma_start3A_24 = tpu.memref_slice %arg8[%dma_start3A_22, %dma_start3A_23] : memref<10112x128xf32, #tpu.memory_space<vmem_shared>> -> memref<10112x128xf32, #tpu.memory_space<vmem_shared>>
      tpu.enqueue_indirect_dma source(%arg7 : memref<128x128xf32, #tpu.memory_space<vmem>>) target(%dma_start3A_24 : memref<10112x128xf32, #tpu.memory_space<vmem_shared>>) offsets(%dma_start3A_21 : memref<128xi32, #tpu.memory_space<vmem>>) semaphore(%arg9 : memref<!tpu.dma_semaphore, #tpu.memory_space<semaphore_mem>>) {add = true}
      %add3A_25 = arith.constant 1 : i32
      %add3A_26 = arith.addi %add3A, %add3A_25 : i32
      %dma_start3A_27 = arith.constant 0 : i32
      %dma_start3A_28 = tpu.memref_slice %arg6[%add3A_26, %dma_start3A_27] : memref<160x128xi32, #tpu.memory_space<vmem>> -> memref<1x128xi32, #tpu.memory_space<vmem>>
      %dma_start3A_29 = tpu.memref_squeeze %dma_start3A_28 : memref<1x128xi32, #tpu.memory_space<vmem>> -> memref<128xi32, #tpu.memory_space<vmem>>
      %dma_start3A_30 = arith.constant 0 : i32
      %dma_start3A_31 = arith.constant 0 : i32
      %dma_start3A_32 = tpu.memref_slice %arg8[%dma_start3A_30, %dma_start3A_31] : memref<10112x128xf32, #tpu.memory_space<vmem_shared>> -> memref<10112x128xf32, #tpu.memory_space<vmem_shared>>
      tpu.enqueue_indirect_dma source(%arg7 : memref<128x128xf32, #tpu.memory_space<vmem>>) target(%dma_start3A_32 : memref<10112x128xf32, #tpu.memory_space<vmem_shared>>) offsets(%dma_start3A_29 : memref<128xi32, #tpu.memory_space<vmem>>) semaphore(%arg9 : memref<!tpu.dma_semaphore, #tpu.memory_space<semaphore_mem>>) {add = true}
      %add3A_33 = arith.constant 2 : i32
      %add3A_34 = arith.addi %add3A, %add3A_33 : i32
      %dma_start3A_35 = arith.constant 0 : i32
      %dma_start3A_36 = tpu.memref_slice %arg6[%add3A_34, %dma_start3A_35] : memref<160x128xi32, #tpu.memory_space<vmem>> -> memref<1x128xi32, #tpu.memory_space<vmem>>
      %dma_start3A_37 = tpu.memref_squeeze %dma_start3A_36 : memref<1x128xi32, #tpu.memory_space<vmem>> -> memref<128xi32, #tpu.memory_space<vmem>>
      %dma_start3A_38 = arith.constant 0 : i32
      %dma_start3A_39 = arith.constant 0 : i32
      %dma_start3A_40 = tpu.memref_slice %arg8[%dma_start3A_38, %dma_start3A_39] : memref<10112x128xf32, #tpu.memory_space<vmem_shared>> -> memref<10112x128xf32, #tpu.memory_space<vmem_shared>>
      tpu.enqueue_indirect_dma source(%arg7 : memref<128x128xf32, #tpu.memory_space<vmem>>) target(%dma_start3A_40 : memref<10112x128xf32, #tpu.memory_space<vmem_shared>>) offsets(%dma_start3A_37 : memref<128xi32, #tpu.memory_space<vmem>>) semaphore(%arg9 : memref<!tpu.dma_semaphore, #tpu.memory_space<semaphore_mem>>) {add = true}
      %add3A_41 = arith.constant 3 : i32
      %add3A_42 = arith.addi %add3A, %add3A_41 : i32
      %dma_start3A_43 = arith.constant 0 : i32
      %dma_start3A_44 = tpu.memref_slice %arg6[%add3A_42, %dma_start3A_43] : memref<160x128xi32, #tpu.memory_space<vmem>> -> memref<1x128xi32, #tpu.memory_space<vmem>>
      %dma_start3A_45 = tpu.memref_squeeze %dma_start3A_44 : memref<1x128xi32, #tpu.memory_space<vmem>> -> memref<128xi32, #tpu.memory_space<vmem>>
      %dma_start3A_46 = arith.constant 0 : i32
      %dma_start3A_47 = arith.constant 0 : i32
      %dma_start3A_48 = tpu.memref_slice %arg8[%dma_start3A_46, %dma_start3A_47] : memref<10112x128xf32, #tpu.memory_space<vmem_shared>> -> memref<10112x128xf32, #tpu.memory_space<vmem_shared>>
      tpu.enqueue_indirect_dma source(%arg7 : memref<128x128xf32, #tpu.memory_space<vmem>>) target(%dma_start3A_48 : memref<10112x128xf32, #tpu.memory_space<vmem_shared>>) offsets(%dma_start3A_45 : memref<128xi32, #tpu.memory_space<vmem>>) semaphore(%arg9 : memref<!tpu.dma_semaphore, #tpu.memory_space<semaphore_mem>>) {add = true}
      %add3A_49 = arith.constant 4 : i32
      %add3A_50 = arith.addi %add3A, %add3A_49 : i32
      %dma_start3A_51 = arith.constant 0 : i32
      %dma_start3A_52 = tpu.memref_slice %arg6[%add3A_50, %dma_start3A_51] : memref<160x128xi32, #tpu.memory_space<vmem>> -> memref<1x128xi32, #tpu.memory_space<vmem>>
      %dma_start3A_53 = tpu.memref_squeeze %dma_start3A_52 : memref<1x128xi32, #tpu.memory_space<vmem>> -> memref<128xi32, #tpu.memory_space<vmem>>
      %dma_start3A_54 = arith.constant 0 : i32
      %dma_start3A_55 = arith.constant 0 : i32
      %dma_start3A_56 = tpu.memref_slice %arg8[%dma_start3A_54, %dma_start3A_55] : memref<10112x128xf32, #tpu.memory_space<vmem_shared>> -> memref<10112x128xf32, #tpu.memory_space<vmem_shared>>
      tpu.enqueue_indirect_dma source(%arg7 : memref<128x128xf32, #tpu.memory_space<vmem>>) target(%dma_start3A_56 : memref<10112x128xf32, #tpu.memory_space<vmem_shared>>) offsets(%dma_start3A_53 : memref<128xi32, #tpu.memory_space<vmem>>) semaphore(%arg9 : memref<!tpu.dma_semaphore, #tpu.memory_space<semaphore_mem>>) {add = true}
      %add3A_57 = arith.constant 5 : i32
      %add3A_58 = arith.addi %add3A, %add3A_57 : i32
      %dma_start3A_59 = arith.constant 0 : i32
      %dma_start3A_60 = tpu.memref_slice %arg6[%add3A_58, %dma_start3A_59] : memref<160x128xi32, #tpu.memory_space<vmem>> -> memref<1x128xi32, #tpu.memory_space<vmem>>
      %dma_start3A_61 = tpu.memref_squeeze %dma_start3A_60 : memref<1x128xi32, #tpu.memory_space<vmem>> -> memref<128xi32, #tpu.memory_space<vmem>>
      %dma_start3A_62 = arith.constant 0 : i32
      %dma_start3A_63 = arith.constant 0 : i32
      %dma_start3A_64 = tpu.memref_slice %arg8[%dma_start3A_62, %dma_start3A_63] : memref<10112x128xf32, #tpu.memory_space<vmem_shared>> -> memref<10112x128xf32, #tpu.memory_space<vmem_shared>>
      tpu.enqueue_indirect_dma source(%arg7 : memref<128x128xf32, #tpu.memory_space<vmem>>) target(%dma_start3A_64 : memref<10112x128xf32, #tpu.memory_space<vmem_shared>>) offsets(%dma_start3A_61 : memref<128xi32, #tpu.memory_space<vmem>>) semaphore(%arg9 : memref<!tpu.dma_semaphore, #tpu.memory_space<semaphore_mem>>) {add = true}
      %add3A_65 = arith.constant 6 : i32
      %add3A_66 = arith.addi %add3A, %add3A_65 : i32
      %dma_start3A_67 = arith.constant 0 : i32
      %dma_start3A_68 = tpu.memref_slice %arg6[%add3A_66, %dma_start3A_67] : memref<160x128xi32, #tpu.memory_space<vmem>> -> memref<1x128xi32, #tpu.memory_space<vmem>>
      %dma_start3A_69 = tpu.memref_squeeze %dma_start3A_68 : memref<1x128xi32, #tpu.memory_space<vmem>> -> memref<128xi32, #tpu.memory_space<vmem>>
      %dma_start3A_70 = arith.constant 0 : i32
      %dma_start3A_71 = arith.constant 0 : i32
      %dma_start3A_72 = tpu.memref_slice %arg8[%dma_start3A_70, %dma_start3A_71] : memref<10112x128xf32, #tpu.memory_space<vmem_shared>> -> memref<10112x128xf32, #tpu.memory_space<vmem_shared>>
      tpu.enqueue_indirect_dma source(%arg7 : memref<128x128xf32, #tpu.memory_space<vmem>>) target(%dma_start3A_72 : memref<10112x128xf32, #tpu.memory_space<vmem_shared>>) offsets(%dma_start3A_69 : memref<128xi32, #tpu.memory_space<vmem>>) semaphore(%arg9 : memref<!tpu.dma_semaphore, #tpu.memory_space<semaphore_mem>>) {add = true}
      %add3A_73 = arith.constant 7 : i32
      %add3A_74 = arith.addi %add3A, %add3A_73 : i32
      %dma_start3A_75 = arith.constant 0 : i32
      %dma_start3A_76 = tpu.memref_slice %arg6[%add3A_74, %dma_start3A_75] : memref<160x128xi32, #tpu.memory_space<vmem>> -> memref<1x128xi32, #tpu.memory_space<vmem>>
      %dma_start3A_77 = tpu.memref_squeeze %dma_start3A_76 : memref<1x128xi32, #tpu.memory_space<vmem>> -> memref<128xi32, #tpu.memory_space<vmem>>
      %dma_start3A_78 = arith.constant 0 : i32
      %dma_start3A_79 = arith.constant 0 : i32
      %dma_start3A_80 = tpu.memref_slice %arg8[%dma_start3A_78, %dma_start3A_79] : memref<10112x128xf32, #tpu.memory_space<vmem_shared>> -> memref<10112x128xf32, #tpu.memory_space<vmem_shared>>
      tpu.enqueue_indirect_dma source(%arg7 : memref<128x128xf32, #tpu.memory_space<vmem>>) target(%dma_start3A_80 : memref<10112x128xf32, #tpu.memory_space<vmem_shared>>) offsets(%dma_start3A_77 : memref<128xi32, #tpu.memory_space<vmem>>) semaphore(%arg9 : memref<!tpu.dma_semaphore, #tpu.memory_space<semaphore_mem>>) {add = true}
      %dma_wait3A = arith.constant 0 : i32
      %dma_wait3A_81 = tpu.memref_slice %arg6[%add3A, %dma_wait3A] : memref<160x128xi32, #tpu.memory_space<vmem>> -> memref<1x128xi32, #tpu.memory_space<vmem>>
      %dma_wait3A_82 = tpu.memref_squeeze %dma_wait3A_81 : memref<1x128xi32, #tpu.memory_space<vmem>> -> memref<128xi32, #tpu.memory_space<vmem>>
      %dma_wait3A_83 = arith.constant 0 : i32
      %dma_wait3A_84 = arith.constant 0 : i32
      %dma_wait3A_85 = tpu.memref_slice %arg8[%dma_wait3A_83, %dma_wait3A_84] : memref<10112x128xf32, #tpu.memory_space<vmem_shared>> -> memref<10112x128xf32, #tpu.memory_space<vmem_shared>>
      tpu.wait_indirect_dma semaphore(%arg9 : memref<!tpu.dma_semaphore, #tpu.memory_space<semaphore_mem>>) src(%arg7 : memref<128x128xf32, #tpu.memory_space<vmem>>) dst(%dma_wait3A_85 : memref<10112x128xf32, #tpu.memory_space<vmem_shared>>)
      %dma_wait3A_86 = arith.constant 0 : i32
      %dma_wait3A_87 = tpu.memref_slice %arg6[%add3A, %dma_wait3A_86] : memref<160x128xi32, #tpu.memory_space<vmem>> -> memref<1x128xi32, #tpu.memory_space<vmem>>
      %dma_wait3A_88 = tpu.memref_squeeze %dma_wait3A_87 : memref<1x128xi32, #tpu.memory_space<vmem>> -> memref<128xi32, #tpu.memory_space<vmem>>
      %dma_wait3A_89 = arith.constant 0 : i32
      %dma_wait3A_90 = arith.constant 0 : i32
      %dma_wait3A_91 = tpu.memref_slice %arg8[%dma_wait3A_89, %dma_wait3A_90] : memref<10112x128xf32, #tpu.memory_space<vmem_shared>> -> memref<10112x128xf32, #tpu.memory_space<vmem_shared>>
      tpu.wait_indirect_dma semaphore(%arg9 : memref<!tpu.dma_semaphore, #tpu.memory_space<semaphore_mem>>) src(%arg7 : memref<128x128xf32, #tpu.memory_space<vmem>>) dst(%dma_wait3A_91 : memref<10112x128xf32, #tpu.memory_space<vmem_shared>>)
      %dma_wait3A_92 = arith.constant 0 : i32
      %dma_wait3A_93 = tpu.memref_slice %arg6[%add3A, %dma_wait3A_92] : memref<160x128xi32, #tpu.memory_space<vmem>> -> memref<1x128xi32, #tpu.memory_space<vmem>>
      %dma_wait3A_94 = tpu.memref_squeeze %dma_wait3A_93 : memref<1x128xi32, #tpu.memory_space<vmem>> -> memref<128xi32, #tpu.memory_space<vmem>>
      %dma_wait3A_95 = arith.constant 0 : i32
      %dma_wait3A_96 = arith.constant 0 : i32
      %dma_wait3A_97 = tpu.memref_slice %arg8[%dma_wait3A_95, %dma_wait3A_96] : memref<10112x128xf32, #tpu.memory_space<vmem_shared>> -> memref<10112x128xf32, #tpu.memory_space<vmem_shared>>
      tpu.wait_indirect_dma semaphore(%arg9 : memref<!tpu.dma_semaphore, #tpu.memory_space<semaphore_mem>>) src(%arg7 : memref<128x128xf32, #tpu.memory_space<vmem>>) dst(%dma_wait3A_97 : memref<10112x128xf32, #tpu.memory_space<vmem_shared>>)
      %dma_wait3A_98 = arith.constant 0 : i32
      %dma_wait3A_99 = tpu.memref_slice %arg6[%add3A, %dma_wait3A_98] : memref<160x128xi32, #tpu.memory_space<vmem>> -> memref<1x128xi32, #tpu.memory_space<vmem>>
      %dma_wait3A_100 = tpu.memref_squeeze %dma_wait3A_99 : memref<1x128xi32, #tpu.memory_space<vmem>> -> memref<128xi32, #tpu.memory_space<vmem>>
      %dma_wait3A_101 = arith.constant 0 : i32
      %dma_wait3A_102 = arith.constant 0 : i32
      %dma_wait3A_103 = tpu.memref_slice %arg8[%dma_wait3A_101, %dma_wait3A_102] : memref<10112x128xf32, #tpu.memory_space<vmem_shared>> -> memref<10112x128xf32, #tpu.memory_space<vmem_shared>>
      tpu.wait_indirect_dma semaphore(%arg9 : memref<!tpu.dma_semaphore, #tpu.memory_space<semaphore_mem>>) src(%arg7 : memref<128x128xf32, #tpu.memory_space<vmem>>) dst(%dma_wait3A_103 : memref<10112x128xf32, #tpu.memory_space<vmem_shared>>)
      %dma_wait3A_104 = arith.constant 0 : i32
      %dma_wait3A_105 = tpu.memref_slice %arg6[%add3A, %dma_wait3A_104] : memref<160x128xi32, #tpu.memory_space<vmem>> -> memref<1x128xi32, #tpu.memory_space<vmem>>
      %dma_wait3A_106 = tpu.memref_squeeze %dma_wait3A_105 : memref<1x128xi32, #tpu.memory_space<vmem>> -> memref<128xi32, #tpu.memory_space<vmem>>
      %dma_wait3A_107 = arith.constant 0 : i32
      %dma_wait3A_108 = arith.constant 0 : i32
      %dma_wait3A_109 = tpu.memref_slice %arg8[%dma_wait3A_107, %dma_wait3A_108] : memref<10112x128xf32, #tpu.memory_space<vmem_shared>> -> memref<10112x128xf32, #tpu.memory_space<vmem_shared>>
      tpu.wait_indirect_dma semaphore(%arg9 : memref<!tpu.dma_semaphore, #tpu.memory_space<semaphore_mem>>) src(%arg7 : memref<128x128xf32, #tpu.memory_space<vmem>>) dst(%dma_wait3A_109 : memref<10112x128xf32, #tpu.memory_space<vmem_shared>>)
      %dma_wait3A_110 = arith.constant 0 : i32
      %dma_wait3A_111 = tpu.memref_slice %arg6[%add3A, %dma_wait3A_110] : memref<160x128xi32, #tpu.memory_space<vmem>> -> memref<1x128xi32, #tpu.memory_space<vmem>>
      %dma_wait3A_112 = tpu.memref_squeeze %dma_wait3A_111 : memref<1x128xi32, #tpu.memory_space<vmem>> -> memref<128xi32, #tpu.memory_space<vmem>>
      %dma_wait3A_113 = arith.constant 0 : i32
      %dma_wait3A_114 = arith.constant 0 : i32
      %dma_wait3A_115 = tpu.memref_slice %arg8[%dma_wait3A_113, %dma_wait3A_114] : memref<10112x128xf32, #tpu.memory_space<vmem_shared>> -> memref<10112x128xf32, #tpu.memory_space<vmem_shared>>
      tpu.wait_indirect_dma semaphore(%arg9 : memref<!tpu.dma_semaphore, #tpu.memory_space<semaphore_mem>>) src(%arg7 : memref<128x128xf32, #tpu.memory_space<vmem>>) dst(%dma_wait3A_115 : memref<10112x128xf32, #tpu.memory_space<vmem_shared>>)
      %dma_wait3A_116 = arith.constant 0 : i32
      %dma_wait3A_117 = tpu.memref_slice %arg6[%add3A, %dma_wait3A_116] : memref<160x128xi32, #tpu.memory_space<vmem>> -> memref<1x128xi32, #tpu.memory_space<vmem>>
      %dma_wait3A_118 = tpu.memref_squeeze %dma_wait3A_117 : memref<1x128xi32, #tpu.memory_space<vmem>> -> memref<128xi32, #tpu.memory_space<vmem>>
      %dma_wait3A_119 = arith.constant 0 : i32
      %dma_wait3A_120 = arith.constant 0 : i32
      %dma_wait3A_121 = tpu.memref_slice %arg8[%dma_wait3A_119, %dma_wait3A_120] : memref<10112x128xf32, #tpu.memory_space<vmem_shared>> -> memref<10112x128xf32, #tpu.memory_space<vmem_shared>>
      tpu.wait_indirect_dma semaphore(%arg9 : memref<!tpu.dma_semaphore, #tpu.memory_space<semaphore_mem>>) src(%arg7 : memref<128x128xf32, #tpu.memory_space<vmem>>) dst(%dma_wait3A_121 : memref<10112x128xf32, #tpu.memory_space<vmem_shared>>)
      %dma_wait3A_122 = arith.constant 0 : i32
      %dma_wait3A_123 = tpu.memref_slice %arg6[%add3A, %dma_wait3A_122] : memref<160x128xi32, #tpu.memory_space<vmem>> -> memref<1x128xi32, #tpu.memory_space<vmem>>
      %dma_wait3A_124 = tpu.memref_squeeze %dma_wait3A_123 : memref<1x128xi32, #tpu.memory_space<vmem>> -> memref<128xi32, #tpu.memory_space<vmem>>
      %dma_wait3A_125 = arith.constant 0 : i32
      %dma_wait3A_126 = arith.constant 0 : i32
      %dma_wait3A_127 = tpu.memref_slice %arg8[%dma_wait3A_125, %dma_wait3A_126] : memref<10112x128xf32, #tpu.memory_space<vmem_shared>> -> memref<10112x128xf32, #tpu.memory_space<vmem_shared>>
      tpu.wait_indirect_dma semaphore(%arg9 : memref<!tpu.dma_semaphore, #tpu.memory_space<semaphore_mem>>) src(%arg7 : memref<128x128xf32, #tpu.memory_space<vmem>>) dst(%dma_wait3A_127 : memref<10112x128xf32, #tpu.memory_space<vmem_shared>>)
    }
    %scan3A_7 = arith.constant 10 : i32
    %barrier3A_8 = arith.constant 0 : index
    tpu.barrier barrier_id(%barrier3A_8)
    %lt3A = arith.constant 15 : i32
    %lt3A_9 = arith.cmpi slt, %arg1, %lt3A : i32
    %convert_element_type3A = arith.extui %lt3A_9 : i1 to i32
    %cond3A = arith.constant 0 : i32
    %cond3A_10 = arith.cmpi ne, %convert_element_type3A, %cond3A : i32
    scf.if %cond3A_10 {
      %mul3A_15 = arith.constant 624 : i32
      %mul3A_16 = arith.muli %arg1, %mul3A_15 : i32
      %mul3A_17 = arith.constant 10000 : i32
      %mul3A_18 = arith.muli %arg0, %mul3A_17 : i32
      %mul3A_19 = arith.constant 624 : i32
      %mul3A_20 = arith.muli %arg1, %mul3A_19 : i32
      %add3A = arith.addi %mul3A_18, %mul3A_20 : i32
      "tpu.region"() ({
        %run_scoped3A = tpu.sem_alloc : memref<!tpu.dma_semaphore, #tpu.memory_space<semaphore_mem>>
        %dma_start3A = arith.constant 0 : i32
        %dma_start3A_21 = tpu.memref_slice %arg5[%add3A, %dma_start3A] : memref<20000x128xf32, #tpu.memory_space<hbm>> -> memref<624x128xf32, #tpu.memory_space<hbm>>
        %dma_start3A_22 = arith.constant 0 : i32
        %dma_start3A_23 = tpu.memref_slice %arg8[%mul3A_16, %dma_start3A_22] : memref<10112x128xf32, #tpu.memory_space<vmem_shared>> -> memref<624x128xf32, #tpu.memory_space<vmem_shared>>
        tpu.enqueue_dma source(%dma_start3A_23 : memref<624x128xf32, #tpu.memory_space<vmem_shared>>) target(%dma_start3A_21 : memref<624x128xf32, #tpu.memory_space<hbm>>) target_semaphore(%run_scoped3A : memref<!tpu.dma_semaphore, #tpu.memory_space<semaphore_mem>>)
        %dma_wait3A = arith.constant 0 : i32
        %dma_wait3A_24 = tpu.memref_slice %arg5[%add3A, %dma_wait3A] : memref<20000x128xf32, #tpu.memory_space<hbm>> -> memref<624x128xf32, #tpu.memory_space<hbm>>
        %dma_wait3A_25 = arith.constant 0 : i32
        %dma_wait3A_26 = tpu.memref_slice %arg8[%mul3A_16, %dma_wait3A_25] : memref<10112x128xf32, #tpu.memory_space<vmem_shared>> -> memref<624x128xf32, #tpu.memory_space<vmem_shared>>
        tpu.wait_dma2 semaphore(%run_scoped3A : memref<!tpu.dma_semaphore, #tpu.memory_space<semaphore_mem>>) src(%dma_wait3A_26 : memref<624x128xf32, #tpu.memory_space<vmem_shared>>) dst(%dma_wait3A_24 : memref<624x128xf32, #tpu.memory_space<hbm>>)
        tpu.yield
      }) : () -> ()
    } else {
    }
    %eq3A = arith.constant 15 : i32
    %eq3A_11 = arith.cmpi eq, %arg1, %eq3A : i32
    %convert_element_type3A_12 = arith.extui %eq3A_11 : i1 to i32
    %cond3A_13 = arith.constant 0 : i32
    %cond3A_14 = arith.cmpi ne, %convert_element_type3A_12, %cond3A_13 : i32
    scf.if %cond3A_14 {
      %mul3A_15 = arith.constant 10000 : i32
      %mul3A_16 = arith.muli %arg0, %mul3A_15 : i32
      %add3A = arith.constant 9360 : i32
      %add3A_17 = arith.addi %mul3A_16, %add3A : i32
      "tpu.region"() ({
        %run_scoped3A = tpu.sem_alloc : memref<!tpu.dma_semaphore, #tpu.memory_space<semaphore_mem>>
        %dma_start3A = arith.constant 0 : i32
        %dma_start3A_18 = tpu.memref_slice %arg5[%add3A_17, %dma_start3A] : memref<20000x128xf32, #tpu.memory_space<hbm>> -> memref<640x128xf32, #tpu.memory_space<hbm>>
        %dma_start3A_19 = arith.constant 9360 : i32
        %dma_start3A_20 = arith.constant 0 : i32
        %dma_start3A_21 = tpu.memref_slice %arg8[%dma_start3A_19, %dma_start3A_20] : memref<10112x128xf32, #tpu.memory_space<vmem_shared>> -> memref<640x128xf32, #tpu.memory_space<vmem_shared>>
        tpu.enqueue_dma source(%dma_start3A_21 : memref<640x128xf32, #tpu.memory_space<vmem_shared>>) target(%dma_start3A_18 : memref<640x128xf32, #tpu.memory_space<hbm>>) target_semaphore(%run_scoped3A : memref<!tpu.dma_semaphore, #tpu.memory_space<semaphore_mem>>)
        %dma_wait3A = arith.constant 0 : i32
        %dma_wait3A_22 = tpu.memref_slice %arg5[%add3A_17, %dma_wait3A] : memref<20000x128xf32, #tpu.memory_space<hbm>> -> memref<640x128xf32, #tpu.memory_space<hbm>>
        %dma_wait3A_23 = arith.constant 9360 : i32
        %dma_wait3A_24 = arith.constant 0 : i32
        %dma_wait3A_25 = tpu.memref_slice %arg8[%dma_wait3A_23, %dma_wait3A_24] : memref<10112x128xf32, #tpu.memory_space<vmem_shared>> -> memref<640x128xf32, #tpu.memory_space<vmem_shared>>
        tpu.wait_dma2 semaphore(%run_scoped3A : memref<!tpu.dma_semaphore, #tpu.memory_space<semaphore_mem>>) src(%dma_wait3A_25 : memref<640x128xf32, #tpu.memory_space<vmem_shared>>) dst(%dma_wait3A_22 : memref<640x128xf32, #tpu.memory_space<hbm>>)
        tpu.yield
      }) : () -> ()
    } else {
    }
    return
  }
}

#map = affine_map<(d0, d1) -> (0, 0)>
#map1 = affine_map<(d0, d1) -> (0, 0, 0)>
module attributes {stable_mosaic.version = 14 : i64} {
  func.func @_sc_scatter(%arg0: i32, %arg1: i32, %arg2: memref<20008x128xf32, #tpu.memory_space<hbm>>, %arg3: memref<32x160x128xi32, #tpu.memory_space<hbm>>, %arg4: memref<16x160x128xi32, #tpu.memory_space<hbm>>, %arg5: memref<632x128xf32, #tpu.memory_space<hbm>>, %arg6: memref<20000x128xf32, #tpu.memory_space<hbm>>, %arg7: memref<32x128xi32, #tpu.memory_space<vmem>>, %arg8: memref<32x128xi32, #tpu.memory_space<vmem>>, %arg9: memref<128x128xf32, #tpu.memory_space<vmem>>, %arg10: memref<128x128xf32, #tpu.memory_space<vmem>>, %arg11: memref<10112x128xf32, #tpu.memory_space<vmem_shared>>, %arg12: memref<!tpu.dma_semaphore, #tpu.memory_space<semaphore_mem>>, %arg13: memref<!tpu.dma_semaphore, #tpu.memory_space<semaphore_mem>>, %arg14: memref<!tpu.dma_semaphore, #tpu.memory_space<semaphore_mem>>, %arg15: memref<!tpu.dma_semaphore, #tpu.memory_space<semaphore_mem>>) attributes {dimension_semantics = [#tpu.dimension_semantics<core_parallel>, #tpu.dimension_semantics<subcore_parallel>], iteration_bounds = array<i64: 2, 16>, scalar_prefetch = 0 : i64, scratch_operands = 9 : i64, tpu.core_type = #tpu.core_type<sc_vector_subcore>, window_params = [{transform_indices = #map}, {transform_indices = #map1}, {transform_indices = #map1}, {transform_indices = #map}, {transform_indices = #map}]} {
    %mul3A = arith.constant 16 : i32
    %mul3A_0 = arith.muli %arg0, %mul3A : i32
    %add3A = arith.addi %mul3A_0, %arg1 : i32
    %mul3A_1 = arith.constant 632 : i32
    %mul3A_2 = arith.muli %arg1, %mul3A_1 : i32
    "tpu.region"() ({
      %run_scoped3A = tpu.sem_alloc : memref<!tpu.dma_semaphore, #tpu.memory_space<semaphore_mem>>
      %dma_start3A = arith.constant 0 : i32
      %dma_start3A_15 = tpu.memref_slice %arg11[%mul3A_2, %dma_start3A] : memref<10112x128xf32, #tpu.memory_space<vmem_shared>> -> memref<632x128xf32, #tpu.memory_space<vmem_shared>>
      tpu.enqueue_dma source(%arg5 : memref<632x128xf32, #tpu.memory_space<hbm>>) target(%dma_start3A_15 : memref<632x128xf32, #tpu.memory_space<vmem_shared>>) target_semaphore(%run_scoped3A : memref<!tpu.dma_semaphore, #tpu.memory_space<semaphore_mem>>)
      %dma_wait3A = arith.constant 0 : i32
      %dma_wait3A_16 = tpu.memref_slice %arg11[%mul3A_2, %dma_wait3A] : memref<10112x128xf32, #tpu.memory_space<vmem_shared>> -> memref<632x128xf32, #tpu.memory_space<vmem_shared>>
      tpu.wait_dma2 semaphore(%run_scoped3A : memref<!tpu.dma_semaphore, #tpu.memory_space<semaphore_mem>>) src(%arg5 : memref<632x128xf32, #tpu.memory_space<hbm>>) dst(%dma_wait3A_16 : memref<632x128xf32, #tpu.memory_space<vmem_shared>>)
      tpu.yield
    }) : () -> ()
    %barrier3A = arith.constant 0 : index
    tpu.barrier barrier_id(%barrier3A)
    %scan3A = arith.constant 0 : i32
    %scan3A_3 = arith.constant 0 : i32
    %scan3A_4 = arith.constant 5 : i32
    %scan3A_5 = arith.addi %scan3A_3, %scan3A_4 : i32
    %scan3A_6 = arith.constant 1 : i32
    scf.for %scan3A_15 = %scan3A_3 to %scan3A_5 step %scan3A_6  : i32 {
      %mul3A_16 = arith.constant 32 : i32
      %mul3A_17 = arith.muli %scan3A_15, %mul3A_16 : i32
      "tpu.region"() ({
        %run_scoped3A = tpu.sem_alloc : memref<!tpu.dma_semaphore, #tpu.memory_space<semaphore_mem>>
        %dma_start3A_57 = arith.constant 0 : i32
        %dma_start3A_58 = tpu.memref_slice %arg3[%add3A, %mul3A_17, %dma_start3A_57] : memref<32x160x128xi32, #tpu.memory_space<hbm>> -> memref<1x32x128xi32, #tpu.memory_space<hbm>>
        %dma_start3A_59 = tpu.memref_squeeze %dma_start3A_58 : memref<1x32x128xi32, #tpu.memory_space<hbm>> -> memref<32x128xi32, #tpu.memory_space<hbm>>
        %dma_start3A_60 = arith.constant 0 : i32
        %dma_start3A_61 = tpu.memref_slice %arg3[%add3A, %mul3A_17, %dma_start3A_60] : memref<32x160x128xi32, #tpu.memory_space<hbm>> -> memref<1x32x128xi32, #tpu.memory_space<hbm>>
        %dma_start3A_62 = tpu.memref_squeeze %dma_start3A_61 : memref<1x32x128xi32, #tpu.memory_space<hbm>> -> memref<32x128xi32, #tpu.memory_space<hbm>>
        tpu.enqueue_dma source(%dma_start3A_62 : memref<32x128xi32, #tpu.memory_space<hbm>>) target(%arg7 : memref<32x128xi32, #tpu.memory_space<vmem>>) target_semaphore(%run_scoped3A : memref<!tpu.dma_semaphore, #tpu.memory_space<semaphore_mem>>)
        %dma_wait3A_63 = arith.constant 0 : i32
        %dma_wait3A_64 = tpu.memref_slice %arg3[%add3A, %mul3A_17, %dma_wait3A_63] : memref<32x160x128xi32, #tpu.memory_space<hbm>> -> memref<1x32x128xi32, #tpu.memory_space<hbm>>
        %dma_wait3A_65 = tpu.memref_squeeze %dma_wait3A_64 : memref<1x32x128xi32, #tpu.memory_space<hbm>> -> memref<32x128xi32, #tpu.memory_space<hbm>>
        %dma_wait3A_66 = arith.constant 0 : i32
        %dma_wait3A_67 = tpu.memref_slice %arg3[%add3A, %mul3A_17, %dma_wait3A_66] : memref<32x160x128xi32, #tpu.memory_space<hbm>> -> memref<1x32x128xi32, #tpu.memory_space<hbm>>
        %dma_wait3A_68 = tpu.memref_squeeze %dma_wait3A_67 : memref<1x32x128xi32, #tpu.memory_space<hbm>> -> memref<32x128xi32, #tpu.memory_space<hbm>>
        tpu.wait_dma2 semaphore(%run_scoped3A : memref<!tpu.dma_semaphore, #tpu.memory_space<semaphore_mem>>) src(%dma_wait3A_68 : memref<32x128xi32, #tpu.memory_space<hbm>>) dst(%arg7 : memref<32x128xi32, #tpu.memory_space<vmem>>)
        tpu.yield
      }) : () -> ()
      %mul3A_18 = arith.constant 32 : i32
      %mul3A_19 = arith.muli %scan3A_15, %mul3A_18 : i32
      "tpu.region"() ({
        %run_scoped3A = tpu.sem_alloc : memref<!tpu.dma_semaphore, #tpu.memory_space<semaphore_mem>>
        %dma_start3A_57 = arith.constant 0 : i32
        %dma_start3A_58 = tpu.memref_slice %arg4[%arg1, %mul3A_19, %dma_start3A_57] : memref<16x160x128xi32, #tpu.memory_space<hbm>> -> memref<1x32x128xi32, #tpu.memory_space<hbm>>
        %dma_start3A_59 = tpu.memref_squeeze %dma_start3A_58 : memref<1x32x128xi32, #tpu.memory_space<hbm>> -> memref<32x128xi32, #tpu.memory_space<hbm>>
        %dma_start3A_60 = arith.constant 0 : i32
        %dma_start3A_61 = tpu.memref_slice %arg4[%arg1, %mul3A_19, %dma_start3A_60] : memref<16x160x128xi32, #tpu.memory_space<hbm>> -> memref<1x32x128xi32, #tpu.memory_space<hbm>>
        %dma_start3A_62 = tpu.memref_squeeze %dma_start3A_61 : memref<1x32x128xi32, #tpu.memory_space<hbm>> -> memref<32x128xi32, #tpu.memory_space<hbm>>
        tpu.enqueue_dma source(%dma_start3A_62 : memref<32x128xi32, #tpu.memory_space<hbm>>) target(%arg8 : memref<32x128xi32, #tpu.memory_space<vmem>>) target_semaphore(%run_scoped3A : memref<!tpu.dma_semaphore, #tpu.memory_space<semaphore_mem>>)
        %dma_wait3A_63 = arith.constant 0 : i32
        %dma_wait3A_64 = tpu.memref_slice %arg4[%arg1, %mul3A_19, %dma_wait3A_63] : memref<16x160x128xi32, #tpu.memory_space<hbm>> -> memref<1x32x128xi32, #tpu.memory_space<hbm>>
        %dma_wait3A_65 = tpu.memref_squeeze %dma_wait3A_64 : memref<1x32x128xi32, #tpu.memory_space<hbm>> -> memref<32x128xi32, #tpu.memory_space<hbm>>
        %dma_wait3A_66 = arith.constant 0 : i32
        %dma_wait3A_67 = tpu.memref_slice %arg4[%arg1, %mul3A_19, %dma_wait3A_66] : memref<16x160x128xi32, #tpu.memory_space<hbm>> -> memref<1x32x128xi32, #tpu.memory_space<hbm>>
        %dma_wait3A_68 = tpu.memref_squeeze %dma_wait3A_67 : memref<1x32x128xi32, #tpu.memory_space<hbm>> -> memref<32x128xi32, #tpu.memory_space<hbm>>
        tpu.wait_dma2 semaphore(%run_scoped3A : memref<!tpu.dma_semaphore, #tpu.memory_space<semaphore_mem>>) src(%dma_wait3A_68 : memref<32x128xi32, #tpu.memory_space<hbm>>) dst(%arg8 : memref<32x128xi32, #tpu.memory_space<vmem>>)
        tpu.yield
      }) : () -> ()
      %dma_start3A = arith.constant 0 : i32
      %dma_start3A_20 = arith.constant 0 : i32
      %dma_start3A_21 = arith.constant 0 : i32
      %dma_start3A_22 = tpu.memref_slice %arg9[%dma_start3A_20, %dma_start3A_21] : memref<128x128xf32, #tpu.memory_space<vmem>> -> memref<64x128xf32, #tpu.memory_space<vmem>>
      %dma_start3A_23 = arith.constant 0 : i32
      %dma_start3A_24 = tpu.memref_slice %arg7[%dma_start3A, %dma_start3A_23] : memref<32x128xi32, #tpu.memory_space<vmem>> -> memref<1x64xi32, #tpu.memory_space<vmem>>
      %dma_start3A_25 = tpu.memref_squeeze %dma_start3A_24 : memref<1x64xi32, #tpu.memory_space<vmem>> -> memref<64xi32, #tpu.memory_space<vmem>>
      %dma_start3A_26 = arith.constant 0 : i32
      %dma_start3A_27 = arith.constant 0 : i32
      %dma_start3A_28 = tpu.memref_slice %arg2[%dma_start3A_26, %dma_start3A_27] : memref<20008x128xf32, #tpu.memory_space<hbm>> -> memref<20008x128xf32, #tpu.memory_space<hbm>>
      tpu.enqueue_indirect_dma source(%dma_start3A_28 : memref<20008x128xf32, #tpu.memory_space<hbm>>) target(%dma_start3A_22 : memref<64x128xf32, #tpu.memory_space<vmem>>) offsets(%dma_start3A_25 : memref<64xi32, #tpu.memory_space<vmem>>) semaphore(%arg12 : memref<!tpu.dma_semaphore, #tpu.memory_space<semaphore_mem>>)
      %dma_start3A_29 = arith.constant 0 : i32
      %dma_start3A_30 = arith.constant 64 : i32
      %dma_start3A_31 = arith.constant 0 : i32
      %dma_start3A_32 = tpu.memref_slice %arg9[%dma_start3A_30, %dma_start3A_31] : memref<128x128xf32, #tpu.memory_space<vmem>> -> memref<64x128xf32, #tpu.memory_space<vmem>>
      %dma_start3A_33 = arith.constant 64 : i32
      %dma_start3A_34 = tpu.memref_slice %arg7[%dma_start3A_29, %dma_start3A_33] : memref<32x128xi32, #tpu.memory_space<vmem>> -> memref<1x64xi32, #tpu.memory_space<vmem>>
      %dma_start3A_35 = tpu.memref_squeeze %dma_start3A_34 : memref<1x64xi32, #tpu.memory_space<vmem>> -> memref<64xi32, #tpu.memory_space<vmem>>
      %dma_start3A_36 = arith.constant 0 : i32
      %dma_start3A_37 = arith.constant 0 : i32
      %dma_start3A_38 = tpu.memref_slice %arg2[%dma_start3A_36, %dma_start3A_37] : memref<20008x128xf32, #tpu.memory_space<hbm>> -> memref<20008x128xf32, #tpu.memory_space<hbm>>
      tpu.enqueue_indirect_dma source(%dma_start3A_38 : memref<20008x128xf32, #tpu.memory_space<hbm>>) target(%dma_start3A_32 : memref<64x128xf32, #tpu.memory_space<vmem>>) offsets(%dma_start3A_35 : memref<64xi32, #tpu.memory_space<vmem>>) semaphore(%arg12 : memref<!tpu.dma_semaphore, #tpu.memory_space<semaphore_mem>>)
      %scan3A_39 = arith.constant 0 : i32
      %scan3A_40 = arith.constant 16 : i32
      %scan3A_41 = arith.addi %scan3A_39, %scan3A_40 : i32
      %scan3A_42 = arith.constant 1 : i32
      scf.for %scan3A_57 = %scan3A_39 to %scan3A_41 step %scan3A_42  : i32 {
        %mul3A_58 = arith.constant 2 : i32
        %mul3A_59 = arith.muli %mul3A_58, %scan3A_57 : i32
        %add3A_60 = arith.constant 1 : i32
        %add3A_61 = arith.addi %mul3A_59, %add3A_60 : i32
        %lt3A_62 = arith.constant 32 : i32
        %lt3A_63 = arith.cmpi slt, %add3A_61, %lt3A_62 : i32
        %convert_element_type3A_64 = arith.extui %lt3A_63 : i1 to i32
        %cond3A_65 = arith.constant 0 : i32
        %cond3A_66 = arith.cmpi ne, %convert_element_type3A_64, %cond3A_65 : i32
        scf.if %cond3A_66 {
          %ge3A = arith.constant 1 : i32
          %ge3A_102 = arith.cmpi sge, %mul3A_59, %ge3A : i32
          %convert_element_type3A_103 = arith.extui %ge3A_102 : i1 to i32
          %cond3A_104 = arith.constant 0 : i32
          %cond3A_105 = arith.cmpi ne, %convert_element_type3A_103, %cond3A_104 : i32
          scf.if %cond3A_105 {
            %dma_wait3A_126 = arith.constant 0 : i32
            %dma_wait3A_127 = tpu.memref_slice %arg8[%mul3A_59, %dma_wait3A_126] : memref<32x128xi32, #tpu.memory_space<vmem>> -> memref<1x128xi32, #tpu.memory_space<vmem>>
            %dma_wait3A_128 = tpu.memref_squeeze %dma_wait3A_127 : memref<1x128xi32, #tpu.memory_space<vmem>> -> memref<128xi32, #tpu.memory_space<vmem>>
            %dma_wait3A_129 = arith.constant 0 : i32
            %dma_wait3A_130 = arith.constant 0 : i32
            %dma_wait3A_131 = tpu.memref_slice %arg11[%dma_wait3A_129, %dma_wait3A_130] : memref<10112x128xf32, #tpu.memory_space<vmem_shared>> -> memref<10112x128xf32, #tpu.memory_space<vmem_shared>>
            tpu.wait_indirect_dma semaphore(%arg15 : memref<!tpu.dma_semaphore, #tpu.memory_space<semaphore_mem>>) src(%arg10 : memref<128x128xf32, #tpu.memory_space<vmem>>) dst(%dma_wait3A_131 : memref<10112x128xf32, #tpu.memory_space<vmem_shared>>)
          } else {
          }
          %add3A_106 = arith.constant 1 : i32
          %add3A_107 = arith.addi %mul3A_59, %add3A_106 : i32
          %dma_start3A_108 = arith.constant 0 : i32
          %dma_start3A_109 = arith.constant 0 : i32
          %dma_start3A_110 = tpu.memref_slice %arg10[%dma_start3A_108, %dma_start3A_109] : memref<128x128xf32, #tpu.memory_space<vmem>> -> memref<64x128xf32, #tpu.memory_space<vmem>>
          %dma_start3A_111 = arith.constant 0 : i32
          %dma_start3A_112 = tpu.memref_slice %arg7[%add3A_107, %dma_start3A_111] : memref<32x128xi32, #tpu.memory_space<vmem>> -> memref<1x64xi32, #tpu.memory_space<vmem>>
          %dma_start3A_113 = tpu.memref_squeeze %dma_start3A_112 : memref<1x64xi32, #tpu.memory_space<vmem>> -> memref<64xi32, #tpu.memory_space<vmem>>
          %dma_start3A_114 = arith.constant 0 : i32
          %dma_start3A_115 = arith.constant 0 : i32
          %dma_start3A_116 = tpu.memref_slice %arg2[%dma_start3A_114, %dma_start3A_115] : memref<20008x128xf32, #tpu.memory_space<hbm>> -> memref<20008x128xf32, #tpu.memory_space<hbm>>
          tpu.enqueue_indirect_dma source(%dma_start3A_116 : memref<20008x128xf32, #tpu.memory_space<hbm>>) target(%dma_start3A_110 : memref<64x128xf32, #tpu.memory_space<vmem>>) offsets(%dma_start3A_113 : memref<64xi32, #tpu.memory_space<vmem>>) semaphore(%arg13 : memref<!tpu.dma_semaphore, #tpu.memory_space<semaphore_mem>>)
          %dma_start3A_117 = arith.constant 64 : i32
          %dma_start3A_118 = arith.constant 0 : i32
          %dma_start3A_119 = tpu.memref_slice %arg10[%dma_start3A_117, %dma_start3A_118] : memref<128x128xf32, #tpu.memory_space<vmem>> -> memref<64x128xf32, #tpu.memory_space<vmem>>
          %dma_start3A_120 = arith.constant 64 : i32
          %dma_start3A_121 = tpu.memref_slice %arg7[%add3A_107, %dma_start3A_120] : memref<32x128xi32, #tpu.memory_space<vmem>> -> memref<1x64xi32, #tpu.memory_space<vmem>>
          %dma_start3A_122 = tpu.memref_squeeze %dma_start3A_121 : memref<1x64xi32, #tpu.memory_space<vmem>> -> memref<64xi32, #tpu.memory_space<vmem>>
          %dma_start3A_123 = arith.constant 0 : i32
          %dma_start3A_124 = arith.constant 0 : i32
          %dma_start3A_125 = tpu.memref_slice %arg2[%dma_start3A_123, %dma_start3A_124] : memref<20008x128xf32, #tpu.memory_space<hbm>> -> memref<20008x128xf32, #tpu.memory_space<hbm>>
          tpu.enqueue_indirect_dma source(%dma_start3A_125 : memref<20008x128xf32, #tpu.memory_space<hbm>>) target(%dma_start3A_119 : memref<64x128xf32, #tpu.memory_space<vmem>>) offsets(%dma_start3A_122 : memref<64xi32, #tpu.memory_space<vmem>>) semaphore(%arg13 : memref<!tpu.dma_semaphore, #tpu.memory_space<semaphore_mem>>)
        } else {
        }
        %dma_wait3A_67 = arith.constant 0 : i32
        %dma_wait3A_68 = tpu.memref_slice %arg7[%mul3A_59, %dma_wait3A_67] : memref<32x128xi32, #tpu.memory_space<vmem>> -> memref<1x128xi32, #tpu.memory_space<vmem>>
        %dma_wait3A_69 = tpu.memref_squeeze %dma_wait3A_68 : memref<1x128xi32, #tpu.memory_space<vmem>> -> memref<128xi32, #tpu.memory_space<vmem>>
        %dma_wait3A_70 = arith.constant 0 : i32
        %dma_wait3A_71 = arith.constant 0 : i32
        %dma_wait3A_72 = tpu.memref_slice %arg2[%dma_wait3A_70, %dma_wait3A_71] : memref<20008x128xf32, #tpu.memory_space<hbm>> -> memref<20008x128xf32, #tpu.memory_space<hbm>>
        tpu.wait_indirect_dma semaphore(%arg12 : memref<!tpu.dma_semaphore, #tpu.memory_space<semaphore_mem>>) src(%dma_wait3A_72 : memref<20008x128xf32, #tpu.memory_space<hbm>>) dst(%arg9 : memref<128x128xf32, #tpu.memory_space<vmem>>)
        %dma_start3A_73 = arith.constant 0 : i32
        %dma_start3A_74 = tpu.memref_slice %arg8[%mul3A_59, %dma_start3A_73] : memref<32x128xi32, #tpu.memory_space<vmem>> -> memref<1x128xi32, #tpu.memory_space<vmem>>
        %dma_start3A_75 = tpu.memref_squeeze %dma_start3A_74 : memref<1x128xi32, #tpu.memory_space<vmem>> -> memref<128xi32, #tpu.memory_space<vmem>>
        %dma_start3A_76 = arith.constant 0 : i32
        %dma_start3A_77 = arith.constant 0 : i32
        %dma_start3A_78 = tpu.memref_slice %arg11[%dma_start3A_76, %dma_start3A_77] : memref<10112x128xf32, #tpu.memory_space<vmem_shared>> -> memref<10112x128xf32, #tpu.memory_space<vmem_shared>>
        tpu.enqueue_indirect_dma source(%arg9 : memref<128x128xf32, #tpu.memory_space<vmem>>) target(%dma_start3A_78 : memref<10112x128xf32, #tpu.memory_space<vmem_shared>>) offsets(%dma_start3A_75 : memref<128xi32, #tpu.memory_space<vmem>>) semaphore(%arg14 : memref<!tpu.dma_semaphore, #tpu.memory_space<semaphore_mem>>) {add = true}
        %mul3A_79 = arith.constant 2 : i32
        %mul3A_80 = arith.muli %mul3A_79, %scan3A_57 : i32
        %add3A_81 = arith.constant 1 : i32
        %add3A_82 = arith.addi %mul3A_80, %add3A_81 : i32
        %add3A_83 = arith.constant 1 : i32
        %add3A_84 = arith.addi %add3A_82, %add3A_83 : i32
        %lt3A_85 = arith.constant 32 : i32
        %lt3A_86 = arith.cmpi slt, %add3A_84, %lt3A_85 : i32
        %convert_element_type3A_87 = arith.extui %lt3A_86 : i1 to i32
        %cond3A_88 = arith.constant 0 : i32
        %cond3A_89 = arith.cmpi ne, %convert_element_type3A_87, %cond3A_88 : i32
        scf.if %cond3A_89 {
          %ge3A = arith.constant 1 : i32
          %ge3A_102 = arith.cmpi sge, %add3A_82, %ge3A : i32
          %convert_element_type3A_103 = arith.extui %ge3A_102 : i1 to i32
          %cond3A_104 = arith.constant 0 : i32
          %cond3A_105 = arith.cmpi ne, %convert_element_type3A_103, %cond3A_104 : i32
          scf.if %cond3A_105 {
            %dma_wait3A_126 = arith.constant 0 : i32
            %dma_wait3A_127 = tpu.memref_slice %arg8[%add3A_82, %dma_wait3A_126] : memref<32x128xi32, #tpu.memory_space<vmem>> -> memref<1x128xi32, #tpu.memory_space<vmem>>
            %dma_wait3A_128 = tpu.memref_squeeze %dma_wait3A_127 : memref<1x128xi32, #tpu.memory_space<vmem>> -> memref<128xi32, #tpu.memory_space<vmem>>
            %dma_wait3A_129 = arith.constant 0 : i32
            %dma_wait3A_130 = arith.constant 0 : i32
            %dma_wait3A_131 = tpu.memref_slice %arg11[%dma_wait3A_129, %dma_wait3A_130] : memref<10112x128xf32, #tpu.memory_space<vmem_shared>> -> memref<10112x128xf32, #tpu.memory_space<vmem_shared>>
            tpu.wait_indirect_dma semaphore(%arg14 : memref<!tpu.dma_semaphore, #tpu.memory_space<semaphore_mem>>) src(%arg9 : memref<128x128xf32, #tpu.memory_space<vmem>>) dst(%dma_wait3A_131 : memref<10112x128xf32, #tpu.memory_space<vmem_shared>>)
          } else {
          }
          %add3A_106 = arith.constant 1 : i32
          %add3A_107 = arith.addi %add3A_82, %add3A_106 : i32
          %dma_start3A_108 = arith.constant 0 : i32
          %dma_start3A_109 = arith.constant 0 : i32
          %dma_start3A_110 = tpu.memref_slice %arg9[%dma_start3A_108, %dma_start3A_109] : memref<128x128xf32, #tpu.memory_space<vmem>> -> memref<64x128xf32, #tpu.memory_space<vmem>>
          %dma_start3A_111 = arith.constant 0 : i32
          %dma_start3A_112 = tpu.memref_slice %arg7[%add3A_107, %dma_start3A_111] : memref<32x128xi32, #tpu.memory_space<vmem>> -> memref<1x64xi32, #tpu.memory_space<vmem>>
          %dma_start3A_113 = tpu.memref_squeeze %dma_start3A_112 : memref<1x64xi32, #tpu.memory_space<vmem>> -> memref<64xi32, #tpu.memory_space<vmem>>
          %dma_start3A_114 = arith.constant 0 : i32
          %dma_start3A_115 = arith.constant 0 : i32
          %dma_start3A_116 = tpu.memref_slice %arg2[%dma_start3A_114, %dma_start3A_115] : memref<20008x128xf32, #tpu.memory_space<hbm>> -> memref<20008x128xf32, #tpu.memory_space<hbm>>
          tpu.enqueue_indirect_dma source(%dma_start3A_116 : memref<20008x128xf32, #tpu.memory_space<hbm>>) target(%dma_start3A_110 : memref<64x128xf32, #tpu.memory_space<vmem>>) offsets(%dma_start3A_113 : memref<64xi32, #tpu.memory_space<vmem>>) semaphore(%arg12 : memref<!tpu.dma_semaphore, #tpu.memory_space<semaphore_mem>>)
          %dma_start3A_117 = arith.constant 64 : i32
          %dma_start3A_118 = arith.constant 0 : i32
          %dma_start3A_119 = tpu.memref_slice %arg9[%dma_start3A_117, %dma_start3A_118] : memref<128x128xf32, #tpu.memory_space<vmem>> -> memref<64x128xf32, #tpu.memory_space<vmem>>
          %dma_start3A_120 = arith.constant 64 : i32
          %dma_start3A_121 = tpu.memref_slice %arg7[%add3A_107, %dma_start3A_120] : memref<32x128xi32, #tpu.memory_space<vmem>> -> memref<1x64xi32, #tpu.memory_space<vmem>>
          %dma_start3A_122 = tpu.memref_squeeze %dma_start3A_121 : memref<1x64xi32, #tpu.memory_space<vmem>> -> memref<64xi32, #tpu.memory_space<vmem>>
          %dma_start3A_123 = arith.constant 0 : i32
          %dma_start3A_124 = arith.constant 0 : i32
          %dma_start3A_125 = tpu.memref_slice %arg2[%dma_start3A_123, %dma_start3A_124] : memref<20008x128xf32, #tpu.memory_space<hbm>> -> memref<20008x128xf32, #tpu.memory_space<hbm>>
          tpu.enqueue_indirect_dma source(%dma_start3A_125 : memref<20008x128xf32, #tpu.memory_space<hbm>>) target(%dma_start3A_119 : memref<64x128xf32, #tpu.memory_space<vmem>>) offsets(%dma_start3A_122 : memref<64xi32, #tpu.memory_space<vmem>>) semaphore(%arg12 : memref<!tpu.dma_semaphore, #tpu.memory_space<semaphore_mem>>)
        } else {
        }
        %dma_wait3A_90 = arith.constant 0 : i32
        %dma_wait3A_91 = tpu.memref_slice %arg7[%add3A_82, %dma_wait3A_90] : memref<32x128xi32, #tpu.memory_space<vmem>> -> memref<1x128xi32, #tpu.memory_space<vmem>>
        %dma_wait3A_92 = tpu.memref_squeeze %dma_wait3A_91 : memref<1x128xi32, #tpu.memory_space<vmem>> -> memref<128xi32, #tpu.memory_space<vmem>>
        %dma_wait3A_93 = arith.constant 0 : i32
        %dma_wait3A_94 = arith.constant 0 : i32
        %dma_wait3A_95 = tpu.memref_slice %arg2[%dma_wait3A_93, %dma_wait3A_94] : memref<20008x128xf32, #tpu.memory_space<hbm>> -> memref<20008x128xf32, #tpu.memory_space<hbm>>
        tpu.wait_indirect_dma semaphore(%arg13 : memref<!tpu.dma_semaphore, #tpu.memory_space<semaphore_mem>>) src(%dma_wait3A_95 : memref<20008x128xf32, #tpu.memory_space<hbm>>) dst(%arg10 : memref<128x128xf32, #tpu.memory_space<vmem>>)
        %dma_start3A_96 = arith.constant 0 : i32
        %dma_start3A_97 = tpu.memref_slice %arg8[%add3A_82, %dma_start3A_96] : memref<32x128xi32, #tpu.memory_space<vmem>> -> memref<1x128xi32, #tpu.memory_space<vmem>>
        %dma_start3A_98 = tpu.memref_squeeze %dma_start3A_97 : memref<1x128xi32, #tpu.memory_space<vmem>> -> memref<128xi32, #tpu.memory_space<vmem>>
        %dma_start3A_99 = arith.constant 0 : i32
        %dma_start3A_100 = arith.constant 0 : i32
        %dma_start3A_101 = tpu.memref_slice %arg11[%dma_start3A_99, %dma_start3A_100] : memref<10112x128xf32, #tpu.memory_space<vmem_shared>> -> memref<10112x128xf32, #tpu.memory_space<vmem_shared>>
        tpu.enqueue_indirect_dma source(%arg10 : memref<128x128xf32, #tpu.memory_space<vmem>>) target(%dma_start3A_101 : memref<10112x128xf32, #tpu.memory_space<vmem_shared>>) offsets(%dma_start3A_98 : memref<128xi32, #tpu.memory_space<vmem>>) semaphore(%arg15 : memref<!tpu.dma_semaphore, #tpu.memory_space<semaphore_mem>>) {add = true}
      }
      %scan3A_43 = arith.constant 16 : i32
      %dma_wait3A = arith.constant 0 : i32
      %dma_wait3A_44 = arith.constant 0 : i32
      %dma_wait3A_45 = tpu.memref_slice %arg8[%dma_wait3A, %dma_wait3A_44] : memref<32x128xi32, #tpu.memory_space<vmem>> -> memref<1x128xi32, #tpu.memory_space<vmem>>
      %dma_wait3A_46 = tpu.memref_squeeze %dma_wait3A_45 : memref<1x128xi32, #tpu.memory_space<vmem>> -> memref<128xi32, #tpu.memory_space<vmem>>
      %dma_wait3A_47 = arith.constant 0 : i32
      %dma_wait3A_48 = arith.constant 0 : i32
      %dma_wait3A_49 = tpu.memref_slice %arg11[%dma_wait3A_47, %dma_wait3A_48] : memref<10112x128xf32, #tpu.memory_space<vmem_shared>> -> memref<10112x128xf32, #tpu.memory_space<vmem_shared>>
      tpu.wait_indirect_dma semaphore(%arg14 : memref<!tpu.dma_semaphore, #tpu.memory_space<semaphore_mem>>) src(%arg9 : memref<128x128xf32, #tpu.memory_space<vmem>>) dst(%dma_wait3A_49 : memref<10112x128xf32, #tpu.memory_space<vmem_shared>>)
      %dma_wait3A_50 = arith.constant 0 : i32
      %dma_wait3A_51 = arith.constant 0 : i32
      %dma_wait3A_52 = tpu.memref_slice %arg8[%dma_wait3A_50, %dma_wait3A_51] : memref<32x128xi32, #tpu.memory_space<vmem>> -> memref<1x128xi32, #tpu.memory_space<vmem>>
      %dma_wait3A_53 = tpu.memref_squeeze %dma_wait3A_52 : memref<1x128xi32, #tpu.memory_space<vmem>> -> memref<128xi32, #tpu.memory_space<vmem>>
      %dma_wait3A_54 = arith.constant 0 : i32
      %dma_wait3A_55 = arith.constant 0 : i32
      %dma_wait3A_56 = tpu.memref_slice %arg11[%dma_wait3A_54, %dma_wait3A_55] : memref<10112x128xf32, #tpu.memory_space<vmem_shared>> -> memref<10112x128xf32, #tpu.memory_space<vmem_shared>>
      tpu.wait_indirect_dma semaphore(%arg15 : memref<!tpu.dma_semaphore, #tpu.memory_space<semaphore_mem>>) src(%arg10 : memref<128x128xf32, #tpu.memory_space<vmem>>) dst(%dma_wait3A_56 : memref<10112x128xf32, #tpu.memory_space<vmem_shared>>)
    }
    %scan3A_7 = arith.constant 5 : i32
    %barrier3A_8 = arith.constant 0 : index
    tpu.barrier barrier_id(%barrier3A_8)
    %lt3A = arith.constant 15 : i32
    %lt3A_9 = arith.cmpi slt, %arg1, %lt3A : i32
    %convert_element_type3A = arith.extui %lt3A_9 : i1 to i32
    %cond3A = arith.constant 0 : i32
    %cond3A_10 = arith.cmpi ne, %convert_element_type3A, %cond3A : i32
    scf.if %cond3A_10 {
      %mul3A_15 = arith.constant 624 : i32
      %mul3A_16 = arith.muli %arg1, %mul3A_15 : i32
      %mul3A_17 = arith.constant 10000 : i32
      %mul3A_18 = arith.muli %arg0, %mul3A_17 : i32
      %mul3A_19 = arith.constant 624 : i32
      %mul3A_20 = arith.muli %arg1, %mul3A_19 : i32
      %add3A_21 = arith.addi %mul3A_18, %mul3A_20 : i32
      "tpu.region"() ({
        %run_scoped3A = tpu.sem_alloc : memref<!tpu.dma_semaphore, #tpu.memory_space<semaphore_mem>>
        %dma_start3A = arith.constant 0 : i32
        %dma_start3A_22 = tpu.memref_slice %arg6[%add3A_21, %dma_start3A] : memref<20000x128xf32, #tpu.memory_space<hbm>> -> memref<624x128xf32, #tpu.memory_space<hbm>>
        %dma_start3A_23 = arith.constant 0 : i32
        %dma_start3A_24 = tpu.memref_slice %arg11[%mul3A_16, %dma_start3A_23] : memref<10112x128xf32, #tpu.memory_space<vmem_shared>> -> memref<624x128xf32, #tpu.memory_space<vmem_shared>>
        tpu.enqueue_dma source(%dma_start3A_24 : memref<624x128xf32, #tpu.memory_space<vmem_shared>>) target(%dma_start3A_22 : memref<624x128xf32, #tpu.memory_space<hbm>>) target_semaphore(%run_scoped3A : memref<!tpu.dma_semaphore, #tpu.memory_space<semaphore_mem>>)
        %dma_wait3A = arith.constant 0 : i32
        %dma_wait3A_25 = tpu.memref_slice %arg6[%add3A_21, %dma_wait3A] : memref<20000x128xf32, #tpu.memory_space<hbm>> -> memref<624x128xf32, #tpu.memory_space<hbm>>
        %dma_wait3A_26 = arith.constant 0 : i32
        %dma_wait3A_27 = tpu.memref_slice %arg11[%mul3A_16, %dma_wait3A_26] : memref<10112x128xf32, #tpu.memory_space<vmem_shared>> -> memref<624x128xf32, #tpu.memory_space<vmem_shared>>
        tpu.wait_dma2 semaphore(%run_scoped3A : memref<!tpu.dma_semaphore, #tpu.memory_space<semaphore_mem>>) src(%dma_wait3A_27 : memref<624x128xf32, #tpu.memory_space<vmem_shared>>) dst(%dma_wait3A_25 : memref<624x128xf32, #tpu.memory_space<hbm>>)
        tpu.yield
      }) : () -> ()
    } else {
    }
    %eq3A = arith.constant 15 : i32
    %eq3A_11 = arith.cmpi eq, %arg1, %eq3A : i32
    %convert_element_type3A_12 = arith.extui %eq3A_11 : i1 to i32
    %cond3A_13 = arith.constant 0 : i32
    %cond3A_14 = arith.cmpi ne, %convert_element_type3A_12, %cond3A_13 : i32
    scf.if %cond3A_14 {
      %mul3A_15 = arith.constant 10000 : i32
      %mul3A_16 = arith.muli %arg0, %mul3A_15 : i32
      %add3A_17 = arith.constant 9360 : i32
      %add3A_18 = arith.addi %mul3A_16, %add3A_17 : i32
      "tpu.region"() ({
        %run_scoped3A = tpu.sem_alloc : memref<!tpu.dma_semaphore, #tpu.memory_space<semaphore_mem>>
        %dma_start3A = arith.constant 0 : i32
        %dma_start3A_19 = tpu.memref_slice %arg6[%add3A_18, %dma_start3A] : memref<20000x128xf32, #tpu.memory_space<hbm>> -> memref<640x128xf32, #tpu.memory_space<hbm>>
        %dma_start3A_20 = arith.constant 9360 : i32
        %dma_start3A_21 = arith.constant 0 : i32
        %dma_start3A_22 = tpu.memref_slice %arg11[%dma_start3A_20, %dma_start3A_21] : memref<10112x128xf32, #tpu.memory_space<vmem_shared>> -> memref<640x128xf32, #tpu.memory_space<vmem_shared>>
        tpu.enqueue_dma source(%dma_start3A_22 : memref<640x128xf32, #tpu.memory_space<vmem_shared>>) target(%dma_start3A_19 : memref<640x128xf32, #tpu.memory_space<hbm>>) target_semaphore(%run_scoped3A : memref<!tpu.dma_semaphore, #tpu.memory_space<semaphore_mem>>)
        %dma_wait3A = arith.constant 0 : i32
        %dma_wait3A_23 = tpu.memref_slice %arg6[%add3A_18, %dma_wait3A] : memref<20000x128xf32, #tpu.memory_space<hbm>> -> memref<640x128xf32, #tpu.memory_space<hbm>>
        %dma_wait3A_24 = arith.constant 9360 : i32
        %dma_wait3A_25 = arith.constant 0 : i32
        %dma_wait3A_26 = tpu.memref_slice %arg11[%dma_wait3A_24, %dma_wait3A_25] : memref<10112x128xf32, #tpu.memory_space<vmem_shared>> -> memref<640x128xf32, #tpu.memory_space<vmem_shared>>
        tpu.wait_dma2 semaphore(%run_scoped3A : memref<!tpu.dma_semaphore, #tpu.memory_space<semaphore_mem>>) src(%dma_wait3A_26 : memref<640x128xf32, #tpu.memory_space<vmem_shared>>) dst(%dma_wait3A_23 : memref<640x128xf32, #tpu.memory_space<hbm>>)
        tpu.yield
      }) : () -> ()
    } else {
    }
    return
  }
}

module attributes {stable_mosaic.version = 14 : i64} {
  func.func @_tc_embed_body(%arg0: memref<10000x128xf32, #tpu.memory_space<vmem>>, %arg1: memref<128x256xf32, #tpu.memory_space<vmem>>, %arg2: memref<1x256xf32, #tpu.memory_space<vmem>>, %arg3: memref<256x256xf32, #tpu.memory_space<vmem>>, %arg4: memref<20000x8xf32, #tpu.memory_space<vmem>>, %arg5: memref<20008x128xf32, #tpu.memory_space<vmem>>) attributes {dimension_semantics = [], scalar_prefetch = 0 : i64, scratch_operands = 0 : i64, tpu.core_type = #tpu.core_type<tc>} {
    %get3A = arith.constant 0 : index
    %get3A_0 = arith.constant 0 : index
    %get3A_1 = vector.load %arg1[%get3A, %get3A_0] : memref<128x256xf32, #tpu.memory_space<vmem>>, vector<128x256xf32>
    %get3A_2 = arith.constant 0 : index
    %get3A_3 = arith.constant 0 : index
    %get3A_4 = vector.load %arg3[%get3A_2, %get3A_3] : memref<256x256xf32, #tpu.memory_space<vmem>>, vector<256x256xf32>
    %convert_element_type3A = arith.truncf %get3A_1 : vector<128x256xf32> to vector<128x256xbf16>
    %convert_element_type3A_5 = arith.extf %convert_element_type3A : vector<128x256xbf16> to vector<128x256xf32>
    %sub3A = arith.subf %get3A_1, %convert_element_type3A_5 : vector<128x256xf32>
    %convert_element_type3A_6 = arith.truncf %sub3A : vector<128x256xf32> to vector<128x256xbf16>
    %convert_element_type3A_7 = arith.truncf %get3A_4 : vector<256x256xf32> to vector<256x256xbf16>
    %convert_element_type3A_8 = arith.extf %convert_element_type3A_7 : vector<256x256xbf16> to vector<256x256xf32>
    %sub3A_9 = arith.subf %get3A_4, %convert_element_type3A_8 : vector<256x256xf32>
    %convert_element_type3A_10 = arith.truncf %sub3A_9 : vector<256x256xf32> to vector<256x256xbf16>
    %concatenate3A = tpu.concatenate %convert_element_type3A, %convert_element_type3A_6, %convert_element_type3A in 1 : vector<128x256xbf16>, vector<128x256xbf16>, vector<128x256xbf16> -> vector<128x768xbf16>
    %concatenate3A_11 = tpu.concatenate %convert_element_type3A_7, %convert_element_type3A_7, %convert_element_type3A_10 in 0 : vector<256x256xbf16>, vector<256x256xbf16>, vector<256x256xbf16> -> vector<768x256xbf16>
    %dot_general3A = arith.constant dense<0.000000e+00> : vector<128x256xf32>
    %dot_general3A_12 = tpu.matmul %concatenate3A, %concatenate3A_11, %dot_general3A {dimension_numbers = #tpu.dot_dimension_numbers<[1], [0], [0], [1], [0, 0, 1, 1], [], []>, transpose_lhs_hint = false} : vector<128x768xbf16>, vector<768x256xbf16>, vector<128x256xf32> -> vector<128x256xf32>
    %get3A_13 = arith.constant 0 : index
    %get3A_14 = arith.constant 0 : index
    %get3A_15 = vector.load %arg2[%get3A_13, %get3A_14] : memref<1x256xf32, #tpu.memory_space<vmem>>, vector<1x256xf32>
    %get3A_16 = arith.constant 0 : index
    %get3A_17 = arith.constant 0 : index
    %get3A_18 = vector.load %arg3[%get3A_16, %get3A_17] : memref<256x256xf32, #tpu.memory_space<vmem>>, vector<256x256xf32>
    %convert_element_type3A_19 = arith.truncf %get3A_15 : vector<1x256xf32> to vector<1x256xbf16>
    %convert_element_type3A_20 = arith.extf %convert_element_type3A_19 : vector<1x256xbf16> to vector<1x256xf32>
    %sub3A_21 = arith.subf %get3A_15, %convert_element_type3A_20 : vector<1x256xf32>
    %convert_element_type3A_22 = arith.truncf %sub3A_21 : vector<1x256xf32> to vector<1x256xbf16>
    %convert_element_type3A_23 = arith.truncf %get3A_18 : vector<256x256xf32> to vector<256x256xbf16>
    %convert_element_type3A_24 = arith.extf %convert_element_type3A_23 : vector<256x256xbf16> to vector<256x256xf32>
    %sub3A_25 = arith.subf %get3A_18, %convert_element_type3A_24 : vector<256x256xf32>
    %convert_element_type3A_26 = arith.truncf %sub3A_25 : vector<256x256xf32> to vector<256x256xbf16>
    %concatenate3A_27 = tpu.concatenate %convert_element_type3A_19, %convert_element_type3A_22, %convert_element_type3A_19 in 1 : vector<1x256xbf16>, vector<1x256xbf16>, vector<1x256xbf16> -> vector<1x768xbf16>
    %concatenate3A_28 = tpu.concatenate %convert_element_type3A_23, %convert_element_type3A_23, %convert_element_type3A_26 in 0 : vector<256x256xbf16>, vector<256x256xbf16>, vector<256x256xbf16> -> vector<768x256xbf16>
    %dot_general3A_29 = arith.constant dense<0.000000e+00> : vector<1x256xf32>
    %dot_general3A_30 = tpu.matmul %concatenate3A_27, %concatenate3A_28, %dot_general3A_29 {dimension_numbers = #tpu.dot_dimension_numbers<[1], [0], [0], [1], [0, 0, 1, 1], [], []>, transpose_lhs_hint = false} : vector<1x768xbf16>, vector<768x256xbf16>, vector<1x256xf32> -> vector<1x256xf32>
    %get3A_31 = arith.constant 0 : index
    %get3A_32 = arith.constant 0 : index
    %get3A_33 = vector.load %arg0[%get3A_31, %get3A_32] : memref<10000x128xf32, #tpu.memory_space<vmem>>, vector<10000x128xf32>
    %convert_element_type3A_34 = arith.truncf %get3A_33 : vector<10000x128xf32> to vector<10000x128xbf16>
    %convert_element_type3A_35 = arith.extf %convert_element_type3A_34 : vector<10000x128xbf16> to vector<10000x128xf32>
    %sub3A_36 = arith.subf %get3A_33, %convert_element_type3A_35 : vector<10000x128xf32>
    %convert_element_type3A_37 = arith.truncf %sub3A_36 : vector<10000x128xf32> to vector<10000x128xbf16>
    %convert_element_type3A_38 = arith.truncf %dot_general3A_12 : vector<128x256xf32> to vector<128x256xbf16>
    %convert_element_type3A_39 = arith.extf %convert_element_type3A_38 : vector<128x256xbf16> to vector<128x256xf32>
    %sub3A_40 = arith.subf %dot_general3A_12, %convert_element_type3A_39 : vector<128x256xf32>
    %convert_element_type3A_41 = arith.truncf %sub3A_40 : vector<128x256xf32> to vector<128x256xbf16>
    %concatenate3A_42 = tpu.concatenate %convert_element_type3A_34, %convert_element_type3A_37, %convert_element_type3A_34 in 1 : vector<10000x128xbf16>, vector<10000x128xbf16>, vector<10000x128xbf16> -> vector<10000x384xbf16>
    %concatenate3A_43 = tpu.concatenate %convert_element_type3A_38, %convert_element_type3A_38, %convert_element_type3A_41 in 0 : vector<128x256xbf16>, vector<128x256xbf16>, vector<128x256xbf16> -> vector<384x256xbf16>
    %dot_general3A_44 = arith.constant dense<0.000000e+00> : vector<10000x256xf32>
    %dot_general3A_45 = tpu.matmul %concatenate3A_42, %concatenate3A_43, %dot_general3A_44 {dimension_numbers = #tpu.dot_dimension_numbers<[1], [0], [0], [1], [0, 0, 1, 1], [], []>, transpose_lhs_hint = false} : vector<10000x384xbf16>, vector<384x256xbf16>, vector<10000x256xf32> -> vector<10000x256xf32>
    %add3A = vector.broadcast %dot_general3A_30 : vector<1x256xf32> to vector<10000x256xf32>
    %add3A_46 = arith.addf %dot_general3A_45, %add3A : vector<10000x256xf32>
    %get3A_47 = arith.constant 0 : index
    %get3A_48 = arith.constant 0 : index
    %get3A_49 = vector.load %arg4[%get3A_47, %get3A_48] : memref<20000x8xf32, #tpu.memory_space<vmem>>, vector<10000x1xf32>
    %get3A_50 = arith.constant 10000 : index
    %get3A_51 = arith.constant 0 : index
    %get3A_52 = vector.load %arg4[%get3A_50, %get3A_51] : memref<20000x8xf32, #tpu.memory_space<vmem>>, vector<10000x1xf32>
    %add3A_53 = arith.addf %get3A_49, %get3A_52 : vector<10000x1xf32>
    %add3A_54 = arith.constant 1.000000e+00 : f32
    %add3A_55 = vector.broadcast %add3A_54 : f32 to vector<10000x1xf32>
    %add3A_56 = arith.addf %add3A_53, %add3A_55 : vector<10000x1xf32>
    %rsqrt3A = math.rsqrt %add3A_56 : vector<10000x1xf32>
    %mul3A = vector.broadcast %rsqrt3A : vector<10000x1xf32> to vector<10000x256xf32>
    %mul3A_57 = arith.mulf %add3A_46, %mul3A : vector<10000x256xf32>
    %slice3A = vector.extract_strided_slice %mul3A_57 {offsets = [0, 0], sizes = [10000, 128], strides = [1, 1]} : vector<10000x256xf32> to vector<10000x128xf32>
    %swap3A = arith.constant 0 : index
    %swap3A_58 = arith.constant 0 : index
    %swap3A_59 = vector.load %arg5[%swap3A, %swap3A_58] : memref<20008x128xf32, #tpu.memory_space<vmem>>, vector<10000x128xf32>
    tpu.vector_store %arg5[%swap3A, %swap3A_58], %slice3A {strides = array<i32>} : memref<20008x128xf32, #tpu.memory_space<vmem>>, vector<10000x128xf32>,
    %slice3A_60 = vector.extract_strided_slice %mul3A_57 {offsets = [0, 128], sizes = [10000, 128], strides = [1, 1]} : vector<10000x256xf32> to vector<10000x128xf32>
    %swap3A_61 = arith.constant 10000 : index
    %swap3A_62 = arith.constant 0 : index
    %swap3A_63 = vector.load %arg5[%swap3A_61, %swap3A_62] : memref<20008x128xf32, #tpu.memory_space<vmem>>, vector<10000x128xf32>
    tpu.vector_store %arg5[%swap3A_61, %swap3A_62], %slice3A_60 {strides = array<i32>} : memref<20008x128xf32, #tpu.memory_space<vmem>>, vector<10000x128xf32>,
    %broadcast_in_dim3A = arith.constant 0.000000e+00 : f32
    %broadcast_in_dim3A_64 = vector.broadcast %broadcast_in_dim3A : f32 to vector<8x128xf32>
    %swap3A_65 = arith.constant 20000 : index
    %swap3A_66 = arith.constant 0 : index
    %swap3A_67 = vector.load %arg5[%swap3A_65, %swap3A_66] : memref<20008x128xf32, #tpu.memory_space<vmem>>, vector<8x128xf32>
    tpu.vector_store %arg5[%swap3A_65, %swap3A_66], %broadcast_in_dim3A_64 {strides = array<i32>} : memref<20008x128xf32, #tpu.memory_space<vmem>>, vector<8x128xf32>,
    return
  }
}

module attributes {stable_mosaic.version = 14 : i64} {
  func.func @_tc_norm_mid_body(%arg0: i32, %arg1: memref<10000x128xf32, #tpu.memory_space<vmem>>, %arg2: memref<10000x128xf32, #tpu.memory_space<vmem>>, %arg3: memref<20000x8xf32, #tpu.memory_space<vmem>>, %arg4: memref<1x10000xi32, #tpu.memory_space<vmem>>, %arg5: memref<1x128xf32, #tpu.memory_space<vmem>>, %arg6: memref<1x128xf32, #tpu.memory_space<vmem>>, %arg7: memref<1x128xf32, #tpu.memory_space<vmem>>, %arg8: memref<1x128xf32, #tpu.memory_space<vmem>>, %arg9: memref<10000x128xf32, #tpu.memory_space<vmem>>, %arg10: memref<64x128xf32, #tpu.memory_space<vmem>>) attributes {dimension_semantics = [#tpu.dimension_semantics<arbitrary>], iteration_bounds = array<i64: 2>, scalar_prefetch = 0 : i64, scratch_operands = 0 : i64, tpu.core_type = #tpu.core_type<tc>, window_params = [{transform_indices = @transform_0, window_bounds = array<i64: 10000, 128>}, {transform_indices = @transform_1, window_bounds = array<i64: 10000, 128>}, {pipeline_mode = #tpu.pipeline_mode<synchronous>, transform_indices = @transform_2, window_bounds = array<i64: 20000, 8>}, {pipeline_mode = #tpu.pipeline_mode<synchronous>, transform_indices = @transform_3, window_bounds = array<i64: 1, 10000>}, {transform_indices = @transform_4, window_bounds = array<i64: 1, 128>}, {transform_indices = @transform_5, window_bounds = array<i64: 1, 128>}, {transform_indices = @transform_6, window_bounds = array<i64: 1, 128>}, {transform_indices = @transform_7, window_bounds = array<i64: 1, 128>}, {transform_indices = @transform_8, window_bounds = array<i64: 10000, 128>}, {transform_indices = @transform_9, window_bounds = array<i64: 64, 128>}]} {
    %get3A = arith.constant 0 : index
    %get3A_0 = arith.constant 0 : index
    %get3A_1 = vector.load %arg3[%get3A, %get3A_0] : memref<20000x8xf32, #tpu.memory_space<vmem>>, vector<10000x1xf32>
    %get3A_2 = arith.constant 10000 : index
    %get3A_3 = arith.constant 0 : index
    %get3A_4 = vector.load %arg3[%get3A_2, %get3A_3] : memref<20000x8xf32, #tpu.memory_space<vmem>>, vector<10000x1xf32>
    %add3A = arith.addf %get3A_1, %get3A_4 : vector<10000x1xf32>
    %add3A_5 = arith.constant 1.000000e+00 : f32
    %add3A_6 = vector.broadcast %add3A_5 : f32 to vector<10000x1xf32>
    %add3A_7 = arith.addf %add3A, %add3A_6 : vector<10000x1xf32>
    %rsqrt3A = math.rsqrt %add3A_7 : vector<10000x1xf32>
    %get3A_8 = arith.constant 0 : index
    %get3A_9 = arith.constant 0 : index
    %get3A_10 = vector.load %arg1[%get3A_8, %get3A_9] : memref<10000x128xf32, #tpu.memory_space<vmem>>, vector<10000x128xf32>
    %get3A_11 = arith.constant 0 : index
    %get3A_12 = arith.constant 0 : index
    %get3A_13 = vector.load %arg2[%get3A_11, %get3A_12] : memref<10000x128xf32, #tpu.memory_space<vmem>>, vector<10000x128xf32>
    %add3A_14 = arith.addf %get3A_10, %get3A_13 : vector<10000x128xf32>
    %mul3A = vector.broadcast %rsqrt3A : vector<10000x1xf32> to vector<10000x128xf32>
    %mul3A_15 = arith.mulf %mul3A, %add3A_14 : vector<10000x128xf32>
    %get3A_16 = arith.constant 0 : index
    %get3A_17 = arith.constant 0 : index
    %get3A_18 = vector.load %arg5[%get3A_16, %get3A_17] : memref<1x128xf32, #tpu.memory_space<vmem>>, vector<1x128xf32>
    %add3A_19 = vector.broadcast %get3A_18 : vector<1x128xf32> to vector<10000x128xf32>
    %add3A_20 = arith.addf %mul3A_15, %add3A_19 : vector<10000x128xf32>
    %iota3A = tpu.iota {dimensions = array<i32: 0>} : vector<64x10000xi32>
    %get3A_21 = arith.constant 0 : index
    %get3A_22 = arith.constant 0 : index
    %get3A_23 = vector.load %arg4[%get3A_21, %get3A_22] : memref<1x10000xi32, #tpu.memory_space<vmem>>, vector<1x10000xi32>
    %eq3A = vector.broadcast %get3A_23 : vector<1x10000xi32> to vector<64x10000xi32>
    %eq3A_24 = arith.cmpi eq, %iota3A, %eq3A : vector<64x10000xi32>
    %convert_element_type3A = arith.extui %eq3A_24 : vector<64x10000xi1> to vector<64x10000xi32>
    %convert_element_type3A_25 = arith.sitofp %convert_element_type3A : vector<64x10000xi32> to vector<64x10000xf32>
    %convert_element_type3A_26 = arith.truncf %convert_element_type3A_25 : vector<64x10000xf32> to vector<64x10000xbf16>
    %convert_element_type3A_27 = arith.extf %convert_element_type3A_26 : vector<64x10000xbf16> to vector<64x10000xf32>
    %reduce_sum3A = arith.constant dense<0.000000e+00> : vector<64xf32>
    %reduce_sum3A_28 = vector.multi_reduction <add>, %convert_element_type3A_27, %reduce_sum3A [1] : vector<64x10000xf32> to vector<64xf32>
    %broadcast_in_dim3A = vector.shape_cast %reduce_sum3A_28 : vector<64xf32> to vector<64x1xf32>
    %max3A = arith.constant 1.000000e+00 : f32
    %max3A_29 = vector.broadcast %max3A : f32 to vector<64x1xf32>
    %max3A_30 = arith.maximumf %broadcast_in_dim3A, %max3A_29 : vector<64x1xf32>
    %convert_element_type3A_31 = arith.truncf %add3A_20 : vector<10000x128xf32> to vector<10000x128xbf16>
    %convert_element_type3A_32 = arith.extf %convert_element_type3A_31 : vector<10000x128xbf16> to vector<10000x128xf32>
    %sub3A = arith.subf %add3A_20, %convert_element_type3A_32 : vector<10000x128xf32>
    %convert_element_type3A_33 = arith.truncf %sub3A : vector<10000x128xf32> to vector<10000x128xbf16>
    %dot_general3A = arith.constant dense<0.000000e+00> : vector<64x128xf32>
    %dot_general3A_34 = tpu.matmul %convert_element_type3A_26, %convert_element_type3A_31, %dot_general3A {dimension_numbers = #tpu.dot_dimension_numbers<[1], [0], [0], [1], [0, 0, 1, 1], [], []>, transpose_lhs_hint = false} : vector<64x10000xbf16>, vector<10000x128xbf16>, vector<64x128xf32> -> vector<64x128xf32>
    %dot_general3A_35 = arith.constant dense<0.000000e+00> : vector<64x128xf32>
    %dot_general3A_36 = tpu.matmul %convert_element_type3A_26, %convert_element_type3A_33, %dot_general3A_35 {dimension_numbers = #tpu.dot_dimension_numbers<[1], [0], [0], [1], [0, 0, 1, 1], [], []>, transpose_lhs_hint = false} : vector<64x10000xbf16>, vector<10000x128xbf16>, vector<64x128xf32> -> vector<64x128xf32>
    %add3A_37 = arith.addf %dot_general3A_34, %dot_general3A_36 : vector<64x128xf32>
    %div3A = vector.broadcast %max3A_30 : vector<64x1xf32> to vector<64x128xf32>
    %div3A_38 = arith.divf %add3A_37, %div3A : vector<64x128xf32>
    %convert_element_type3A_39 = arith.truncf %div3A_38 : vector<64x128xf32> to vector<64x128xbf16>
    %convert_element_type3A_40 = arith.extf %convert_element_type3A_39 : vector<64x128xbf16> to vector<64x128xf32>
    %sub3A_41 = arith.subf %div3A_38, %convert_element_type3A_40 : vector<64x128xf32>
    %convert_element_type3A_42 = arith.truncf %sub3A_41 : vector<64x128xf32> to vector<64x128xbf16>
    %dot_general3A_43 = arith.constant dense<0.000000e+00> : vector<10000x128xf32>
    %dot_general3A_44 = tpu.matmul %convert_element_type3A_26, %convert_element_type3A_39, %dot_general3A_43 {dimension_numbers = #tpu.dot_dimension_numbers<[0], [0], [1], [1], [0, 1, 1, 1], [], []>, transpose_lhs_hint = false} : vector<64x10000xbf16>, vector<64x128xbf16>, vector<10000x128xf32> -> vector<10000x128xf32>
    %dot_general3A_45 = arith.constant dense<0.000000e+00> : vector<10000x128xf32>
    %dot_general3A_46 = tpu.matmul %convert_element_type3A_26, %convert_element_type3A_42, %dot_general3A_45 {dimension_numbers = #tpu.dot_dimension_numbers<[0], [0], [1], [1], [0, 1, 1, 1], [], []>, transpose_lhs_hint = false} : vector<64x10000xbf16>, vector<64x128xbf16>, vector<10000x128xf32> -> vector<10000x128xf32>
    %add3A_47 = arith.addf %dot_general3A_44, %dot_general3A_46 : vector<10000x128xf32>
    %get3A_48 = arith.constant 0 : index
    %get3A_49 = arith.constant 0 : index
    %get3A_50 = vector.load %arg8[%get3A_48, %get3A_49] : memref<1x128xf32, #tpu.memory_space<vmem>>, vector<1x128xf32>
    %mul3A_51 = vector.broadcast %get3A_50 : vector<1x128xf32> to vector<10000x128xf32>
    %mul3A_52 = arith.mulf %add3A_47, %mul3A_51 : vector<10000x128xf32>
    %sub3A_53 = arith.subf %add3A_20, %mul3A_52 : vector<10000x128xf32>
    %mul3A_54 = arith.mulf %sub3A_53, %sub3A_53 : vector<10000x128xf32>
    %convert_element_type3A_55 = arith.truncf %mul3A_54 : vector<10000x128xf32> to vector<10000x128xbf16>
    %convert_element_type3A_56 = arith.extf %convert_element_type3A_55 : vector<10000x128xbf16> to vector<10000x128xf32>
    %sub3A_57 = arith.subf %mul3A_54, %convert_element_type3A_56 : vector<10000x128xf32>
    %convert_element_type3A_58 = arith.truncf %sub3A_57 : vector<10000x128xf32> to vector<10000x128xbf16>
    %dot_general3A_59 = arith.constant dense<0.000000e+00> : vector<64x128xf32>
    %dot_general3A_60 = tpu.matmul %convert_element_type3A_26, %convert_element_type3A_55, %dot_general3A_59 {dimension_numbers = #tpu.dot_dimension_numbers<[1], [0], [0], [1], [0, 0, 1, 1], [], []>, transpose_lhs_hint = false} : vector<64x10000xbf16>, vector<10000x128xbf16>, vector<64x128xf32> -> vector<64x128xf32>
    %dot_general3A_61 = arith.constant dense<0.000000e+00> : vector<64x128xf32>
    %dot_general3A_62 = tpu.matmul %convert_element_type3A_26, %convert_element_type3A_58, %dot_general3A_61 {dimension_numbers = #tpu.dot_dimension_numbers<[1], [0], [0], [1], [0, 0, 1, 1], [], []>, transpose_lhs_hint = false} : vector<64x10000xbf16>, vector<10000x128xbf16>, vector<64x128xf32> -> vector<64x128xf32>
    %add3A_63 = arith.addf %dot_general3A_60, %dot_general3A_62 : vector<64x128xf32>
    %div3A_64 = vector.broadcast %max3A_30 : vector<64x1xf32> to vector<64x128xf32>
    %div3A_65 = arith.divf %add3A_63, %div3A_64 : vector<64x128xf32>
    %add3A_66 = arith.constant 9.99999974E-6 : f32
    %add3A_67 = vector.broadcast %add3A_66 : f32 to vector<64x128xf32>
    %add3A_68 = arith.addf %div3A_65, %add3A_67 : vector<64x128xf32>
    %rsqrt3A_69 = math.rsqrt %add3A_68 : vector<64x128xf32>
    %convert_element_type3A_70 = arith.truncf %rsqrt3A_69 : vector<64x128xf32> to vector<64x128xbf16>
    %convert_element_type3A_71 = arith.extf %convert_element_type3A_70 : vector<64x128xbf16> to vector<64x128xf32>
    %sub3A_72 = arith.subf %rsqrt3A_69, %convert_element_type3A_71 : vector<64x128xf32>
    %convert_element_type3A_73 = arith.truncf %sub3A_72 : vector<64x128xf32> to vector<64x128xbf16>
    %dot_general3A_74 = arith.constant dense<0.000000e+00> : vector<10000x128xf32>
    %dot_general3A_75 = tpu.matmul %convert_element_type3A_26, %convert_element_type3A_70, %dot_general3A_74 {dimension_numbers = #tpu.dot_dimension_numbers<[0], [0], [1], [1], [0, 1, 1, 1], [], []>, transpose_lhs_hint = false} : vector<64x10000xbf16>, vector<64x128xbf16>, vector<10000x128xf32> -> vector<10000x128xf32>
    %dot_general3A_76 = arith.constant dense<0.000000e+00> : vector<10000x128xf32>
    %dot_general3A_77 = tpu.matmul %convert_element_type3A_26, %convert_element_type3A_73, %dot_general3A_76 {dimension_numbers = #tpu.dot_dimension_numbers<[0], [0], [1], [1], [0, 1, 1, 1], [], []>, transpose_lhs_hint = false} : vector<64x10000xbf16>, vector<64x128xbf16>, vector<10000x128xf32> -> vector<10000x128xf32>
    %add3A_78 = arith.addf %dot_general3A_75, %dot_general3A_77 : vector<10000x128xf32>
    %get3A_79 = arith.constant 0 : index
    %get3A_80 = arith.constant 0 : index
    %get3A_81 = vector.load %arg6[%get3A_79, %get3A_80] : memref<1x128xf32, #tpu.memory_space<vmem>>, vector<1x128xf32>
    %mul3A_82 = vector.broadcast %get3A_81 : vector<1x128xf32> to vector<10000x128xf32>
    %mul3A_83 = arith.mulf %mul3A_82, %sub3A_53 : vector<10000x128xf32>
    %mul3A_84 = arith.mulf %mul3A_83, %add3A_78 : vector<10000x128xf32>
    %get3A_85 = arith.constant 0 : index
    %get3A_86 = arith.constant 0 : index
    %get3A_87 = vector.load %arg7[%get3A_85, %get3A_86] : memref<1x128xf32, #tpu.memory_space<vmem>>, vector<1x128xf32>
    %add3A_88 = vector.broadcast %get3A_87 : vector<1x128xf32> to vector<10000x128xf32>
    %add3A_89 = arith.addf %mul3A_84, %add3A_88 : vector<10000x128xf32>
    %ge3A = arith.constant 0.000000e+00 : f32
    %ge3A_90 = vector.broadcast %ge3A : f32 to vector<10000x128xf32>
    %ge3A_91 = arith.cmpf oge, %add3A_89, %ge3A_90 : vector<10000x128xf32>
    %mul3A_92 = arith.constant 0.00999999977 : f32
    %mul3A_93 = vector.broadcast %mul3A_92 : f32 to vector<10000x128xf32>
    %mul3A_94 = arith.mulf %mul3A_93, %add3A_89 : vector<10000x128xf32>
    %select_n3A = arith.select %ge3A_91, %add3A_89, %mul3A_94 : vector<10000x128xi1>, vector<10000x128xf32>
    %convert_element_type3A_95 = arith.truncf %select_n3A : vector<10000x128xf32> to vector<10000x128xbf16>
    %convert_element_type3A_96 = arith.extf %convert_element_type3A_95 : vector<10000x128xbf16> to vector<10000x128xf32>
    %sub3A_97 = arith.subf %select_n3A, %convert_element_type3A_96 : vector<10000x128xf32>
    %convert_element_type3A_98 = arith.truncf %sub3A_97 : vector<10000x128xf32> to vector<10000x128xbf16>
    %dot_general3A_99 = arith.constant dense<0.000000e+00> : vector<64x128xf32>
    %dot_general3A_100 = tpu.matmul %convert_element_type3A_26, %convert_element_type3A_95, %dot_general3A_99 {dimension_numbers = #tpu.dot_dimension_numbers<[1], [0], [0], [1], [0, 0, 1, 1], [], []>, transpose_lhs_hint = false} : vector<64x10000xbf16>, vector<10000x128xbf16>, vector<64x128xf32> -> vector<64x128xf32>
    %dot_general3A_101 = arith.constant dense<0.000000e+00> : vector<64x128xf32>
    %dot_general3A_102 = tpu.matmul %convert_element_type3A_26, %convert_element_type3A_98, %dot_general3A_101 {dimension_numbers = #tpu.dot_dimension_numbers<[1], [0], [0], [1], [0, 0, 1, 1], [], []>, transpose_lhs_hint = false} : vector<64x10000xbf16>, vector<10000x128xbf16>, vector<64x128xf32> -> vector<64x128xf32>
    %add3A_103 = arith.addf %dot_general3A_100, %dot_general3A_102 : vector<64x128xf32>
    %div3A_104 = vector.broadcast %max3A_30 : vector<64x1xf32> to vector<64x128xf32>
    %div3A_105 = arith.divf %add3A_103, %div3A_104 : vector<64x128xf32>
    %swap3A = arith.constant 0 : index
    %swap3A_106 = arith.constant 0 : index
    %swap3A_107 = vector.load %arg9[%swap3A, %swap3A_106] : memref<10000x128xf32, #tpu.memory_space<vmem>>, vector<10000x128xf32>
    tpu.vector_store %arg9[%swap3A, %swap3A_106], %select_n3A {strides = array<i32>} : memref<10000x128xf32, #tpu.memory_space<vmem>>, vector<10000x128xf32>,
    %swap3A_108 = arith.constant 0 : index
    %swap3A_109 = arith.constant 0 : index
    %swap3A_110 = vector.load %arg10[%swap3A_108, %swap3A_109] : memref<64x128xf32, #tpu.memory_space<vmem>>, vector<64x128xf32>
    tpu.vector_store %arg10[%swap3A_108, %swap3A_109], %div3A_105 {strides = array<i32>} : memref<64x128xf32, #tpu.memory_space<vmem>>, vector<64x128xf32>,
    return
  }
  func.func @transform_0(%arg0: i32) -> (i32, i32) {
    %c0_i32 = arith.constant 0 : i32
    %c0_i32_0 = arith.constant 0 : i32
    return %arg0, %c0_i32 : i32, i32
  }
  func.func @transform_1(%arg0: i32) -> (i32, i32) {
    %c0_i32 = arith.constant 0 : i32
    %c0_i32_0 = arith.constant 0 : i32
    return %arg0, %c0_i32 : i32, i32
  }
  func.func @transform_2(%arg0: i32) -> (i32, i32) {
    %c0_i32 = arith.constant 0 : i32
    %c0_i32_0 = arith.constant 0 : i32
    %c0_i32_1 = arith.constant 0 : i32
    return %c0_i32, %c0_i32_0 : i32, i32
  }
  func.func @transform_3(%arg0: i32) -> (i32, i32) {
    %c0_i32 = arith.constant 0 : i32
    %c0_i32_0 = arith.constant 0 : i32
    %c0_i32_1 = arith.constant 0 : i32
    return %c0_i32, %c0_i32_0 : i32, i32
  }
  func.func @transform_4(%arg0: i32) -> (i32, i32) {
    %c0_i32 = arith.constant 0 : i32
    %c0_i32_0 = arith.constant 0 : i32
    return %c0_i32, %arg0 : i32, i32
  }
  func.func @transform_5(%arg0: i32) -> (i32, i32) {
    %c0_i32 = arith.constant 0 : i32
    %c0_i32_0 = arith.constant 0 : i32
    return %c0_i32, %arg0 : i32, i32
  }
  func.func @transform_6(%arg0: i32) -> (i32, i32) {
    %c0_i32 = arith.constant 0 : i32
    %c0_i32_0 = arith.constant 0 : i32
    return %c0_i32, %arg0 : i32, i32
  }
  func.func @transform_7(%arg0: i32) -> (i32, i32) {
    %c0_i32 = arith.constant 0 : i32
    %c0_i32_0 = arith.constant 0 : i32
    return %c0_i32, %arg0 : i32, i32
  }
  func.func @transform_8(%arg0: i32) -> (i32, i32) {
    %c0_i32 = arith.constant 0 : i32
    %c0_i32_0 = arith.constant 0 : i32
    return %arg0, %c0_i32 : i32, i32
  }
  func.func @transform_9(%arg0: i32) -> (i32, i32) {
    %c0_i32 = arith.constant 0 : i32
    %c0_i32_0 = arith.constant 0 : i32
    return %c0_i32, %arg0 : i32, i32
  }
}

module attributes {stable_mosaic.version = 14 : i64} {
  func.func @_tc_matmul_body(%arg0: memref<20000x128xf32, #tpu.memory_space<vmem>>, %arg1: memref<256x256xf32, #tpu.memory_space<vmem>>, %arg2: memref<20000x8xf32, #tpu.memory_space<vmem>>, %arg3: memref<20008x128xf32, #tpu.memory_space<vmem>>) attributes {dimension_semantics = [], scalar_prefetch = 0 : i64, scratch_operands = 0 : i64, tpu.core_type = #tpu.core_type<tc>} {
    %get3A = arith.constant 0 : index
    %get3A_0 = arith.constant 0 : index
    %get3A_1 = vector.load %arg0[%get3A, %get3A_0] : memref<20000x128xf32, #tpu.memory_space<vmem>>, vector<10000x128xf32>
    %get3A_2 = arith.constant 0 : index
    %get3A_3 = arith.constant 0 : index
    %get3A_4 = vector.load %arg1[%get3A_2, %get3A_3] : memref<256x256xf32, #tpu.memory_space<vmem>>, vector<128x256xf32>
    %convert_element_type3A = arith.truncf %get3A_1 : vector<10000x128xf32> to vector<10000x128xbf16>
    %convert_element_type3A_5 = arith.extf %convert_element_type3A : vector<10000x128xbf16> to vector<10000x128xf32>
    %sub3A = arith.subf %get3A_1, %convert_element_type3A_5 : vector<10000x128xf32>
    %convert_element_type3A_6 = arith.truncf %sub3A : vector<10000x128xf32> to vector<10000x128xbf16>
    %convert_element_type3A_7 = arith.truncf %get3A_4 : vector<128x256xf32> to vector<128x256xbf16>
    %convert_element_type3A_8 = arith.extf %convert_element_type3A_7 : vector<128x256xbf16> to vector<128x256xf32>
    %sub3A_9 = arith.subf %get3A_4, %convert_element_type3A_8 : vector<128x256xf32>
    %convert_element_type3A_10 = arith.truncf %sub3A_9 : vector<128x256xf32> to vector<128x256xbf16>
    %concatenate3A = tpu.concatenate %convert_element_type3A, %convert_element_type3A_6, %convert_element_type3A in 1 : vector<10000x128xbf16>, vector<10000x128xbf16>, vector<10000x128xbf16> -> vector<10000x384xbf16>
    %concatenate3A_11 = tpu.concatenate %convert_element_type3A_7, %convert_element_type3A_7, %convert_element_type3A_10 in 0 : vector<128x256xbf16>, vector<128x256xbf16>, vector<128x256xbf16> -> vector<384x256xbf16>
    %dot_general3A = arith.constant dense<0.000000e+00> : vector<10000x256xf32>
    %dot_general3A_12 = tpu.matmul %concatenate3A, %concatenate3A_11, %dot_general3A {dimension_numbers = #tpu.dot_dimension_numbers<[1], [0], [0], [1], [0, 0, 1, 1], [], []>, transpose_lhs_hint = false} : vector<10000x384xbf16>, vector<384x256xbf16>, vector<10000x256xf32> -> vector<10000x256xf32>
    %get3A_13 = arith.constant 10000 : index
    %get3A_14 = arith.constant 0 : index
    %get3A_15 = vector.load %arg0[%get3A_13, %get3A_14] : memref<20000x128xf32, #tpu.memory_space<vmem>>, vector<10000x128xf32>
    %get3A_16 = arith.constant 128 : index
    %get3A_17 = arith.constant 0 : index
    %get3A_18 = vector.load %arg1[%get3A_16, %get3A_17] : memref<256x256xf32, #tpu.memory_space<vmem>>, vector<128x256xf32>
    %convert_element_type3A_19 = arith.truncf %get3A_15 : vector<10000x128xf32> to vector<10000x128xbf16>
    %convert_element_type3A_20 = arith.extf %convert_element_type3A_19 : vector<10000x128xbf16> to vector<10000x128xf32>
    %sub3A_21 = arith.subf %get3A_15, %convert_element_type3A_20 : vector<10000x128xf32>
    %convert_element_type3A_22 = arith.truncf %sub3A_21 : vector<10000x128xf32> to vector<10000x128xbf16>
    %convert_element_type3A_23 = arith.truncf %get3A_18 : vector<128x256xf32> to vector<128x256xbf16>
    %convert_element_type3A_24 = arith.extf %convert_element_type3A_23 : vector<128x256xbf16> to vector<128x256xf32>
    %sub3A_25 = arith.subf %get3A_18, %convert_element_type3A_24 : vector<128x256xf32>
    %convert_element_type3A_26 = arith.truncf %sub3A_25 : vector<128x256xf32> to vector<128x256xbf16>
    %concatenate3A_27 = tpu.concatenate %convert_element_type3A_19, %convert_element_type3A_22, %convert_element_type3A_19 in 1 : vector<10000x128xbf16>, vector<10000x128xbf16>, vector<10000x128xbf16> -> vector<10000x384xbf16>
    %concatenate3A_28 = tpu.concatenate %convert_element_type3A_23, %convert_element_type3A_23, %convert_element_type3A_26 in 0 : vector<128x256xbf16>, vector<128x256xbf16>, vector<128x256xbf16> -> vector<384x256xbf16>
    %dot_general3A_29 = arith.constant dense<0.000000e+00> : vector<10000x256xf32>
    %dot_general3A_30 = tpu.matmul %concatenate3A_27, %concatenate3A_28, %dot_general3A_29 {dimension_numbers = #tpu.dot_dimension_numbers<[1], [0], [0], [1], [0, 0, 1, 1], [], []>, transpose_lhs_hint = false} : vector<10000x384xbf16>, vector<384x256xbf16>, vector<10000x256xf32> -> vector<10000x256xf32>
    %add3A = arith.addf %dot_general3A_12, %dot_general3A_30 : vector<10000x256xf32>
    %get3A_31 = arith.constant 0 : index
    %get3A_32 = arith.constant 0 : index
    %get3A_33 = vector.load %arg2[%get3A_31, %get3A_32] : memref<20000x8xf32, #tpu.memory_space<vmem>>, vector<10000x1xf32>
    %get3A_34 = arith.constant 10000 : index
    %get3A_35 = arith.constant 0 : index
    %get3A_36 = vector.load %arg2[%get3A_34, %get3A_35] : memref<20000x8xf32, #tpu.memory_space<vmem>>, vector<10000x1xf32>
    %add3A_37 = arith.addf %get3A_33, %get3A_36 : vector<10000x1xf32>
    %add3A_38 = arith.constant 1.000000e+00 : f32
    %add3A_39 = vector.broadcast %add3A_38 : f32 to vector<10000x1xf32>
    %add3A_40 = arith.addf %add3A_37, %add3A_39 : vector<10000x1xf32>
    %rsqrt3A = math.rsqrt %add3A_40 : vector<10000x1xf32>
    %mul3A = vector.broadcast %rsqrt3A : vector<10000x1xf32> to vector<10000x256xf32>
    %mul3A_41 = arith.mulf %add3A, %mul3A : vector<10000x256xf32>
    %slice3A = vector.extract_strided_slice %mul3A_41 {offsets = [0, 0], sizes = [10000, 128], strides = [1, 1]} : vector<10000x256xf32> to vector<10000x128xf32>
    %swap3A = arith.constant 0 : index
    %swap3A_42 = arith.constant 0 : index
    %swap3A_43 = vector.load %arg3[%swap3A, %swap3A_42] : memref<20008x128xf32, #tpu.memory_space<vmem>>, vector<10000x128xf32>
    tpu.vector_store %arg3[%swap3A, %swap3A_42], %slice3A {strides = array<i32>} : memref<20008x128xf32, #tpu.memory_space<vmem>>, vector<10000x128xf32>,
    %slice3A_44 = vector.extract_strided_slice %mul3A_41 {offsets = [0, 128], sizes = [10000, 128], strides = [1, 1]} : vector<10000x256xf32> to vector<10000x128xf32>
    %swap3A_45 = arith.constant 10000 : index
    %swap3A_46 = arith.constant 0 : index
    %swap3A_47 = vector.load %arg3[%swap3A_45, %swap3A_46] : memref<20008x128xf32, #tpu.memory_space<vmem>>, vector<10000x128xf32>
    tpu.vector_store %arg3[%swap3A_45, %swap3A_46], %slice3A_44 {strides = array<i32>} : memref<20008x128xf32, #tpu.memory_space<vmem>>, vector<10000x128xf32>,
    %broadcast_in_dim3A = arith.constant 0.000000e+00 : f32
    %broadcast_in_dim3A_48 = vector.broadcast %broadcast_in_dim3A : f32 to vector<8x128xf32>
    %swap3A_49 = arith.constant 20000 : index
    %swap3A_50 = arith.constant 0 : index
    %swap3A_51 = vector.load %arg3[%swap3A_49, %swap3A_50] : memref<20008x128xf32, #tpu.memory_space<vmem>>, vector<8x128xf32>
    tpu.vector_store %arg3[%swap3A_49, %swap3A_50], %broadcast_in_dim3A_48 {strides = array<i32>} : memref<20008x128xf32, #tpu.memory_space<vmem>>, vector<8x128xf32>,
    return
  }
}

module attributes {stable_mosaic.version = 14 : i64} {
  func.func @_tc_norm_last_body(%arg0: i32, %arg1: memref<10000x128xf32, #tpu.memory_space<vmem>>, %arg2: memref<10000x128xf32, #tpu.memory_space<vmem>>, %arg3: memref<20000x8xf32, #tpu.memory_space<vmem>>, %arg4: memref<1x10000xi32, #tpu.memory_space<vmem>>, %arg5: memref<1x128xf32, #tpu.memory_space<vmem>>, %arg6: memref<1x128xf32, #tpu.memory_space<vmem>>, %arg7: memref<1x128xf32, #tpu.memory_space<vmem>>, %arg8: memref<1x128xf32, #tpu.memory_space<vmem>>, %arg9: memref<64x128xf32, #tpu.memory_space<vmem>>, %arg10: memref<64x128xf32, #tpu.memory_space<vmem>>, %arg11: memref<64x128xf32, #tpu.memory_space<vmem>>) attributes {dimension_semantics = [#tpu.dimension_semantics<arbitrary>], iteration_bounds = array<i64: 2>, scalar_prefetch = 0 : i64, scratch_operands = 0 : i64, tpu.core_type = #tpu.core_type<tc>, window_params = [{transform_indices = @transform_0, window_bounds = array<i64: 10000, 128>}, {transform_indices = @transform_1, window_bounds = array<i64: 10000, 128>}, {pipeline_mode = #tpu.pipeline_mode<synchronous>, transform_indices = @transform_2, window_bounds = array<i64: 20000, 8>}, {pipeline_mode = #tpu.pipeline_mode<synchronous>, transform_indices = @transform_3, window_bounds = array<i64: 1, 10000>}, {transform_indices = @transform_4, window_bounds = array<i64: 1, 128>}, {transform_indices = @transform_5, window_bounds = array<i64: 1, 128>}, {transform_indices = @transform_6, window_bounds = array<i64: 1, 128>}, {transform_indices = @transform_7, window_bounds = array<i64: 1, 128>}, {transform_indices = @transform_8, window_bounds = array<i64: 64, 128>}, {transform_indices = @transform_9, window_bounds = array<i64: 64, 128>}, {transform_indices = @transform_10, window_bounds = array<i64: 64, 128>}]} {
    %get3A = arith.constant 0 : index
    %get3A_0 = arith.constant 0 : index
    %get3A_1 = vector.load %arg3[%get3A, %get3A_0] : memref<20000x8xf32, #tpu.memory_space<vmem>>, vector<10000x1xf32>
    %get3A_2 = arith.constant 10000 : index
    %get3A_3 = arith.constant 0 : index
    %get3A_4 = vector.load %arg3[%get3A_2, %get3A_3] : memref<20000x8xf32, #tpu.memory_space<vmem>>, vector<10000x1xf32>
    %add3A = arith.addf %get3A_1, %get3A_4 : vector<10000x1xf32>
    %add3A_5 = arith.constant 1.000000e+00 : f32
    %add3A_6 = vector.broadcast %add3A_5 : f32 to vector<10000x1xf32>
    %add3A_7 = arith.addf %add3A, %add3A_6 : vector<10000x1xf32>
    %rsqrt3A = math.rsqrt %add3A_7 : vector<10000x1xf32>
    %get3A_8 = arith.constant 0 : index
    %get3A_9 = arith.constant 0 : index
    %get3A_10 = vector.load %arg1[%get3A_8, %get3A_9] : memref<10000x128xf32, #tpu.memory_space<vmem>>, vector<10000x128xf32>
    %get3A_11 = arith.constant 0 : index
    %get3A_12 = arith.constant 0 : index
    %get3A_13 = vector.load %arg2[%get3A_11, %get3A_12] : memref<10000x128xf32, #tpu.memory_space<vmem>>, vector<10000x128xf32>
    %add3A_14 = arith.addf %get3A_10, %get3A_13 : vector<10000x128xf32>
    %mul3A = vector.broadcast %rsqrt3A : vector<10000x1xf32> to vector<10000x128xf32>
    %mul3A_15 = arith.mulf %mul3A, %add3A_14 : vector<10000x128xf32>
    %get3A_16 = arith.constant 0 : index
    %get3A_17 = arith.constant 0 : index
    %get3A_18 = vector.load %arg5[%get3A_16, %get3A_17] : memref<1x128xf32, #tpu.memory_space<vmem>>, vector<1x128xf32>
    %add3A_19 = vector.broadcast %get3A_18 : vector<1x128xf32> to vector<10000x128xf32>
    %add3A_20 = arith.addf %mul3A_15, %add3A_19 : vector<10000x128xf32>
    %iota3A = tpu.iota {dimensions = array<i32: 0>} : vector<64x10000xi32>
    %get3A_21 = arith.constant 0 : index
    %get3A_22 = arith.constant 0 : index
    %get3A_23 = vector.load %arg4[%get3A_21, %get3A_22] : memref<1x10000xi32, #tpu.memory_space<vmem>>, vector<1x10000xi32>
    %eq3A = vector.broadcast %get3A_23 : vector<1x10000xi32> to vector<64x10000xi32>
    %eq3A_24 = arith.cmpi eq, %iota3A, %eq3A : vector<64x10000xi32>
    %convert_element_type3A = arith.extui %eq3A_24 : vector<64x10000xi1> to vector<64x10000xi32>
    %convert_element_type3A_25 = arith.sitofp %convert_element_type3A : vector<64x10000xi32> to vector<64x10000xf32>
    %convert_element_type3A_26 = arith.truncf %convert_element_type3A_25 : vector<64x10000xf32> to vector<64x10000xbf16>
    %convert_element_type3A_27 = arith.extf %convert_element_type3A_26 : vector<64x10000xbf16> to vector<64x10000xf32>
    %reduce_sum3A = arith.constant dense<0.000000e+00> : vector<64xf32>
    %reduce_sum3A_28 = vector.multi_reduction <add>, %convert_element_type3A_27, %reduce_sum3A [1] : vector<64x10000xf32> to vector<64xf32>
    %broadcast_in_dim3A = vector.shape_cast %reduce_sum3A_28 : vector<64xf32> to vector<64x1xf32>
    %max3A = arith.constant 1.000000e+00 : f32
    %max3A_29 = vector.broadcast %max3A : f32 to vector<64x1xf32>
    %max3A_30 = arith.maximumf %broadcast_in_dim3A, %max3A_29 : vector<64x1xf32>
    %convert_element_type3A_31 = arith.truncf %add3A_20 : vector<10000x128xf32> to vector<10000x128xbf16>
    %convert_element_type3A_32 = arith.extf %convert_element_type3A_31 : vector<10000x128xbf16> to vector<10000x128xf32>
    %sub3A = arith.subf %add3A_20, %convert_element_type3A_32 : vector<10000x128xf32>
    %convert_element_type3A_33 = arith.truncf %sub3A : vector<10000x128xf32> to vector<10000x128xbf16>
    %dot_general3A = arith.constant dense<0.000000e+00> : vector<64x128xf32>
    %dot_general3A_34 = tpu.matmul %convert_element_type3A_26, %convert_element_type3A_31, %dot_general3A {dimension_numbers = #tpu.dot_dimension_numbers<[1], [0], [0], [1], [0, 0, 1, 1], [], []>, transpose_lhs_hint = false} : vector<64x10000xbf16>, vector<10000x128xbf16>, vector<64x128xf32> -> vector<64x128xf32>
    %dot_general3A_35 = arith.constant dense<0.000000e+00> : vector<64x128xf32>
    %dot_general3A_36 = tpu.matmul %convert_element_type3A_26, %convert_element_type3A_33, %dot_general3A_35 {dimension_numbers = #tpu.dot_dimension_numbers<[1], [0], [0], [1], [0, 0, 1, 1], [], []>, transpose_lhs_hint = false} : vector<64x10000xbf16>, vector<10000x128xbf16>, vector<64x128xf32> -> vector<64x128xf32>
    %add3A_37 = arith.addf %dot_general3A_34, %dot_general3A_36 : vector<64x128xf32>
    %div3A = vector.broadcast %max3A_30 : vector<64x1xf32> to vector<64x128xf32>
    %div3A_38 = arith.divf %add3A_37, %div3A : vector<64x128xf32>
    %convert_element_type3A_39 = arith.truncf %div3A_38 : vector<64x128xf32> to vector<64x128xbf16>
    %convert_element_type3A_40 = arith.extf %convert_element_type3A_39 : vector<64x128xbf16> to vector<64x128xf32>
    %sub3A_41 = arith.subf %div3A_38, %convert_element_type3A_40 : vector<64x128xf32>
    %convert_element_type3A_42 = arith.truncf %sub3A_41 : vector<64x128xf32> to vector<64x128xbf16>
    %dot_general3A_43 = arith.constant dense<0.000000e+00> : vector<10000x128xf32>
    %dot_general3A_44 = tpu.matmul %convert_element_type3A_26, %convert_element_type3A_39, %dot_general3A_43 {dimension_numbers = #tpu.dot_dimension_numbers<[0], [0], [1], [1], [0, 1, 1, 1], [], []>, transpose_lhs_hint = false} : vector<64x10000xbf16>, vector<64x128xbf16>, vector<10000x128xf32> -> vector<10000x128xf32>
    %dot_general3A_45 = arith.constant dense<0.000000e+00> : vector<10000x128xf32>
    %dot_general3A_46 = tpu.matmul %convert_element_type3A_26, %convert_element_type3A_42, %dot_general3A_45 {dimension_numbers = #tpu.dot_dimension_numbers<[0], [0], [1], [1], [0, 1, 1, 1], [], []>, transpose_lhs_hint = false} : vector<64x10000xbf16>, vector<64x128xbf16>, vector<10000x128xf32> -> vector<10000x128xf32>
    %add3A_47 = arith.addf %dot_general3A_44, %dot_general3A_46 : vector<10000x128xf32>
    %get3A_48 = arith.constant 0 : index
    %get3A_49 = arith.constant 0 : index
    %get3A_50 = vector.load %arg8[%get3A_48, %get3A_49] : memref<1x128xf32, #tpu.memory_space<vmem>>, vector<1x128xf32>
    %mul3A_51 = vector.broadcast %get3A_50 : vector<1x128xf32> to vector<10000x128xf32>
    %mul3A_52 = arith.mulf %add3A_47, %mul3A_51 : vector<10000x128xf32>
    %sub3A_53 = arith.subf %add3A_20, %mul3A_52 : vector<10000x128xf32>
    %mul3A_54 = arith.mulf %sub3A_53, %sub3A_53 : vector<10000x128xf32>
    %convert_element_type3A_55 = arith.truncf %mul3A_54 : vector<10000x128xf32> to vector<10000x128xbf16>
    %convert_element_type3A_56 = arith.extf %convert_element_type3A_55 : vector<10000x128xbf16> to vector<10000x128xf32>
    %sub3A_57 = arith.subf %mul3A_54, %convert_element_type3A_56 : vector<10000x128xf32>
    %convert_element_type3A_58 = arith.truncf %sub3A_57 : vector<10000x128xf32> to vector<10000x128xbf16>
    %dot_general3A_59 = arith.constant dense<0.000000e+00> : vector<64x128xf32>
    %dot_general3A_60 = tpu.matmul %convert_element_type3A_26, %convert_element_type3A_55, %dot_general3A_59 {dimension_numbers = #tpu.dot_dimension_numbers<[1], [0], [0], [1], [0, 0, 1, 1], [], []>, transpose_lhs_hint = false} : vector<64x10000xbf16>, vector<10000x128xbf16>, vector<64x128xf32> -> vector<64x128xf32>
    %dot_general3A_61 = arith.constant dense<0.000000e+00> : vector<64x128xf32>
    %dot_general3A_62 = tpu.matmul %convert_element_type3A_26, %convert_element_type3A_58, %dot_general3A_61 {dimension_numbers = #tpu.dot_dimension_numbers<[1], [0], [0], [1], [0, 0, 1, 1], [], []>, transpose_lhs_hint = false} : vector<64x10000xbf16>, vector<10000x128xbf16>, vector<64x128xf32> -> vector<64x128xf32>
    %add3A_63 = arith.addf %dot_general3A_60, %dot_general3A_62 : vector<64x128xf32>
    %div3A_64 = vector.broadcast %max3A_30 : vector<64x1xf32> to vector<64x128xf32>
    %div3A_65 = arith.divf %add3A_63, %div3A_64 : vector<64x128xf32>
    %add3A_66 = arith.constant 9.99999974E-6 : f32
    %add3A_67 = vector.broadcast %add3A_66 : f32 to vector<64x128xf32>
    %add3A_68 = arith.addf %div3A_65, %add3A_67 : vector<64x128xf32>
    %rsqrt3A_69 = math.rsqrt %add3A_68 : vector<64x128xf32>
    %convert_element_type3A_70 = arith.truncf %rsqrt3A_69 : vector<64x128xf32> to vector<64x128xbf16>
    %convert_element_type3A_71 = arith.extf %convert_element_type3A_70 : vector<64x128xbf16> to vector<64x128xf32>
    %sub3A_72 = arith.subf %rsqrt3A_69, %convert_element_type3A_71 : vector<64x128xf32>
    %convert_element_type3A_73 = arith.truncf %sub3A_72 : vector<64x128xf32> to vector<64x128xbf16>
    %dot_general3A_74 = arith.constant dense<0.000000e+00> : vector<10000x128xf32>
    %dot_general3A_75 = tpu.matmul %convert_element_type3A_26, %convert_element_type3A_70, %dot_general3A_74 {dimension_numbers = #tpu.dot_dimension_numbers<[0], [0], [1], [1], [0, 1, 1, 1], [], []>, transpose_lhs_hint = false} : vector<64x10000xbf16>, vector<64x128xbf16>, vector<10000x128xf32> -> vector<10000x128xf32>
    %dot_general3A_76 = arith.constant dense<0.000000e+00> : vector<10000x128xf32>
    %dot_general3A_77 = tpu.matmul %convert_element_type3A_26, %convert_element_type3A_73, %dot_general3A_76 {dimension_numbers = #tpu.dot_dimension_numbers<[0], [0], [1], [1], [0, 1, 1, 1], [], []>, transpose_lhs_hint = false} : vector<64x10000xbf16>, vector<64x128xbf16>, vector<10000x128xf32> -> vector<10000x128xf32>
    %add3A_78 = arith.addf %dot_general3A_75, %dot_general3A_77 : vector<10000x128xf32>
    %get3A_79 = arith.constant 0 : index
    %get3A_80 = arith.constant 0 : index
    %get3A_81 = vector.load %arg6[%get3A_79, %get3A_80] : memref<1x128xf32, #tpu.memory_space<vmem>>, vector<1x128xf32>
    %mul3A_82 = vector.broadcast %get3A_81 : vector<1x128xf32> to vector<10000x128xf32>
    %mul3A_83 = arith.mulf %mul3A_82, %sub3A_53 : vector<10000x128xf32>
    %mul3A_84 = arith.mulf %mul3A_83, %add3A_78 : vector<10000x128xf32>
    %get3A_85 = arith.constant 0 : index
    %get3A_86 = arith.constant 0 : index
    %get3A_87 = vector.load %arg7[%get3A_85, %get3A_86] : memref<1x128xf32, #tpu.memory_space<vmem>>, vector<1x128xf32>
    %add3A_88 = vector.broadcast %get3A_87 : vector<1x128xf32> to vector<10000x128xf32>
    %add3A_89 = arith.addf %mul3A_84, %add3A_88 : vector<10000x128xf32>
    %ge3A = arith.constant 0.000000e+00 : f32
    %ge3A_90 = vector.broadcast %ge3A : f32 to vector<10000x128xf32>
    %ge3A_91 = arith.cmpf oge, %add3A_89, %ge3A_90 : vector<10000x128xf32>
    %mul3A_92 = arith.constant 0.00999999977 : f32
    %mul3A_93 = vector.broadcast %mul3A_92 : f32 to vector<10000x128xf32>
    %mul3A_94 = arith.mulf %mul3A_93, %add3A_89 : vector<10000x128xf32>
    %select_n3A = arith.select %ge3A_91, %add3A_89, %mul3A_94 : vector<10000x128xi1>, vector<10000x128xf32>
    %convert_element_type3A_95 = arith.truncf %select_n3A : vector<10000x128xf32> to vector<10000x128xbf16>
    %convert_element_type3A_96 = arith.extf %convert_element_type3A_95 : vector<10000x128xbf16> to vector<10000x128xf32>
    %sub3A_97 = arith.subf %select_n3A, %convert_element_type3A_96 : vector<10000x128xf32>
    %convert_element_type3A_98 = arith.truncf %sub3A_97 : vector<10000x128xf32> to vector<10000x128xbf16>
    %dot_general3A_99 = arith.constant dense<0.000000e+00> : vector<64x128xf32>
    %dot_general3A_100 = tpu.matmul %convert_element_type3A_26, %convert_element_type3A_95, %dot_general3A_99 {dimension_numbers = #tpu.dot_dimension_numbers<[1], [0], [0], [1], [0, 0, 1, 1], [], []>, transpose_lhs_hint = false} : vector<64x10000xbf16>, vector<10000x128xbf16>, vector<64x128xf32> -> vector<64x128xf32>
    %dot_general3A_101 = arith.constant dense<0.000000e+00> : vector<64x128xf32>
    %dot_general3A_102 = tpu.matmul %convert_element_type3A_26, %convert_element_type3A_98, %dot_general3A_101 {dimension_numbers = #tpu.dot_dimension_numbers<[1], [0], [0], [1], [0, 0, 1, 1], [], []>, transpose_lhs_hint = false} : vector<64x10000xbf16>, vector<10000x128xbf16>, vector<64x128xf32> -> vector<64x128xf32>
    %add3A_103 = arith.addf %dot_general3A_100, %dot_general3A_102 : vector<64x128xf32>
    %div3A_104 = vector.broadcast %max3A_30 : vector<64x1xf32> to vector<64x128xf32>
    %div3A_105 = arith.divf %add3A_103, %div3A_104 : vector<64x128xf32>
    %get3A_106 = arith.constant 0 : index
    %get3A_107 = arith.constant 0 : index
    %get3A_108 = vector.load %arg9[%get3A_106, %get3A_107] : memref<64x128xf32, #tpu.memory_space<vmem>>, vector<64x128xf32>
    %get3A_109 = arith.constant 0 : index
    %get3A_110 = arith.constant 0 : index
    %get3A_111 = vector.load %arg10[%get3A_109, %get3A_110] : memref<64x128xf32, #tpu.memory_space<vmem>>, vector<64x128xf32>
    %add3A_112 = arith.addf %get3A_108, %get3A_111 : vector<64x128xf32>
    %add3A_113 = arith.addf %add3A_112, %div3A_105 : vector<64x128xf32>
    %mul3A_114 = arith.constant 0.333333343 : f32
    %mul3A_115 = vector.broadcast %mul3A_114 : f32 to vector<64x128xf32>
    %mul3A_116 = arith.mulf %add3A_113, %mul3A_115 : vector<64x128xf32>
    %swap3A = arith.constant 0 : index
    %swap3A_117 = arith.constant 0 : index
    %swap3A_118 = vector.load %arg11[%swap3A, %swap3A_117] : memref<64x128xf32, #tpu.memory_space<vmem>>, vector<64x128xf32>
    tpu.vector_store %arg11[%swap3A, %swap3A_117], %mul3A_116 {strides = array<i32>} : memref<64x128xf32, #tpu.memory_space<vmem>>, vector<64x128xf32>,
    return
  }
  func.func @transform_0(%arg0: i32) -> (i32, i32) {
    %c0_i32 = arith.constant 0 : i32
    %c0_i32_0 = arith.constant 0 : i32
    return %arg0, %c0_i32 : i32, i32
  }
  func.func @transform_1(%arg0: i32) -> (i32, i32) {
    %c0_i32 = arith.constant 0 : i32
    %c0_i32_0 = arith.constant 0 : i32
    return %arg0, %c0_i32 : i32, i32
  }
  func.func @transform_2(%arg0: i32) -> (i32, i32) {
    %c0_i32 = arith.constant 0 : i32
    %c0_i32_0 = arith.constant 0 : i32
    %c0_i32_1 = arith.constant 0 : i32
    return %c0_i32, %c0_i32_0 : i32, i32
  }
  func.func @transform_3(%arg0: i32) -> (i32, i32) {
    %c0_i32 = arith.constant 0 : i32
    %c0_i32_0 = arith.constant 0 : i32
    %c0_i32_1 = arith.constant 0 : i32
    return %c0_i32, %c0_i32_0 : i32, i32
  }
  func.func @transform_4(%arg0: i32) -> (i32, i32) {
    %c0_i32 = arith.constant 0 : i32
    %c0_i32_0 = arith.constant 0 : i32
    return %c0_i32, %arg0 : i32, i32
  }
  func.func @transform_5(%arg0: i32) -> (i32, i32) {
    %c0_i32 = arith.constant 0 : i32
    %c0_i32_0 = arith.constant 0 : i32
    return %c0_i32, %arg0 : i32, i32
  }
  func.func @transform_6(%arg0: i32) -> (i32, i32) {
    %c0_i32 = arith.constant 0 : i32
    %c0_i32_0 = arith.constant 0 : i32
    return %c0_i32, %arg0 : i32, i32
  }
  func.func @transform_7(%arg0: i32) -> (i32, i32) {
    %c0_i32 = arith.constant 0 : i32
    %c0_i32_0 = arith.constant 0 : i32
    return %c0_i32, %arg0 : i32, i32
  }
  func.func @transform_8(%arg0: i32) -> (i32, i32) {
    %c0_i32 = arith.constant 0 : i32
    %c0_i32_0 = arith.constant 0 : i32
    return %c0_i32, %arg0 : i32, i32
  }
  func.func @transform_9(%arg0: i32) -> (i32, i32) {
    %c0_i32 = arith.constant 0 : i32
    %c0_i32_0 = arith.constant 0 : i32
    return %c0_i32, %arg0 : i32, i32
  }
  func.func @transform_10(%arg0: i32) -> (i32, i32) {
    %c0_i32 = arith.constant 0 : i32
    %c0_i32_0 = arith.constant 0 : i32
    return %c0_i32, %arg0 : i32, i32
  }
}

</mosaic_0001>

<sc_bundles>
// kernel: kernel.12.cloned.1.call-start
scs
__scs_entry_jumppad:
0x0: {  	(pc) =	sbr.rel $0x88, $3  }
0x1: {  	(tag) =	ssettag $0x0;
	lr =	simm.s32 $0x1  }
0x2: {  	[smem:$0x3F8D] =	sst lr;
	_ =	strace $0xD0000000  }
0x3: {  	_ = 	snop  }
0x4: {  	_ = 	snop  }
0x5: {  	_ = 	snop  }
0x6: {  	_ = 	snop  }
0x7: {  	_ = 	snop  }
__scs_overlays_trampoline_lowered:
0x8: {  	[smem:$0x3F9C] =	sst s0  }
0x9: {  	[smem:$0x3F9D] =	sst s1  }
0xa: {  	[smem:$0x3F9E] =	sst s2  }
0xb: {  	[smem:$0x3F9F] =	sst s3  }
0xc: {  	[smem:$0x3FA0] =	sst s4  }
0xd: {  	[smem:$0x3FA1] =	sst s5  }
0xe: {  	[smem:$0x3FA2] =	sst s6  }
0xf: {  	[smem:$0x3FA3] =	sst s7  }
0x10: {  	[smem:$0x3FA4] =	sst s8  }
0x11: {  	[smem:$0x3FA5] =	sst s9;
	s0 =	simm.s32 @!p0 $0x0  }
0x12: {  	s1 =	sld [smem:$0x3F8B];
	s0 =	simm.s32 @p0 $0x1  }
0x13: {  	[smem:$0x3FA6] =	sst s0;
	s0 =	simm.s32 @!p1 $0x0  }
0x14: {  	s2 =	sld [smem:$0x3F8A];
	s0 =	simm.s32 @p1 $0x1  }
0x15: {  	[smem:$0x3FA7] =	sst s0;
	s0 =	simm.s32 @!p2 $0x0  }
0x16: {  	s3 =	sld [smem:$0x3FDB];
	s0 =	simm.s32 @p2 $0x1  }
0x17: {  	s4 =	simm.s32 $0x1BF5;
	[smem:$0x3FA9] =	sst s0  }
0x18: {  	s0 =	sld [smem:$0x3F8C];
	_ =	swait.ge [sflag:s4], $0x0  }
0x19: {  	s7 =	sld [smem:$0x3F8D]  }
0x1a: {  	s8 =	sadd.s32 $0xFFFFE003, lr  }
0x1b: {  	s9 =	sadd.s32 $0xFFFFFEF7, lr;
	s5 =	simm.s32 $0xFFFFFFFF;
	p2 =	slt.u32 s8, $0xFFFFF086  }
0x1c: {  	p1 =	slt.u32 s9, $0xF7A;
	s5 =	simm.s32 @!p2 $0x0  }
0x1d: {  	s5 =	simm.s32 @p1 $0x1;
	p0 =	seq.s32 s7, s2  }
0x1e: {  	s7 =	smul.u32 @!p0 $0xF7A, s2;
	p2 =	seq.s32 @!p0 s5, $0x0  }
0x1f: {  	s9 =	smul.u32 $0xF7A, s1;
	s8 =	simm.s32 @!p0 $0x1BF5;
	p2 =	por !p2, p0  }
0x20: {  	[sflag:s8] =	ssyncset.s32 @!p0 $0xFFFFF086;
	s6 =	sadd.s32 @!p0 s3, s7;
	s7 =	simm.s32 @!p0 $0x108  }
0x21: {  	s3 =	sadd.s32 s3, s9;
	s6 =	sadd.s32 @!p0 $0x88, s6;
	s7 =	simm.s32 @p2 $0x1082  }
0x22: {  	[simem:s7], [sflag:s8] =	dma.local @!p0 [hbm:s6], $0xF7A  }
0x23: {  	s9 =	sor.u32 $0xD0000000, s2;
	s6 =	simm.s32 $0x108;
	_ =	swait.ge @!p0 [sflag:s8], $0x0  }
0x24: {  	s3 =	sadd.s32 $0x88, s3;
	s6 =	simm.s32 @!p1 $0x1082;
	[sflag:s4] =	ssyncset.s32 $0xFFFFF086  }
0x25: {  	[simem:s6], [sflag:s4] =	dma.local [hbm:s3], $0xF7A  }
0x26: {  	[smem:$0x3F8D] =	sst s1;
	(tag) =	ssettag s2;
	_ =	strace s9  }
0x27: {  	s1 =	sld [smem:$0x3F9D]  }
0x28: {  	s2 =	sld [smem:$0x3F9E]  }
0x29: {  	s4 =	sld [smem:$0x3FA0]  }
0x2a: {  	p0 =	seq.s32 s5, $0x0;
	s5 =	sld [smem:$0x3FA1]  }
0x2b: {  	s6 =	sld [smem:$0x3FA2]  }
0x2c: {  	s7 =	sld [smem:$0x3FA3]  }
0x2d: {  	s3 =	simm.s32 $0x108;
	s8 =	sld [smem:$0x3FA4]  }
0x2e: {  	s3 =	simm.s32 @!p0 $0x1082;
	s9 =	sld [smem:$0x3FA5]  }
0x2f: {  	lr =	sadd.s32 s0, s3;
	s0 =	sld [smem:$0x3F9C]  }
0x30: {  	s3 =	sld [smem:$0x3F9F]  }
0x31: {  	[smem:$0x3FA8] =	sst s10  }
0x32: {  	s10 =	sld [smem:$0x3FA6];
	_ =	sdelay $0x3  }
0x33: {  	p0 =	seq.s32 s10, $0x1;
	s10 =	sld [smem:$0x3FA8];
	_ =	sdelay $0x3  }
0x34: {  	[smem:$0x3FA8] =	sst s10  }
0x35: {  	s10 =	sld [smem:$0x3FA7];
	_ =	sdelay $0x3  }
0x36: {  	p1 =	seq.s32 s10, $0x1;
	s10 =	sld [smem:$0x3FA8];
	_ =	sdelay $0x3  }
0x37: {  	[smem:$0x3FA8] =	sst s10  }
0x38: {  	s10 =	sld [smem:$0x3FA9]  }
0x39: {  	_ = 	snop;
	(pc) =	sbr.ind lr, $3  }
0x3a: {  	_ = 	snop  }
0x3b: {  	_ = 	snop  }
0x3c: {  	p2 =	seq.s32 s10, $0x1;
	s10 =	sld [smem:$0x3FA8]  }
0x3d: {  	_ =	shalt  }
0x3e: {  	_ =	shalt  }
0x3f: {  	_ =	shalt  }
0x40: {  	_ =	shalt  }
0x41: {  	_ =	shalt  }
0x42: {  	_ =	shalt  }
0x43: {  	_ =	shalt  }
0x44: {  	_ =	shalt  }
0x45: {  	_ =	shalt  }
0x46: {  	_ =	shalt  }
0x47: {  	_ =	shalt  }
0x48: {  	_ =	shalt  }
0x49: {  	_ =	shalt  }
0x4a: {  	_ =	shalt  }
0x4b: {  	_ =	shalt  }
0x4c: {  	_ =	shalt  }
0x4d: {  	_ =	shalt  }
0x4e: {  	_ =	shalt  }
0x4f: {  	_ =	shalt  }
0x50: {  	_ =	shalt  }
0x51: {  	_ =	shalt  }
0x52: {  	_ =	shalt  }
0x53: {  	_ =	shalt  }
0x54: {  	_ =	shalt  }
0x55: {  	_ =	shalt  }
0x56: {  	_ =	shalt  }
0x57: {  	_ =	shalt  }
0x58: {  	_ =	shalt  }
0x59: {  	_ =	shalt  }
0x5a: {  	_ =	shalt  }
0x5b: {  	_ =	shalt  }
0x5c: {  	_ =	shalt  }
0x5d: {  	_ =	shalt  }
0x5e: {  	_ =	shalt  }
0x5f: {  	_ =	shalt  }
0x60: {  	_ =	shalt  }
0x61: {  	_ =	shalt  }
0x62: {  	_ =	shalt  }
0x63: {  	_ =	shalt  }
0x64: {  	_ =	shalt  }
0x65: {  	_ =	shalt  }
0x66: {  	_ =	shalt  }
0x67: {  	_ =	shalt  }
0x68: {  	_ =	shalt  }
0x69: {  	_ =	shalt  }
0x6a: {  	_ =	shalt  }
0x6b: {  	_ =	shalt  }
0x6c: {  	_ =	shalt  }
0x6d: {  	_ =	shalt  }
0x6e: {  	_ =	shalt  }
0x6f: {  	_ =	shalt  }
0x70: {  	_ =	shalt  }
0x71: {  	_ =	shalt  }
0x72: {  	_ =	shalt  }
0x73: {  	_ =	shalt  }
0x74: {  	_ =	shalt  }
0x75: {  	_ =	shalt  }
0x76: {  	_ =	shalt  }
0x77: {  	_ =	shalt  }
0x78: {  	_ =	shalt  }
0x79: {  	_ =	shalt  }
0x7a: {  	_ =	shalt  }
0x7b: {  	_ =	shalt  }
0x7c: {  	_ =	shalt  }
0x7d: {  	_ =	shalt  }
0x7e: {  	_ =	shalt  }
0x7f: {  	_ =	shalt  }
0x80: {  	_ =	shalt  }
0x81: {  	_ =	shalt  }
0x82: {  	_ =	shalt  }
0x83: {  	_ =	shalt  }
0x84: {  	_ =	shalt  }
0x85: {  	_ =	shalt  }
0x86: {  	_ =	shalt  }
0x87: {  	_ =	shalt  }
.Lfunc_end0:
.L_simem_size_0:
called_computation_lowered:
.L_overlay_start_0:
0x88: {  	s2 =	sld [smem:$0x3FD9]  }
0x89: {  	s3 =	sld [smem:$0x3FFE];
	_ =	sdelay $0x1  }
0x8a: {  	s1 =	srdreg.scid  }
0x8b: {  	s0 =	sand.u32 $0x1, s1  }
0x8c: {  	s17 =	sshll.u32 s0, $0xA;
	s2 =	sadd.s32 s3, s2  }
0x8d: {  	s2 =	sadd.s32 s2, s17  }
0x8e: {  	[smem:$0x3FB4] =	sst s2  }
0x8f: {  	_ = 	snop  }
0x90: {  	s2 =	sld [smem:$0x3FD0];
	(tm) =	ssettm $0x1  }
0x91: {  	s18 =	sld [smem:$0x3FFB];
	_ =	sdelay $0x3  }
0x92: {  	_ =	strace s18  }
0x93: {  	s3 =	sld [smem:$0x3FFC];
	_ =	sdelay $0x3  }
0x94: {  	_ =	strace s3  }
0x95: {  	s3 =	sld [smem:$0x3FFD];
	_ =	sdelay $0x3  }
0x96: {  	_ =	strace s3  }
0x97: {  	_ =	strace $0x8FFFFFFF  }
0x98: {  	s19 =	sld [smem:$0x3FDB];
	_ =	sdelay $0x1  }
0x99: {  	s4 =	simm.s32 $_scs_section_size  }
0x9a: {  	s5 =	simm.s32 $_size__tile_overlayer_lowered;
	s6 =	simm.s32 $_tile_overlayer_lowered  }
0x9b: {  	s22 =	simm.s32 $0x1BFF;
	s21 =	sshll.u32 s6, $0x1;
	s3 =	sadd.s32 s4, s19  }
0x9c: {  	s7 =	simm.s32 $0x0;
	s20 =	sshll.u32 s5, $0x1;
	s5 =	sadd.s32 s21, s3  }
0x9d: {  	[timem:s7], [sflag:s22] =	dma.local [hbm:s5], s20  }
0x9e: {  	_ =	swait.ge [sflag:s22], s20  }
0x9f: {  	s4 =	ssub.s32 $0x0, s20;
	[sflag:s22] =	ssyncset.done $0x0  }
0xa0: {  	[sflag:s22] =	ssyncadd.s32 s4;
	_ =	sdelay $0x1  }
0xa1: {  	s23 =	simm.s32 $0x1B8B  }
0xa2: {  	_ =	swait.ge [sflag:s23], $0x1  }
0xa3: {  	[sflag:s23] =	ssyncset.done $0x0  }
0xa4: {  	s25 =	simm.s32 $0x1B8E;
	s24 =	sld [smem:$0x3FFE];
	[sflag:s23] =	ssyncadd.s32 $0xFFFFFFFF  }
0xa5: {  	s26 =	simm.s32 $execute0_lowered;
	[smem:$0x3FD2] =	sst s25  }
0xa6: {  	s5 =	sshll.u32 s26, $0x1;
	_ =	strace $0x80000046;
	[dreg:$0x1] =	wrdreg $0xFFFFFFFF  }
0xa7: {  	s28 =	simm.s32 $_size_execute0_lowered;
	s3 =	sadd.s32 s3, s5;
	[dreg:$0x0] =	wrdreg $0x0  }
0xa8: {  	s5 =	sshll.u32 s28, $0x1;
	[dreg:$0x2] =	wrdreg s3  }
0xa9: {  	[dreg:$0x3] =	wrdreg s5  }
0xaa: {  	[dreg:$0x4] =	wrdreg $0xC0  }
0xab: {  	_ =	task [dreg:s7], $0x5FFFF  }
0xac: {  	[dreg:$0x1] =	wrdreg $0xFFFFFFFF  }
0xad: {  	[dreg:$0x0] =	wrdreg $0x60  }
0xae: {  	[dreg:$0x2] =	wrdreg s24  }
0xaf: {  	[dreg:$0x3] =	wrdreg s2  }
0xb0: {  	[dreg:$0x4] =	wrdreg $0x90000  }
0xb1: {  	[dreg:$0x5] =	wrdreg $0x9  }
0xb2: {  	_ =	task.clear_ibuf [dreg:s7], $0x6FFFF;
	_ =	strace $0x90000046  }
0xb3: {  	s29 =	simm.s32 $0x9;
	_ =	strace $0x80000048  }
0xb4: {  	_ =	swait.ge [sflag:s29], $0x1  }
0xb5: {  	[sflag:s29] =	ssyncadd.s32 $0xFFFFFFFF  }
0xb6: {  	_ =	strace $0x90000048  }
0xb7: {  	_ =	sfence  }
0xb8: {  	s30 =	sld [smem:$0x0];
	_ =	sdelay $0x2  }
0xb9: {  	s31 =	sshll.u32 s1, $0xD;
	s1 =	sshrl.u32 s1, $0x2  }
0xba: {  	s3 =	sand.u32 $0x4000, s31;
	s1 =	sadd.s32 s1, s30  }
0xbb: {  	s0 =	sor.u32 s3, s0;
	s1 =	sshll.u32 s1, $0x11  }
0xbc: {  	s0 =	sor.u32 s1, s0  }
0xbd: {  	s0 =	sadd.s32 $0x8F2B, s0  }
0xbe: {  	[sflag:s0] =	ssyncadd.remote.s32 $0x1  }
0xbf: {  	_ =	sfence.sel $0xFFFF  }
0xc0: {  	[dreg:$0x0] =	wrdreg $0xFFFFFFFF;
	(pc) =	sbr.abs _section_cstart, $3  }
0xc1: {  	[dreg:$0x1] =	wrdreg $0xFFFFFFFF  }
0xc2: {  	_ =	task.clear_ibuf [dreg:s7], $0x2FFFF;
	_ =	strace $0x9FFFFFFF  }
0xc3: {  	(tm) =	ssettm $0x7FFFFFFF  }
tec
execute0_lowered:
.L_overlay_start_1:
0x0: {  	(tag) =	ssettag $0x1  }
0x1: {  	s6 =	rddreg [dreg:$0x0]  }
0x2: {  	s2 =	rddreg [dreg:$0x1];
	s1 =	stileid.u32  }
0x3: {  	s3 =	rddreg [dreg:$0x2];
	s5 =	smul.u32 $0xA00, s1  }
0x4: {  	s0 =	rddreg [dreg:$0x3];
	s4 =	simm.s32 $0x0;
	s8 =	smul.u32 $0x4F000, s1  }
0x5: {  	s7 =	srdreg.scid;
	s19 =	simm.s32 $0x0;
	s12 =	smul.u32 $0x4E000, s1  }
0x6: {  	[smem:$0x7FF] =	sst s4;
	s7 =	sand.u32 $0x1, s7;
	s15 =	smul.u32 $0x2700, s1  }
0x7: {  	s13 =	sadd.s32 $0xD600, s6;
	s26 =	sshll.u32 s1, $0x6;
	s10 =	smul.u32 $0xA000, s7  }
0x8: {  	p0 =	seq.s32 s1, $0xF;
	_ =	strace $0x80000047;
	s14 =	smul.u32 $0x27100, s7  }
0x9: {  	s11 =	ssub.s32 $0x2, s7;
	s17 =	smul.u32 $0x138800, s7;
	s9 =	sadd.s32 s5, s6  }
0xa: {  	s5 =	sadd.s32 $0xAE00, s6;
	s24 =	sshrl.u32 s11, $0x1;
	s25 =	sshrl.u32 s8, $0x2  }
0xb: {  	s6 =	sor.u32 $0x1C02, s26;
	s28 =	sshrl.u32 s12, $0x2;
	s11 =	ssub.s32 s11, s24  }
0xc: {  	s16 =	sadd.s32 s25, s3;
	s7 =	sadd.s32 $0xE00, s9;
	s8 =	sshrl.u32 s10, $0x2  }
0xd: {  	s29 =	sadd.s32 s15, s14;
	s30 =	sshrl.u32 s17, $0x3;
	s18 =	sadd.s32 s28, s3  }
0xe: {  	s17 =	sadd.s32 $0x124800, s3;
	s14 =	simm.s32 $0x5000;
	s15 =	simm.s32 $0x80  }
0xf: {  	s9 =	sadd.s32 s13, s29;
	s31 =	sadd.s32 s13, s30;
	s11 =	smax.u32 s11, $0x1  }
0x10: {  	s12 =	sshrl.u32 s16, $0x3;
	s13 =	simm.s32 $0x2;
	s16 =	simm.s32 $0x1  }
0x11: {  	s17 =	sshrl.u32 @p0 s17, $0x3;
	s18 =	sshrl.u32 @!p0 s18, $0x3;
	s10 =	sadd.s32 $0x24900, s31  }
.LBB2_1:
0x12: {  	[spmem:s12], [sflag:s6] =	dma.local [hbm:s5], $0x2780  }
0x13: {  	_ =	swait.ge [sflag:s13], $0x2780  }
0x14: {  	[sflag:s13] =	ssyncset.done $0x0  }
0x15: {  	[sflag:s13] =	ssyncadd.s32 $0xFFFFD880  }
0x16: {  	[tilespmem:s4], [sflag:$0x2] =	stream.linear.gather [hbm4b:s7+s4], $0x5000, $0x38;
	[tilespmem:$0x1CC00] =	vst v63  }
0x17: {  	_ =	swait.ge [sflag:s13], $0x5000  }
0x18: {  	[sflag:s13] =	ssyncset.done $0x0  }
0x19: {  	[sflag:s13] =	ssyncadd.s32 $0xFFFFB000  }
0x1a: {  	[tilespmem:s14], [sflag:$0x2] =	stream.linear.gather [hbm4b:s2+s4], $0x4000, $0x38;
	[tilespmem:$0x1CC00] =	vst v63  }
0x1b: {  	_ =	swait.ge [sflag:s13], $0x4000  }
0x1c: {  	[sflag:s13] =	ssyncset.done $0x0  }
0x1d: {  	[sflag:s13] =	ssyncadd.s32 $0xFFFFC000  }
0x1e: {  	s20 =	sadd.s32 $0x0, s8;
	[bflag:$0x0] =	sbarrier.arrive $0xFFFF  }
0x1f: {  	[spmem:s3] =	stream.indirect.scatter.add.f32 [tilespmem:s14], [sflag:$0x1], $0x80, s20, s15, $0xb8;
	[tilespmem:$0x1CC00] =	vst v63  }
0x20: {  	s21 =	sadd.s32 $0x80, s20  }
0x21: {  	[spmem:s3] =	stream.indirect.scatter.add.f32 [tilespmem:s14], [sflag:$0x1], $0x80, s21, s15, $0xb8;
	[tilespmem:$0x1CC00] =	vst v63  }
0x22: {  	s26 =	sadd.s32 $0x100, s20  }
0x23: {  	[spmem:s3] =	stream.indirect.scatter.add.f32 [tilespmem:s14], [sflag:$0x1], $0x80, s26, s15, $0xb8;
	[tilespmem:$0x1CC00] =	vst v63  }
0x24: {  	s28 =	sadd.s32 $0x180, s20  }
0x25: {  	[spmem:s3] =	stream.indirect.scatter.add.f32 [tilespmem:s14], [sflag:$0x1], $0x80, s28, s15, $0xb8;
	[tilespmem:$0x1CC00] =	vst v63  }
0x26: {  	s29 =	sadd.s32 $0x200, s20  }
0x27: {  	[spmem:s3] =	stream.indirect.scatter.add.f32 [tilespmem:s14], [sflag:$0x1], $0x80, s29, s15, $0xb8;
	[tilespmem:$0x1CC00] =	vst v63  }
0x28: {  	s30 =	sadd.s32 $0x280, s20  }
0x29: {  	[spmem:s3] =	stream.indirect.scatter.add.f32 [tilespmem:s14], [sflag:$0x1], $0x80, s30, s15, $0xb8;
	[tilespmem:$0x1CC00] =	vst v63  }
0x2a: {  	s31 =	sadd.s32 $0x300, s20  }
0x2b: {  	[spmem:s3] =	stream.indirect.scatter.add.f32 [tilespmem:s14], [sflag:$0x1], $0x80, s31, s15, $0xb8;
	[tilespmem:$0x1CC00] =	vst v63  }
0x2c: {  	s20 =	sadd.s32 $0x380, s20  }
0x2d: {  	[spmem:s3] =	stream.indirect.scatter.add.f32 [tilespmem:s14], [sflag:$0x1], $0x80, s20, s15, $0xb8;
	[tilespmem:$0x1CC00] =	vst v63  }
0x2e: {  	_ =	swait.ge [sflag:s16], $0x4000  }
0x2f: {  	[sflag:s16] =	ssyncset.done $0x0  }
0x30: {  	[sflag:s16] =	ssyncadd.s32 $0xFFFFC000  }
0x31: {  	_ =	swait.ge [sflag:s16], $0x4000  }
0x32: {  	[sflag:s16] =	ssyncset.done $0x0  }
0x33: {  	[sflag:s16] =	ssyncadd.s32 $0xFFFFC000  }
0x34: {  	_ =	swait.ge [sflag:s16], $0x4000  }
0x35: {  	[sflag:s16] =	ssyncset.done $0x0  }
0x36: {  	[sflag:s16] =	ssyncadd.s32 $0xFFFFC000  }
0x37: {  	_ =	swait.ge [sflag:s16], $0x4000  }
0x38: {  	[sflag:s16] =	ssyncset.done $0x0  }
0x39: {  	[sflag:s16] =	ssyncadd.s32 $0xFFFFC000  }
0x3a: {  	_ =	swait.ge [sflag:s16], $0x4000  }
0x3b: {  	[sflag:s16] =	ssyncset.done $0x0  }
0x3c: {  	[sflag:s16] =	ssyncadd.s32 $0xFFFFC000  }
0x3d: {  	_ =	swait.ge [sflag:s16], $0x4000  }
0x3e: {  	[sflag:s16] =	ssyncset.done $0x0  }
0x3f: {  	[sflag:s16] =	ssyncadd.s32 $0xFFFFC000  }
0x40: {  	_ =	swait.ge [sflag:s16], $0x4000  }
0x41: {  	[sflag:s16] =	ssyncset.done $0x0  }
0x42: {  	[sflag:s16] =	ssyncadd.s32 $0xFFFFC000  }
0x43: {  	_ =	swait.ge [sflag:s16], $0x4000  }
0x44: {  	s22 =	simm.s32 $0x2000;
	s21 =	simm.s32 $0x400;
	[sflag:s16] =	ssyncset.done $0x0  }
.LBB2_2:
0x45: {  	s23 =	sadd.s32 s21, s8  }
0x46: {  	[sflag:s16] =	ssyncadd.s32 $0xFFFFC000;
	s21 =	smov.u32 s22;
	s20 =	sadd.s32 $0x1000, s22  }
0x47: {  	[spmem:s3] =	stream.indirect.scatter.add.f32 [tilespmem:s14], [sflag:$0x1], $0x80, s23, s15, $0xb8;
	[tilespmem:$0x1CC00] =	vst v63  }
0x48: {  	p1 =	sne.s32 s22, $0x9000;
	s22 =	sadd.s32 $0x80, s23  }
0x49: {  	[spmem:s3] =	stream.indirect.scatter.add.f32 [tilespmem:s14], [sflag:$0x1], $0x80, s22, s15, $0xb8;
	[tilespmem:$0x1CC00] =	vst v63  }
0x4a: {  	s22 =	sadd.s32 $0x100, s23  }
0x4b: {  	[spmem:s3] =	stream.indirect.scatter.add.f32 [tilespmem:s14], [sflag:$0x1], $0x80, s22, s15, $0xb8;
	[tilespmem:$0x1CC00] =	vst v63  }
0x4c: {  	s22 =	sadd.s32 $0x180, s23  }
0x4d: {  	[spmem:s3] =	stream.indirect.scatter.add.f32 [tilespmem:s14], [sflag:$0x1], $0x80, s22, s15, $0xb8;
	[tilespmem:$0x1CC00] =	vst v63  }
0x4e: {  	s22 =	sadd.s32 $0x200, s23  }
0x4f: {  	[spmem:s3] =	stream.indirect.scatter.add.f32 [tilespmem:s14], [sflag:$0x1], $0x80, s22, s15, $0xb8;
	[tilespmem:$0x1CC00] =	vst v63  }
0x50: {  	s22 =	sadd.s32 $0x280, s23  }
0x51: {  	[spmem:s3] =	stream.indirect.scatter.add.f32 [tilespmem:s14], [sflag:$0x1], $0x80, s22, s15, $0xb8;
	[tilespmem:$0x1CC00] =	vst v63  }
0x52: {  	s22 =	sadd.s32 $0x300, s23  }
0x53: {  	[spmem:s3] =	stream.indirect.scatter.add.f32 [tilespmem:s14], [sflag:$0x1], $0x80, s22, s15, $0xb8;
	[tilespmem:$0x1CC00] =	vst v63  }
0x54: {  	s22 =	sadd.s32 $0x380, s23  }
0x55: {  	[spmem:s3] =	stream.indirect.scatter.add.f32 [tilespmem:s14], [sflag:$0x1], $0x80, s22, s15, $0xb8;
	[tilespmem:$0x1CC00] =	vst v63  }
0x56: {  	_ =	swait.ge [sflag:s16], $0x4000  }
0x57: {  	[sflag:s16] =	ssyncset.done $0x0  }
0x58: {  	[sflag:s16] =	ssyncadd.s32 $0xFFFFC000  }
0x59: {  	_ =	swait.ge [sflag:s16], $0x4000  }
0x5a: {  	[sflag:s16] =	ssyncset.done $0x0  }
0x5b: {  	[sflag:s16] =	ssyncadd.s32 $0xFFFFC000  }
0x5c: {  	_ =	swait.ge [sflag:s16], $0x4000  }
0x5d: {  	[sflag:s16] =	ssyncset.done $0x0  }
0x5e: {  	[sflag:s16] =	ssyncadd.s32 $0xFFFFC000  }
0x5f: {  	_ =	swait.ge [sflag:s16], $0x4000  }
0x60: {  	[sflag:s16] =	ssyncset.done $0x0  }
0x61: {  	[sflag:s16] =	ssyncadd.s32 $0xFFFFC000  }
0x62: {  	_ =	swait.ge [sflag:s16], $0x4000  }
0x63: {  	[sflag:s16] =	ssyncset.done $0x0  }
0x64: {  	[sflag:s16] =	ssyncadd.s32 $0xFFFFC000  }
0x65: {  	_ =	swait.ge [sflag:s16], $0x4000  }
0x66: {  	[sflag:s16] =	ssyncset.done $0x0  }
0x67: {  	[sflag:s16] =	ssyncadd.s32 $0xFFFFC000  }
.Ltmp0:
0x68: {  	_ =	swait.ge [sflag:s16], $0x4000;
	(pc) =	sbr.rel @p1 .LBB2_2-.Ltmp0, $4  }
0x69: {  	[sflag:s16] =	ssyncset.done $0x0  }
0x6a: {  	[sflag:s16] =	ssyncadd.s32 $0xFFFFC000  }
0x6b: {  	_ =	swait.ge [sflag:s16], $0x4000  }
0x6c: {  	s21 =	sshra.s32 s21, $0x2;
	s22 =	smov.u32 s20;
	[sflag:s16] =	ssyncset.done $0x0  }
0x6d: {  	s20 =	sadd.s32 s21, s8;
	[sflag:s16] =	ssyncadd.s32 $0xFFFFC000  }
0x6e: {  	[spmem:s3] =	stream.indirect.scatter.add.f32 [tilespmem:s14], [sflag:$0x1], $0x80, s20, s15, $0xb8;
	[tilespmem:$0x1CC00] =	vst v63  }
0x6f: {  	s21 =	sadd.s32 $0x80, s20  }
0x70: {  	[spmem:s3] =	stream.indirect.scatter.add.f32 [tilespmem:s14], [sflag:$0x1], $0x80, s21, s15, $0xb8;
	[tilespmem:$0x1CC00] =	vst v63  }
0x71: {  	s26 =	sadd.s32 $0x100, s20  }
0x72: {  	[spmem:s3] =	stream.indirect.scatter.add.f32 [tilespmem:s14], [sflag:$0x1], $0x80, s26, s15, $0xb8;
	[tilespmem:$0x1CC00] =	vst v63  }
0x73: {  	s28 =	sadd.s32 $0x180, s20  }
0x74: {  	[spmem:s3] =	stream.indirect.scatter.add.f32 [tilespmem:s14], [sflag:$0x1], $0x80, s28, s15, $0xb8;
	[tilespmem:$0x1CC00] =	vst v63  }
0x75: {  	s29 =	sadd.s32 $0x200, s20  }
0x76: {  	[spmem:s3] =	stream.indirect.scatter.add.f32 [tilespmem:s14], [sflag:$0x1], $0x80, s29, s15, $0xb8;
	[tilespmem:$0x1CC00] =	vst v63  }
0x77: {  	s30 =	sadd.s32 $0x280, s20  }
0x78: {  	[spmem:s3] =	stream.indirect.scatter.add.f32 [tilespmem:s14], [sflag:$0x1], $0x80, s30, s15, $0xb8;
	[tilespmem:$0x1CC00] =	vst v63  }
0x79: {  	s31 =	sadd.s32 $0x300, s20  }
0x7a: {  	[spmem:s3] =	stream.indirect.scatter.add.f32 [tilespmem:s14], [sflag:$0x1], $0x80, s31, s15, $0xb8;
	[tilespmem:$0x1CC00] =	vst v63  }
0x7b: {  	s20 =	sadd.s32 $0x380, s20  }
0x7c: {  	[spmem:s3] =	stream.indirect.scatter.add.f32 [tilespmem:s14], [sflag:$0x1], $0x80, s20, s15, $0xb8;
	[tilespmem:$0x1CC00] =	vst v63  }
0x7d: {  	_ =	swait.ge [sflag:s16], $0x4000  }
0x7e: {  	[sflag:s16] =	ssyncset.done $0x0  }
0x7f: {  	[sflag:s16] =	ssyncadd.s32 $0xFFFFC000  }
0x80: {  	_ =	swait.ge [sflag:s16], $0x4000  }
0x81: {  	[sflag:s16] =	ssyncset.done $0x0  }
0x82: {  	[sflag:s16] =	ssyncadd.s32 $0xFFFFC000  }
0x83: {  	_ =	swait.ge [sflag:s16], $0x4000  }
0x84: {  	[sflag:s16] =	ssyncset.done $0x0  }
0x85: {  	[sflag:s16] =	ssyncadd.s32 $0xFFFFC000  }
0x86: {  	_ =	swait.ge [sflag:s16], $0x4000  }
0x87: {  	[sflag:s16] =	ssyncset.done $0x0  }
0x88: {  	[sflag:s16] =	ssyncadd.s32 $0xFFFFC000  }
0x89: {  	_ =	swait.ge [sflag:s16], $0x4000  }
0x8a: {  	[sflag:s16] =	ssyncset.done $0x0  }
0x8b: {  	[sflag:s16] =	ssyncadd.s32 $0xFFFFC000  }
0x8c: {  	_ =	swait.ge [sflag:s16], $0x4000  }
0x8d: {  	[sflag:s16] =	ssyncset.done $0x0  }
0x8e: {  	[sflag:s16] =	ssyncadd.s32 $0xFFFFC000  }
0x8f: {  	_ =	swait.ge [sflag:s16], $0x4000  }
0x90: {  	[sflag:s16] =	ssyncset.done $0x0  }
0x91: {  	[sflag:s16] =	ssyncadd.s32 $0xFFFFC000  }
0x92: {  	_ =	swait.ge [sflag:s16], $0x4000  }
0x93: {  	[sflag:s16] =	ssyncset.done $0x0  }
0x94: {  	[sflag:s16] =	ssyncadd.s32 $0xFFFFC000  }
0x95: {  	s20 =	simm.s32 @p0 $0x2;
	[bflag:$0x0] =	sbarrier.arrive $0xFFFF  }
0x96: {  	[hbm:s10], [sflag:s6] =	dma.local @p0 [spmem:s17], $0x2800  }
0x97: {  	s19 =	sadd.s32 $0x1, s19;
	_ =	swait.ge @p0 [sflag:s20], $0x2800  }
0x98: {  	p1 =	sne.s32 s19, s11;
	[sflag:s20] =	ssyncset.done @p0 $0x0  }
.Ltmp1:
0x99: {  	[sflag:s20] =	ssyncadd.s32 @p0 $0xFFFFD800;
	s20 =	simm.s32 @!p0 $0x2;
	(pc) =	sbr.rel @p1 .LBB2_1-.Ltmp1, $4  }
0x9a: {  	[hbm:s9], [sflag:s6] =	dma.local @!p0 [spmem:s18], $0x2700  }
0x9b: {  	_ =	swait.ge @!p0 [sflag:s20], $0x2700  }
0x9c: {  	[sflag:s20] =	ssyncset.done @!p0 $0x0  }
0x9d: {  	[sflag:s20] =	ssyncadd.s32 @!p0 $0xFFFFD900  }
0x9e: {  	_ =	sfence.sel $0x180000  }
0x9f: {  	[bflag:$0x0] =	sbarrier.arrive $0xFFFF  }
0xa0: {  	p0 =	sne.s32 s1, $0x0;
	_ =	strace $0x90000047  }
0xa1: {  	s0 =	sadd.s32 @!p0 $0x100000, s0;
	[bflag:$0x2] =	sbarrier.arrive $0xFFFF  }
0xa2: {  	[sflag:s0] =	ssyncadd.tile.s32 @!p0 $0x1;
	_ =	shalt  }
.Lfunc_end2:
_tile_overlayer_lowered:
.L_overlay_start_2:
0xa3: {  	(tag) =	ssettag $0x2  }
0xa4: {  	s0 =	rddreg [dreg:$0x0];
	s2 =	stileid.u32  }
0xa5: {  	s1 =	rddreg [dreg:$0x1];
	p0 =	sne.s32 s2, $0x0  }
0xa6: {  	s3 =	rddreg [dreg:$0x2];
	[bflag:$0x3] =	sbarrier.arrive $0xFFFF;
	s2 =	simm.s32 @!p0 $0x1C02  }
0xa7: {  	[timem:s3], [sflag:s2] =	dma.local @!p0 [hbm:s0], s1  }
0xa8: {  	s0 =	simm.s32 @!p0 $0x2  }
0xa9: {  	_ =	swait.ge @!p0 [sflag:s0], s1  }
0xaa: {  	s1 =	ssub.s32 @!p0 $0x0, s1;
	[sflag:s0] =	ssyncset.done @!p0 $0x0  }
0xab: {  	[sflag:s0] =	ssyncadd.s32 @!p0 s1  }
0xac: {  	[bflag:$0x3] =	sbarrier.arrive $0xFFFF  }
0xad: {  	_ =	shalt  }

// kernel: kernel.15.cloned.1.call-start
scs
__scs_entry_jumppad:
0x0: {  	(pc) =	sbr.rel $0x88, $3  }
0x1: {  	(tag) =	ssettag $0x0;
	lr =	simm.s32 $0x1  }
0x2: {  	[smem:$0x3F8D] =	sst lr;
	_ =	strace $0xD0000000  }
0x3: {  	_ = 	snop  }
0x4: {  	_ = 	snop  }
0x5: {  	_ = 	snop  }
0x6: {  	_ = 	snop  }
0x7: {  	_ = 	snop  }
__scs_overlays_trampoline_lowered:
0x8: {  	[smem:$0x3F9C] =	sst s0  }
0x9: {  	[smem:$0x3F9D] =	sst s1  }
0xa: {  	[smem:$0x3F9E] =	sst s2  }
0xb: {  	[smem:$0x3F9F] =	sst s3  }
0xc: {  	[smem:$0x3FA0] =	sst s4  }
0xd: {  	[smem:$0x3FA1] =	sst s5  }
0xe: {  	[smem:$0x3FA2] =	sst s6  }
0xf: {  	[smem:$0x3FA3] =	sst s7  }
0x10: {  	[smem:$0x3FA4] =	sst s8  }
0x11: {  	[smem:$0x3FA5] =	sst s9;
	s0 =	simm.s32 @!p0 $0x0  }
0x12: {  	s1 =	sld [smem:$0x3F8B];
	s0 =	simm.s32 @p0 $0x1  }
0x13: {  	[smem:$0x3FA6] =	sst s0;
	s0 =	simm.s32 @!p1 $0x0  }
0x14: {  	s2 =	sld [smem:$0x3F8A];
	s0 =	simm.s32 @p1 $0x1  }
0x15: {  	[smem:$0x3FA7] =	sst s0;
	s0 =	simm.s32 @!p2 $0x0  }
0x16: {  	s3 =	sld [smem:$0x3FDB];
	s0 =	simm.s32 @p2 $0x1  }
0x17: {  	s4 =	simm.s32 $0x1BF5;
	[smem:$0x3FA9] =	sst s0  }
0x18: {  	s0 =	sld [smem:$0x3F8C];
	_ =	swait.ge [sflag:s4], $0x0  }
0x19: {  	s7 =	sld [smem:$0x3F8D]  }
0x1a: {  	s8 =	sadd.s32 $0xFFFFE003, lr  }
0x1b: {  	s9 =	sadd.s32 $0xFFFFFEF7, lr;
	s5 =	simm.s32 $0xFFFFFFFF;
	p2 =	slt.u32 s8, $0xFFFFF086  }
0x1c: {  	p1 =	slt.u32 s9, $0xF7A;
	s5 =	simm.s32 @!p2 $0x0  }
0x1d: {  	s5 =	simm.s32 @p1 $0x1;
	p0 =	seq.s32 s7, s2  }
0x1e: {  	s7 =	smul.u32 @!p0 $0xF7A, s2;
	p2 =	seq.s32 @!p0 s5, $0x0  }
0x1f: {  	s9 =	smul.u32 $0xF7A, s1;
	s8 =	simm.s32 @!p0 $0x1BF5;
	p2 =	por !p2, p0  }
0x20: {  	[sflag:s8] =	ssyncset.s32 @!p0 $0xFFFFF086;
	s6 =	sadd.s32 @!p0 s3, s7;
	s7 =	simm.s32 @!p0 $0x108  }
0x21: {  	s3 =	sadd.s32 s3, s9;
	s6 =	sadd.s32 @!p0 $0x88, s6;
	s7 =	simm.s32 @p2 $0x1082  }
0x22: {  	[simem:s7], [sflag:s8] =	dma.local @!p0 [hbm:s6], $0xF7A  }
0x23: {  	s9 =	sor.u32 $0xD0000000, s2;
	s6 =	simm.s32 $0x108;
	_ =	swait.ge @!p0 [sflag:s8], $0x0  }
0x24: {  	s3 =	sadd.s32 $0x88, s3;
	s6 =	simm.s32 @!p1 $0x1082;
	[sflag:s4] =	ssyncset.s32 $0xFFFFF086  }
0x25: {  	[simem:s6], [sflag:s4] =	dma.local [hbm:s3], $0xF7A  }
0x26: {  	[smem:$0x3F8D] =	sst s1;
	(tag) =	ssettag s2;
	_ =	strace s9  }
0x27: {  	s1 =	sld [smem:$0x3F9D]  }
0x28: {  	s2 =	sld [smem:$0x3F9E]  }
0x29: {  	s4 =	sld [smem:$0x3FA0]  }
0x2a: {  	p0 =	seq.s32 s5, $0x0;
	s5 =	sld [smem:$0x3FA1]  }
0x2b: {  	s6 =	sld [smem:$0x3FA2]  }
0x2c: {  	s7 =	sld [smem:$0x3FA3]  }
0x2d: {  	s3 =	simm.s32 $0x108;
	s8 =	sld [smem:$0x3FA4]  }
0x2e: {  	s3 =	simm.s32 @!p0 $0x1082;
	s9 =	sld [smem:$0x3FA5]  }
0x2f: {  	lr =	sadd.s32 s0, s3;
	s0 =	sld [smem:$0x3F9C]  }
0x30: {  	s3 =	sld [smem:$0x3F9F]  }
0x31: {  	[smem:$0x3FA8] =	sst s10  }
0x32: {  	s10 =	sld [smem:$0x3FA6];
	_ =	sdelay $0x3  }
0x33: {  	p0 =	seq.s32 s10, $0x1;
	s10 =	sld [smem:$0x3FA8];
	_ =	sdelay $0x3  }
0x34: {  	[smem:$0x3FA8] =	sst s10  }
0x35: {  	s10 =	sld [smem:$0x3FA7];
	_ =	sdelay $0x3  }
0x36: {  	p1 =	seq.s32 s10, $0x1;
	s10 =	sld [smem:$0x3FA8];
	_ =	sdelay $0x3  }
0x37: {  	[smem:$0x3FA8] =	sst s10  }
0x38: {  	s10 =	sld [smem:$0x3FA9]  }
0x39: {  	_ = 	snop;
	(pc) =	sbr.ind lr, $3  }
0x3a: {  	_ = 	snop  }
0x3b: {  	_ = 	snop  }
0x3c: {  	p2 =	seq.s32 s10, $0x1;
	s10 =	sld [smem:$0x3FA8]  }
0x3d: {  	_ =	shalt  }
0x3e: {  	_ =	shalt  }
0x3f: {  	_ =	shalt  }
0x40: {  	_ =	shalt  }
0x41: {  	_ =	shalt  }
0x42: {  	_ =	shalt  }
0x43: {  	_ =	shalt  }
0x44: {  	_ =	shalt  }
0x45: {  	_ =	shalt  }
0x46: {  	_ =	shalt  }
0x47: {  	_ =	shalt  }
0x48: {  	_ =	shalt  }
0x49: {  	_ =	shalt  }
0x4a: {  	_ =	shalt  }
0x4b: {  	_ =	shalt  }
0x4c: {  	_ =	shalt  }
0x4d: {  	_ =	shalt  }
0x4e: {  	_ =	shalt  }
0x4f: {  	_ =	shalt  }
0x50: {  	_ =	shalt  }
0x51: {  	_ =	shalt  }
0x52: {  	_ =	shalt  }
0x53: {  	_ =	shalt  }
0x54: {  	_ =	shalt  }
0x55: {  	_ =	shalt  }
0x56: {  	_ =	shalt  }
0x57: {  	_ =	shalt  }
0x58: {  	_ =	shalt  }
0x59: {  	_ =	shalt  }
0x5a: {  	_ =	shalt  }
0x5b: {  	_ =	shalt  }
0x5c: {  	_ =	shalt  }
0x5d: {  	_ =	shalt  }
0x5e: {  	_ =	shalt  }
0x5f: {  	_ =	shalt  }
0x60: {  	_ =	shalt  }
0x61: {  	_ =	shalt  }
0x62: {  	_ =	shalt  }
0x63: {  	_ =	shalt  }
0x64: {  	_ =	shalt  }
0x65: {  	_ =	shalt  }
0x66: {  	_ =	shalt  }
0x67: {  	_ =	shalt  }
0x68: {  	_ =	shalt  }
0x69: {  	_ =	shalt  }
0x6a: {  	_ =	shalt  }
0x6b: {  	_ =	shalt  }
0x6c: {  	_ =	shalt  }
0x6d: {  	_ =	shalt  }
0x6e: {  	_ =	shalt  }
0x6f: {  	_ =	shalt  }
0x70: {  	_ =	shalt  }
0x71: {  	_ =	shalt  }
0x72: {  	_ =	shalt  }
0x73: {  	_ =	shalt  }
0x74: {  	_ =	shalt  }
0x75: {  	_ =	shalt  }
0x76: {  	_ =	shalt  }
0x77: {  	_ =	shalt  }
0x78: {  	_ =	shalt  }
0x79: {  	_ =	shalt  }
0x7a: {  	_ =	shalt  }
0x7b: {  	_ =	shalt  }
0x7c: {  	_ =	shalt  }
0x7d: {  	_ =	shalt  }
0x7e: {  	_ =	shalt  }
0x7f: {  	_ =	shalt  }
0x80: {  	_ =	shalt  }
0x81: {  	_ =	shalt  }
0x82: {  	_ =	shalt  }
0x83: {  	_ =	shalt  }
0x84: {  	_ =	shalt  }
0x85: {  	_ =	shalt  }
0x86: {  	_ =	shalt  }
0x87: {  	_ =	shalt  }
.Lfunc_end0:
.L_simem_size_0:
called_computation.1_lowered:
.L_overlay_start_0:
0x88: {  	s2 =	sld [smem:$0x3FD9]  }
0x89: {  	s3 =	sld [smem:$0x3FFE];
	_ =	sdelay $0x1  }
0x8a: {  	s1 =	srdreg.scid  }
0x8b: {  	s0 =	sand.u32 $0x1, s1  }
0x8c: {  	s16 =	sshll.u32 s0, $0xA;
	s2 =	sadd.s32 s3, s2  }
0x8d: {  	s2 =	sadd.s32 s2, s16  }
0x8e: {  	[smem:$0x3FB4] =	sst s2  }
0x8f: {  	_ = 	snop  }
0x90: {  	(tm) =	ssettm $0x1  }
0x91: {  	s17 =	sld [smem:$0x3FFB];
	_ =	sdelay $0x3  }
0x92: {  	_ =	strace s17  }
0x93: {  	s2 =	sld [smem:$0x3FFC];
	_ =	sdelay $0x3  }
0x94: {  	_ =	strace s2  }
0x95: {  	s2 =	sld [smem:$0x3FFD];
	_ =	sdelay $0x3  }
0x96: {  	_ =	strace s2  }
0x97: {  	_ =	strace $0x8FFFFFFF  }
0x98: {  	s18 =	sld [smem:$0x3FDB];
	_ =	sdelay $0x1  }
0x99: {  	s19 =	simm.s32 $_scs_section_size  }
0x9a: {  	s4 =	simm.s32 $_size__tile_overlayer_lowered;
	s5 =	simm.s32 $_tile_overlayer_lowered  }
0x9b: {  	s22 =	simm.s32 $0x1BFF;
	s21 =	sshll.u32 s5, $0x1;
	s2 =	sadd.s32 s19, s18  }
0x9c: {  	s6 =	simm.s32 $0x0;
	s20 =	sshll.u32 s4, $0x1;
	s4 =	sadd.s32 s21, s2  }
0x9d: {  	[timem:s6], [sflag:s22] =	dma.local [hbm:s4], s20  }
0x9e: {  	_ =	swait.ge [sflag:s22], s20  }
0x9f: {  	s3 =	ssub.s32 $0x0, s20;
	[sflag:s22] =	ssyncset.done $0x0  }
0xa0: {  	[sflag:s22] =	ssyncadd.s32 s3;
	_ =	sdelay $0x1  }
0xa1: {  	s23 =	simm.s32 $0x1B8B  }
0xa2: {  	_ =	swait.ge [sflag:s23], $0x1  }
0xa3: {  	[sflag:s23] =	ssyncset.done $0x0  }
0xa4: {  	s25 =	simm.s32 $0x1B8E;
	s24 =	sld [smem:$0x3FFE];
	[sflag:s23] =	ssyncadd.s32 $0xFFFFFFFF  }
0xa5: {  	s26 =	simm.s32 $execute0_lowered;
	[smem:$0x3FD2] =	sst s25  }
0xa6: {  	s4 =	sshll.u32 s26, $0x1;
	_ =	strace $0x80000049;
	[dreg:$0x1] =	wrdreg $0xFFFFFFFF  }
0xa7: {  	s28 =	simm.s32 $_size_execute0_lowered;
	s2 =	sadd.s32 s2, s4;
	[dreg:$0x0] =	wrdreg $0x0  }
0xa8: {  	s4 =	sshll.u32 s28, $0x1;
	[dreg:$0x2] =	wrdreg s2  }
0xa9: {  	[dreg:$0x3] =	wrdreg s4  }
0xaa: {  	[dreg:$0x4] =	wrdreg $0xC0  }
0xab: {  	_ =	task [dreg:s6], $0x5FFFF  }
0xac: {  	[dreg:$0x1] =	wrdreg $0xFFFFFFFF  }
0xad: {  	[dreg:$0x0] =	wrdreg $0x60  }
0xae: {  	[dreg:$0x2] =	wrdreg s24  }
0xaf: {  	[dreg:$0x3] =	wrdreg $0xA0000  }
0xb0: {  	[dreg:$0x4] =	wrdreg $0x9  }
0xb1: {  	_ =	task.clear_ibuf [dreg:s6], $0x5FFFF;
	_ =	strace $0x90000049  }
0xb2: {  	s29 =	simm.s32 $0x9;
	_ =	strace $0x8000004B  }
0xb3: {  	_ =	swait.ge [sflag:s29], $0x1  }
0xb4: {  	[sflag:s29] =	ssyncadd.s32 $0xFFFFFFFF  }
0xb5: {  	_ =	strace $0x9000004B  }
0xb6: {  	_ =	sfence  }
0xb7: {  	s30 =	sld [smem:$0x0];
	_ =	sdelay $0x2  }
0xb8: {  	s31 =	sshll.u32 s1, $0xD;
	s1 =	sshrl.u32 s1, $0x2  }
0xb9: {  	s3 =	sand.u32 $0x4000, s31;
	s1 =	sadd.s32 s1, s30  }
0xba: {  	s0 =	sor.u32 s3, s0;
	s1 =	sshll.u32 s1, $0x11  }
0xbb: {  	s0 =	sor.u32 s1, s0  }
0xbc: {  	s0 =	sadd.s32 $0x8F2B, s0  }
0xbd: {  	[sflag:s0] =	ssyncadd.remote.s32 $0x1  }
0xbe: {  	_ =	sfence.sel $0xFFFF  }
0xbf: {  	[dreg:$0x0] =	wrdreg $0xFFFFFFFF;
	(pc) =	sbr.abs _section_cstart, $3  }
0xc0: {  	[dreg:$0x1] =	wrdreg $0xFFFFFFFF  }
0xc1: {  	_ =	task.clear_ibuf [dreg:s6], $0x2FFFF;
	_ =	strace $0x9FFFFFFF  }
0xc2: {  	(tm) =	ssettm $0x7FFFFFFF  }
0xc3: {  	_ =	shalt  }
tec
execute0_lowered:
.L_overlay_start_1:
0x0: {  	(tag) =	ssettag $0x1  }
0x1: {  	s0 =	rddreg [dreg:$0x0]  }
0x2: {  	s1 =	rddreg [dreg:$0x1];
	s2 =	srdreg.scid;
	s3 =	simm.s32 $0x0  }
0x3: {  	s22 =	stileid.u32;
	s15 =	simm.s32 $0x5;
	s16 =	simm.s32 $0x1000  }
0x4: {  	s17 =	simm.s32 $0x40;
	s18 =	simm.s32 $0x2000;
	s19 =	simm.s32 $0x4000  }
0x5: {  	s28 =	simm.s32 $0x3;
	s29 =	simm.s32 $0x100;
	s30 =	simm.s32 $0x140  }
0x6: {  	s31 =	simm.s32 $0x2;
	s2 =	sand.u32 $0x1, s2;
	s8 =	smul.u32 $0x4F000, s22  }
0x7: {  	[smem:$0x7FF] =	sst s3;
	s5 =	sadd.s32 $0x5B800, s0;
	s11 =	smul.u32 $0x4E000, s22  }
0x8: {  	s7 =	sadd.s32 $0xE00, s0;
	s10 =	sadd.s32 $0xAE00, s0;
	s14 =	smul.u32 $0x2700, s22  }
0x9: {  	s21 =	sshll.u32 s22, $0x6;
	p0 =	seq.s32 s22, $0xF;
	s4 =	sshll.u32 s2, $0x4  }
0xa: {  	_ =	strace $0x8000004A;
	s9 =	ssub.s32 $0x2, s2;
	s12 =	smul.u32 $0x27100, s2  }
0xb: {  	[dreg:$0x3] =	wrdreg s10;
	s2 =	smul.u32 $0x138800, s2;
	s24 =	sor.u32 $0x1C05, s21  }
0xc: {  	s10 =	smul.u32 $0x5000, s22;
	s21 =	simm.s32 $0x6000;
	s6 =	sor.u32 s22, s4  }
0xd: {  	s4 =	sadd.s32 $0x6F800, s0;
	s20 =	sshrl.u32 s9, $0x1;
	s0 =	sadd.s32 $0xBDC00, s0  }
0xe: {  	s8 =	sshrl.u32 s8, $0x2;
	s11 =	sshrl.u32 s11, $0x2;
	s22 =	simm.s32 $0xC0  }
0xf: {  	[dreg:$0x4] =	wrdreg s24;
	s6 =	smul.u32 $0x5000, s6;
	s13 =	ssub.s32 s9, s20  }
0x10: {  	s8 =	sadd.s32 s8, s1;
	s12 =	sadd.s32 s14, s12;
	s2 =	sshrl.u32 s2, $0x3  }
0x11: {  	s11 =	sadd.s32 s11, s1;
	s20 =	simm.s32 $0x80;
	s23 =	sadd.s32 s0, s12  }
0x12: {  	s0 =	sadd.s32 s0, s2;
	s2 =	sadd.s32 $0x124800, s1;
	s25 =	smax.u32 s13, $0x1  }
0x13: {  	s26 =	sshrl.u32 s8, $0x3;
	s8 =	simm.s32 $0xF80;
	[dreg:$0x5] =	wrdreg s23  }
0x14: {  	s12 =	simm.s32 $0x1F00;
	s13 =	simm.s32 $0x1F80;
	[dreg:$0x7] =	wrdreg s25  }
0x15: {  	s0 =	sadd.s32 $0x24900, s0;
	[dreg:$0x8] =	wrdreg s26;
	s23 =	simm.s32 $0x8000  }
0x16: {  	s26 =	simm.s32 $0x1;
	[dreg:$0x6] =	wrdreg s0;
	s0 =	sshrl.u32 @p0 s2, $0x3  }
0x17: {  	s2 =	simm.s32 $0x4;
	[dreg:$0x9] =	wrdreg s0;
	s0 =	sshrl.u32 @!p0 s11, $0x3  }
0x18: {  	s11 =	simm.s32 $0xFC0;
	[dreg:$0xa] =	wrdreg s0;
	s0 =	simm.s32 $0x1080  }
.LBB2_1:
0x19: {  	s9 =	rddreg [dreg:$0x3]  }
0x1a: {  	s14 =	rddreg [dreg:$0x8]  }
0x1b: {  	[spmem:s14], [sflag:s24] =	dma.local [hbm:s9], $0x2780  }
0x1c: {  	_ =	swait.ge [sflag:s15], $0x2780  }
0x1d: {  	[sflag:s15] =	ssyncset.done $0x0  }
0x1e: {  	[sflag:s15] =	ssyncadd.s32 $0xFFFFD880  }
0x1f: {  	s14 =	simm.s32 $0x0;
	[bflag:$0x0] =	sbarrier.arrive $0xFFFF  }
.LBB2_2:
0x20: {  	s24 =	sshll.u32 s14, $0xC  }
0x21: {  	s25 =	sadd.s32 s6, s24  }
0x22: {  	s25 =	sshrl.u32 s25, $0x3  }
0x23: {  	s9 =	simm.s32 $0x0;
	s25 =	sadd.s32 s5, s25  }
0x24: {  	[tilespmem:s9], [sflag:$0x5] =	stream.linear.gather [hbm4b:s25+s9], $0x1000, $0x38;
	[tilespmem:$0x1DC00] =	vst v63  }
0x25: {  	s24 =	sadd.s32 s10, s24;
	_ =	swait.ge [sflag:s15], $0x1000  }
0x26: {  	s24 =	sshrl.u32 s24, $0x3;
	[sflag:s15] =	ssyncset.done $0x0  }
0x27: {  	s24 =	sadd.s32 s7, s24;
	[sflag:s15] =	ssyncadd.s32 $0xFFFFF000  }
0x28: {  	[tilespmem:s16], [sflag:$0x5] =	stream.linear.gather [hbm4b:s24+s9], $0x1000, $0x38;
	[tilespmem:$0x1DC00] =	vst v63  }
0x29: {  	_ =	swait.ge [sflag:s15], $0x1000  }
0x2a: {  	[sflag:s15] =	ssyncset.done $0x0  }
0x2b: {  	[sflag:s15] =	ssyncadd.s32 $0xFFFFF000  }
0x2c: {  	[tilespmem:s18], [sflag:$0x1] =	stream.indirect.gather [hbm4b:s4+s17], $0x80, s9, s17, $0xb8;
	[tilespmem:$0x1DC00] =	vst v63  }
0x2d: {  	_ = 	snop  }
0x2e: {  	[tilespmem:s19], [sflag:$0x1] =	stream.indirect.gather [hbm4b:s4+s17], $0x80, s17, s17, $0xb8;
	[tilespmem:$0x1DC00] =	vst v63  }
0x2f: {  	_ = 	snop  }
0x30: {  	[tilespmem:s21], [sflag:$0x2] =	stream.indirect.gather [hbm4b:s4+s17], $0x80, s20, s17, $0xb8;
	[tilespmem:$0x1DC00] =	vst v63  }
0x31: {  	_ = 	snop  }
0x32: {  	[tilespmem:s23], [sflag:$0x2] =	stream.indirect.gather [hbm4b:s4+s17], $0x80, s22, s17, $0xb8;
	[tilespmem:$0x1DC00] =	vst v63  }
0x33: {  	_ =	swait.ge [sflag:s26], $0x4000  }
0x34: {  	[sflag:s26] =	ssyncset.done $0x0  }
0x35: {  	[sflag:s26] =	ssyncadd.s32 $0xFFFFC000  }
0x36: {  	[spmem:s1] =	stream.indirect.scatter.add.f32 [tilespmem:s18], [sflag:$0x3], $0x80, s16, s20, $0xb8;
	[tilespmem:$0x1DC00] =	vst v63  }
0x37: {  	_ =	swait.ge [sflag:s28], $0x4000  }
0x38: {  	[sflag:s28] =	ssyncset.done $0x0  }
0x39: {  	[sflag:s28] =	ssyncadd.s32 $0xFFFFC000  }
0x3a: {  	[tilespmem:s18], [sflag:$0x1] =	stream.indirect.gather [hbm4b:s4+s17], $0x80, s29, s17, $0xb8;
	[tilespmem:$0x1DC00] =	vst v63  }
0x3b: {  	_ = 	snop  }
0x3c: {  	[tilespmem:s19], [sflag:$0x1] =	stream.indirect.gather [hbm4b:s4+s17], $0x80, s30, s17, $0xb8;
	[tilespmem:$0x1DC00] =	vst v63  }
0x3d: {  	_ =	swait.ge [sflag:s31], $0x4000  }
0x3e: {  	[sflag:s31] =	ssyncset.done $0x0  }
0x3f: {  	[sflag:s31] =	ssyncadd.s32 $0xFFFFC000  }
0x40: {  	[spmem:s1] =	stream.indirect.scatter.add.f32 [tilespmem:s21], [sflag:$0x4], $0x80, s0, s20, $0xb8;
	[tilespmem:$0x1DC00] =	vst v63  }
0x41: {  	_ =	swait.ge [sflag:s2], $0x4000  }
0x42: {  	[sflag:s2] =	ssyncset.done $0x0  }
0x43: {  	s25 =	simm.s32 $0x180;
	[sflag:s2] =	ssyncadd.s32 $0xFFFFC000  }
0x44: {  	[tilespmem:s21], [sflag:$0x2] =	stream.indirect.gather [hbm4b:s4+s17], $0x80, s25, s17, $0xb8;
	[tilespmem:$0x1DC00] =	vst v63  }
0x45: {  	s24 =	simm.s32 $0x1C0  }
0x46: {  	[tilespmem:s23], [sflag:$0x2] =	stream.indirect.gather [hbm4b:s4+s17], $0x80, s24, s17, $0xb8;
	[tilespmem:$0x1DC00] =	vst v63  }
0x47: {  	_ =	swait.ge [sflag:s26], $0x4000  }
0x48: {  	[sflag:s26] =	ssyncset.done $0x0  }
0x49: {  	s25 =	simm.s32 $0x1100;
	[sflag:s26] =	ssyncadd.s32 $0xFFFFC000  }
0x4a: {  	[spmem:s1] =	stream.indirect.scatter.add.f32 [tilespmem:s18], [sflag:$0x3], $0x80, s25, s20, $0xb8;
	[tilespmem:$0x1DC00] =	vst v63  }
0x4b: {  	_ =	swait.ge [sflag:s28], $0x4000  }
0x4c: {  	[sflag:s28] =	ssyncset.done $0x0  }
0x4d: {  	s24 =	simm.s32 $0x200;
	[sflag:s28] =	ssyncadd.s32 $0xFFFFC000  }
0x4e: {  	[tilespmem:s18], [sflag:$0x1] =	stream.indirect.gather [hbm4b:s4+s17], $0x80, s24, s17, $0xb8;
	[tilespmem:$0x1DC00] =	vst v63  }
0x4f: {  	s25 =	simm.s32 $0x240  }
0x50: {  	[tilespmem:s19], [sflag:$0x1] =	stream.indirect.gather [hbm4b:s4+s17], $0x80, s25, s17, $0xb8;
	[tilespmem:$0x1DC00] =	vst v63  }
0x51: {  	_ =	swait.ge [sflag:s31], $0x4000  }
0x52: {  	[sflag:s31] =	ssyncset.done $0x0  }
0x53: {  	s24 =	simm.s32 $0x400;
	s25 =	simm.s32 $0x1180;
	[sflag:s31] =	ssyncadd.s32 $0xFFFFC000  }
.LBB2_3:
0x54: {  	[spmem:s1] =	stream.indirect.scatter.add.f32 [tilespmem:s21], [sflag:$0x4], $0x80, s25, s20, $0xb8;
	[tilespmem:$0x1DC00] =	vst v63  }
0x55: {  	s9 =	smov.u32 s24  }
0x56: {  	p1 =	sne.s32 s24, $0x3400;
	s24 =	sadd.s32 $0x400, s24;
	_ =	swait.ge [sflag:s2], $0x4000  }
0x57: {  	s9 =	sshra.s32 s9, $0x2;
	[sflag:s2] =	ssyncset.done $0x0  }
0x58: {  	s25 =	sadd.s32 $0x180, s9;
	[sflag:s2] =	ssyncadd.s32 $0xFFFFC000  }
0x59: {  	[tilespmem:s21], [sflag:$0x2] =	stream.indirect.gather [hbm4b:s4+s17], $0x80, s25, s17, $0xb8;
	[tilespmem:$0x1DC00] =	vst v63  }
0x5a: {  	s25 =	sadd.s32 $0x1C0, s9  }
0x5b: {  	[tilespmem:s23], [sflag:$0x2] =	stream.indirect.gather [hbm4b:s4+s17], $0x80, s25, s17, $0xb8;
	[tilespmem:$0x1DC00] =	vst v63  }
0x5c: {  	_ =	swait.ge [sflag:s26], $0x4000  }
0x5d: {  	[sflag:s26] =	ssyncset.done $0x0  }
0x5e: {  	s25 =	sadd.s32 $0x1100, s9;
	[sflag:s26] =	ssyncadd.s32 $0xFFFFC000  }
0x5f: {  	[spmem:s1] =	stream.indirect.scatter.add.f32 [tilespmem:s18], [sflag:$0x3], $0x80, s25, s20, $0xb8;
	[tilespmem:$0x1DC00] =	vst v63  }
0x60: {  	_ =	swait.ge [sflag:s28], $0x4000  }
0x61: {  	[sflag:s28] =	ssyncset.done $0x0  }
0x62: {  	s25 =	sadd.s32 $0x200, s9;
	[sflag:s28] =	ssyncadd.s32 $0xFFFFC000  }
0x63: {  	[tilespmem:s18], [sflag:$0x1] =	stream.indirect.gather [hbm4b:s4+s17], $0x80, s25, s17, $0xb8;
	[tilespmem:$0x1DC00] =	vst v63  }
.Ltmp0:
0x64: {  	s25 =	sadd.s32 $0x240, s9;
	(pc) =	sbr.rel @p1 .LBB2_3-.Ltmp0, $4  }
0x65: {  	[tilespmem:s19], [sflag:$0x1] =	stream.indirect.gather [hbm4b:s4+s17], $0x80, s25, s17, $0xb8;
	[tilespmem:$0x1DC00] =	vst v63  }
0x66: {  	_ =	swait.ge [sflag:s31], $0x4000  }
0x67: {  	[sflag:s31] =	ssyncset.done $0x0  }
0x68: {  	s25 =	sadd.s32 $0x1180, s9;
	[sflag:s31] =	ssyncadd.s32 $0xFFFFC000  }
0x69: {  	[spmem:s1] =	stream.indirect.scatter.add.f32 [tilespmem:s21], [sflag:$0x4], $0x80, s25, s20, $0xb8;
	[tilespmem:$0x1DC00] =	vst v63  }
0x6a: {  	_ =	swait.ge [sflag:s2], $0x4000  }
0x6b: {  	[sflag:s2] =	ssyncset.done $0x0  }
0x6c: {  	[sflag:s2] =	ssyncadd.s32 $0xFFFFC000  }
0x6d: {  	[tilespmem:s21], [sflag:$0x2] =	stream.indirect.gather [hbm4b:s4+s17], $0x80, s8, s17, $0xb8;
	[tilespmem:$0x1DC00] =	vst v63  }
0x6e: {  	_ = 	snop  }
0x6f: {  	[tilespmem:s23], [sflag:$0x2] =	stream.indirect.gather [hbm4b:s4+s17], $0x80, s11, s17, $0xb8;
	[tilespmem:$0x1DC00] =	vst v63  }
0x70: {  	_ =	swait.ge [sflag:s26], $0x4000  }
0x71: {  	[sflag:s26] =	ssyncset.done $0x0  }
0x72: {  	[sflag:s26] =	ssyncadd.s32 $0xFFFFC000  }
0x73: {  	[spmem:s1] =	stream.indirect.scatter.add.f32 [tilespmem:s18], [sflag:$0x3], $0x80, s12, s20, $0xb8;
	[tilespmem:$0x1DC00] =	vst v63  }
0x74: {  	_ =	swait.ge [sflag:s31], $0x4000  }
0x75: {  	[sflag:s31] =	ssyncset.done $0x0  }
0x76: {  	s14 =	sadd.s32 $0x1, s14;
	[sflag:s31] =	ssyncadd.s32 $0xFFFFC000  }
0x77: {  	[spmem:s1] =	stream.indirect.scatter.add.f32 [tilespmem:s21], [sflag:$0x4], $0x80, s13, s20, $0xb8;
	[tilespmem:$0x1DC00] =	vst v63  }
0x78: {  	p1 =	sne.s32 s14, $0x5;
	_ =	swait.ge [sflag:s28], $0x4000  }
.Ltmp1:
0x79: {  	[sflag:s28] =	ssyncset.done $0x0;
	(pc) =	sbr.rel @p1 .LBB2_2-.Ltmp1, $4  }
0x7a: {  	[sflag:s28] =	ssyncadd.s32 $0xFFFFC000  }
0x7b: {  	_ =	swait.ge [sflag:s2], $0x4000  }
0x7c: {  	[sflag:s2] =	ssyncset.done $0x0  }
0x7d: {  	[sflag:s2] =	ssyncadd.s32 $0xFFFFC000  }
0x7e: {  	[bflag:$0x0] =	sbarrier.arrive $0xFFFF  }
0x7f: {  	s24 =	rddreg [dreg:$0x4]  }
0x80: {  	s9 =	rddreg [dreg:$0x6]  }
0x81: {  	s14 =	rddreg [dreg:$0x9]  }
0x82: {  	[hbm:s9], [sflag:s24] =	dma.local @p0 [spmem:s14], $0x2800  }
0x83: {  	s9 =	simm.s32 @p0 $0x5  }
0x84: {  	_ =	swait.ge @p0 [sflag:s9], $0x2800  }
0x85: {  	[sflag:s9] =	ssyncset.done @p0 $0x0;
	s14 =	rddreg [dreg:$0xa]  }
0x86: {  	[sflag:s9] =	ssyncadd.s32 @p0 $0xFFFFD800;
	s9 =	rddreg [dreg:$0x5]  }
0x87: {  	[hbm:s9], [sflag:s24] =	dma.local @!p0 [spmem:s14], $0x2700  }
0x88: {  	s9 =	simm.s32 @!p0 $0x5  }
0x89: {  	_ =	swait.ge @!p0 [sflag:s9], $0x2700  }
0x8a: {  	s3 =	sadd.s32 $0x1, s3;
	s25 =	rddreg [dreg:$0x7]  }
0x8b: {  	p1 =	sne.s32 s3, s25  }
.Ltmp2:
0x8c: {  	_ = 	snop;
	(pc) =	sbr.rel @p1 .LBB2_1-.Ltmp2, $3  }
0x8d: {  	_ =	sdelay $0x1  }
0x8e: {  	[sflag:s9] =	ssyncset.done @!p0 $0x0  }
0x8f: {  	[sflag:s9] =	ssyncadd.s32 @!p0 $0xFFFFD900  }
0x90: {  	_ =	sfence.sel $0x180000  }
0x91: {  	[bflag:$0x0] =	sbarrier.arrive $0xFFFF  }
0x92: {  	_ =	strace $0x9000004A  }
0x93: {  	s0 =	stileid.u32;
	[bflag:$0x2] =	sbarrier.arrive $0xFFFF  }
0x94: {  	p0 =	sne.s32 s0, $0x0;
	s0 =	rddreg [dreg:$0x2]  }
0x95: {  	s0 =	sadd.s32 @!p0 $0x100000, s0  }
0x96: {  	[sflag:s0] =	ssyncadd.tile.s32 @!p0 $0x1;
	_ =	shalt  }
.Lfunc_end2:
_tile_overlayer_lowered:
.L_overlay_start_2:
0x97: {  	(tag) =	ssettag $0x2  }
0x98: {  	s0 =	rddreg [dreg:$0x0];
	s2 =	stileid.u32  }
0x99: {  	s1 =	rddreg [dreg:$0x1];
	p0 =	sne.s32 s2, $0x0  }
0x9a: {  	s3 =	rddreg [dreg:$0x2];
	[bflag:$0x3] =	sbarrier.arrive $0xFFFF;
	s2 =	simm.s32 @!p0 $0x1C05  }
0x9b: {  	[timem:s3], [sflag:s2] =	dma.local @!p0 [hbm:s0], s1  }
0x9c: {  	s0 =	simm.s32 @!p0 $0x5  }
0x9d: {  	_ =	swait.ge @!p0 [sflag:s0], s1  }
0x9e: {  	s1 =	ssub.s32 @!p0 $0x0, s1;
	[sflag:s0] =	ssyncset.done @!p0 $0x0  }
0x9f: {  	[sflag:s0] =	ssyncadd.s32 @!p0 s1  }
0xa0: {  	[bflag:$0x3] =	sbarrier.arrive $0xFFFF  }
0xa1: {  	_ =	shalt  }

// kernel: kernel.18.cloned.1.call-start
scs
__scs_entry_jumppad:
0x0: {  	(pc) =	sbr.rel $0x88, $3  }
0x1: {  	(tag) =	ssettag $0x0;
	lr =	simm.s32 $0x1  }
0x2: {  	[smem:$0x3F8D] =	sst lr;
	_ =	strace $0xD0000000  }
0x3: {  	_ = 	snop  }
0x4: {  	_ = 	snop  }
0x5: {  	_ = 	snop  }
0x6: {  	_ = 	snop  }
0x7: {  	_ = 	snop  }
__scs_overlays_trampoline_lowered:
0x8: {  	[smem:$0x3F9C] =	sst s0  }
0x9: {  	[smem:$0x3F9D] =	sst s1  }
0xa: {  	[smem:$0x3F9E] =	sst s2  }
0xb: {  	[smem:$0x3F9F] =	sst s3  }
0xc: {  	[smem:$0x3FA0] =	sst s4  }
0xd: {  	[smem:$0x3FA1] =	sst s5  }
0xe: {  	[smem:$0x3FA2] =	sst s6  }
0xf: {  	[smem:$0x3FA3] =	sst s7  }
0x10: {  	[smem:$0x3FA4] =	sst s8  }
0x11: {  	[smem:$0x3FA5] =	sst s9;
	s0 =	simm.s32 @!p0 $0x0  }
0x12: {  	s1 =	sld [smem:$0x3F8B];
	s0 =	simm.s32 @p0 $0x1  }
0x13: {  	[smem:$0x3FA6] =	sst s0;
	s0 =	simm.s32 @!p1 $0x0  }
0x14: {  	s2 =	sld [smem:$0x3F8A];
	s0 =	simm.s32 @p1 $0x1  }
0x15: {  	[smem:$0x3FA7] =	sst s0;
	s0 =	simm.s32 @!p2 $0x0  }
0x16: {  	s3 =	sld [smem:$0x3FDB];
	s0 =	simm.s32 @p2 $0x1  }
0x17: {  	s4 =	simm.s32 $0x1BF5;
	[smem:$0x3FA9] =	sst s0  }
0x18: {  	s0 =	sld [smem:$0x3F8C];
	_ =	swait.ge [sflag:s4], $0x0  }
0x19: {  	s7 =	sld [smem:$0x3F8D]  }
0x1a: {  	s8 =	sadd.s32 $0xFFFFE003, lr  }
0x1b: {  	s9 =	sadd.s32 $0xFFFFFEF7, lr;
	s5 =	simm.s32 $0xFFFFFFFF;
	p2 =	slt.u32 s8, $0xFFFFF086  }
0x1c: {  	p1 =	slt.u32 s9, $0xF7A;
	s5 =	simm.s32 @!p2 $0x0  }
0x1d: {  	s5 =	simm.s32 @p1 $0x1;
	p0 =	seq.s32 s7, s2  }
0x1e: {  	s7 =	smul.u32 @!p0 $0xF7A, s2;
	p2 =	seq.s32 @!p0 s5, $0x0  }
0x1f: {  	s9 =	smul.u32 $0xF7A, s1;
	s8 =	simm.s32 @!p0 $0x1BF5;
	p2 =	por !p2, p0  }
0x20: {  	[sflag:s8] =	ssyncset.s32 @!p0 $0xFFFFF086;
	s6 =	sadd.s32 @!p0 s3, s7;
	s7 =	simm.s32 @!p0 $0x108  }
0x21: {  	s3 =	sadd.s32 s3, s9;
	s6 =	sadd.s32 @!p0 $0x88, s6;
	s7 =	simm.s32 @p2 $0x1082  }
0x22: {  	[simem:s7], [sflag:s8] =	dma.local @!p0 [hbm:s6], $0xF7A  }
0x23: {  	s9 =	sor.u32 $0xD0000000, s2;
	s6 =	simm.s32 $0x108;
	_ =	swait.ge @!p0 [sflag:s8], $0x0  }
0x24: {  	s3 =	sadd.s32 $0x88, s3;
	s6 =	simm.s32 @!p1 $0x1082;
	[sflag:s4] =	ssyncset.s32 $0xFFFFF086  }
0x25: {  	[simem:s6], [sflag:s4] =	dma.local [hbm:s3], $0xF7A  }
0x26: {  	[smem:$0x3F8D] =	sst s1;
	(tag) =	ssettag s2;
	_ =	strace s9  }
0x27: {  	s1 =	sld [smem:$0x3F9D]  }
0x28: {  	s2 =	sld [smem:$0x3F9E]  }
0x29: {  	s4 =	sld [smem:$0x3FA0]  }
0x2a: {  	p0 =	seq.s32 s5, $0x0;
	s5 =	sld [smem:$0x3FA1]  }
0x2b: {  	s6 =	sld [smem:$0x3FA2]  }
0x2c: {  	s7 =	sld [smem:$0x3FA3]  }
0x2d: {  	s3 =	simm.s32 $0x108;
	s8 =	sld [smem:$0x3FA4]  }
0x2e: {  	s3 =	simm.s32 @!p0 $0x1082;
	s9 =	sld [smem:$0x3FA5]  }
0x2f: {  	lr =	sadd.s32 s0, s3;
	s0 =	sld [smem:$0x3F9C]  }
0x30: {  	s3 =	sld [smem:$0x3F9F]  }
0x31: {  	[smem:$0x3FA8] =	sst s10  }
0x32: {  	s10 =	sld [smem:$0x3FA6];
	_ =	sdelay $0x3  }
0x33: {  	p0 =	seq.s32 s10, $0x1;
	s10 =	sld [smem:$0x3FA8];
	_ =	sdelay $0x3  }
0x34: {  	[smem:$0x3FA8] =	sst s10  }
0x35: {  	s10 =	sld [smem:$0x3FA7];
	_ =	sdelay $0x3  }
0x36: {  	p1 =	seq.s32 s10, $0x1;
	s10 =	sld [smem:$0x3FA8];
	_ =	sdelay $0x3  }
0x37: {  	[smem:$0x3FA8] =	sst s10  }
0x38: {  	s10 =	sld [smem:$0x3FA9]  }
0x39: {  	_ = 	snop;
	(pc) =	sbr.ind lr, $3  }
0x3a: {  	_ = 	snop  }
0x3b: {  	_ = 	snop  }
0x3c: {  	p2 =	seq.s32 s10, $0x1;
	s10 =	sld [smem:$0x3FA8]  }
0x3d: {  	_ =	shalt  }
0x3e: {  	_ =	shalt  }
0x3f: {  	_ =	shalt  }
0x40: {  	_ =	shalt  }
0x41: {  	_ =	shalt  }
0x42: {  	_ =	shalt  }
0x43: {  	_ =	shalt  }
0x44: {  	_ =	shalt  }
0x45: {  	_ =	shalt  }
0x46: {  	_ =	shalt  }
0x47: {  	_ =	shalt  }
0x48: {  	_ =	shalt  }
0x49: {  	_ =	shalt  }
0x4a: {  	_ =	shalt  }
0x4b: {  	_ =	shalt  }
0x4c: {  	_ =	shalt  }
0x4d: {  	_ =	shalt  }
0x4e: {  	_ =	shalt  }
0x4f: {  	_ =	shalt  }
0x50: {  	_ =	shalt  }
0x51: {  	_ =	shalt  }
0x52: {  	_ =	shalt  }
0x53: {  	_ =	shalt  }
0x54: {  	_ =	shalt  }
0x55: {  	_ =	shalt  }
0x56: {  	_ =	shalt  }
0x57: {  	_ =	shalt  }
0x58: {  	_ =	shalt  }
0x59: {  	_ =	shalt  }
0x5a: {  	_ =	shalt  }
0x5b: {  	_ =	shalt  }
0x5c: {  	_ =	shalt  }
0x5d: {  	_ =	shalt  }
0x5e: {  	_ =	shalt  }
0x5f: {  	_ =	shalt  }
0x60: {  	_ =	shalt  }
0x61: {  	_ =	shalt  }
0x62: {  	_ =	shalt  }
0x63: {  	_ =	shalt  }
0x64: {  	_ =	shalt  }
0x65: {  	_ =	shalt  }
0x66: {  	_ =	shalt  }
0x67: {  	_ =	shalt  }
0x68: {  	_ =	shalt  }
0x69: {  	_ =	shalt  }
0x6a: {  	_ =	shalt  }
0x6b: {  	_ =	shalt  }
0x6c: {  	_ =	shalt  }
0x6d: {  	_ =	shalt  }
0x6e: {  	_ =	shalt  }
0x6f: {  	_ =	shalt  }
0x70: {  	_ =	shalt  }
0x71: {  	_ =	shalt  }
0x72: {  	_ =	shalt  }
0x73: {  	_ =	shalt  }
0x74: {  	_ =	shalt  }
0x75: {  	_ =	shalt  }
0x76: {  	_ =	shalt  }
0x77: {  	_ =	shalt  }
0x78: {  	_ =	shalt  }
0x79: {  	_ =	shalt  }
0x7a: {  	_ =	shalt  }
0x7b: {  	_ =	shalt  }
0x7c: {  	_ =	shalt  }
0x7d: {  	_ =	shalt  }
0x7e: {  	_ =	shalt  }
0x7f: {  	_ =	shalt  }
0x80: {  	_ =	shalt  }
0x81: {  	_ =	shalt  }
0x82: {  	_ =	shalt  }
0x83: {  	_ =	shalt  }
0x84: {  	_ =	shalt  }
0x85: {  	_ =	shalt  }
0x86: {  	_ =	shalt  }
0x87: {  	_ =	shalt  }
.Lfunc_end0:
.L_simem_size_0:
called_computation.2_lowered:
.L_overlay_start_0:
0x88: {  	s2 =	sld [smem:$0x3FD9]  }
0x89: {  	s3 =	sld [smem:$0x3FFE];
	_ =	sdelay $0x1  }
0x8a: {  	s1 =	srdreg.scid  }
0x8b: {  	s0 =	sand.u32 $0x1, s1  }
0x8c: {  	s16 =	sshll.u32 s0, $0xA;
	s2 =	sadd.s32 s3, s2  }
0x8d: {  	s2 =	sadd.s32 s2, s16  }
0x8e: {  	[smem:$0x3FB4] =	sst s2  }
0x8f: {  	_ = 	snop  }
0x90: {  	(tm) =	ssettm $0x1  }
0x91: {  	s17 =	sld [smem:$0x3FFB];
	_ =	sdelay $0x3  }
0x92: {  	_ =	strace s17  }
0x93: {  	s2 =	sld [smem:$0x3FFC];
	_ =	sdelay $0x3  }
0x94: {  	_ =	strace s2  }
0x95: {  	s2 =	sld [smem:$0x3FFD];
	_ =	sdelay $0x3  }
0x96: {  	_ =	strace s2  }
0x97: {  	_ =	strace $0x8FFFFFFF  }
0x98: {  	s18 =	sld [smem:$0x3FDB];
	_ =	sdelay $0x1  }
0x99: {  	s19 =	simm.s32 $_scs_section_size  }
0x9a: {  	s4 =	simm.s32 $_size__tile_overlayer_lowered;
	s5 =	simm.s32 $_tile_overlayer_lowered  }
0x9b: {  	s22 =	simm.s32 $0x1BFF;
	s21 =	sshll.u32 s5, $0x1;
	s2 =	sadd.s32 s19, s18  }
0x9c: {  	s6 =	simm.s32 $0x0;
	s20 =	sshll.u32 s4, $0x1;
	s4 =	sadd.s32 s21, s2  }
0x9d: {  	[timem:s6], [sflag:s22] =	dma.local [hbm:s4], s20  }
0x9e: {  	_ =	swait.ge [sflag:s22], s20  }
0x9f: {  	s3 =	ssub.s32 $0x0, s20;
	[sflag:s22] =	ssyncset.done $0x0  }
0xa0: {  	[sflag:s22] =	ssyncadd.s32 s3;
	_ =	sdelay $0x1  }
0xa1: {  	s23 =	simm.s32 $0x1B8B  }
0xa2: {  	_ =	swait.ge [sflag:s23], $0x1  }
0xa3: {  	[sflag:s23] =	ssyncset.done $0x0  }
0xa4: {  	s25 =	simm.s32 $0x1B8E;
	s24 =	sld [smem:$0x3FFE];
	[sflag:s23] =	ssyncadd.s32 $0xFFFFFFFF  }
0xa5: {  	s26 =	simm.s32 $execute0_lowered;
	[smem:$0x3FD2] =	sst s25  }
0xa6: {  	s4 =	sshll.u32 s26, $0x1;
	_ =	strace $0x8000004C;
	[dreg:$0x1] =	wrdreg $0xFFFFFFFF  }
0xa7: {  	s28 =	simm.s32 $_size_execute0_lowered;
	s2 =	sadd.s32 s2, s4;
	[dreg:$0x0] =	wrdreg $0x0  }
0xa8: {  	s4 =	sshll.u32 s28, $0x1;
	[dreg:$0x2] =	wrdreg s2  }
0xa9: {  	[dreg:$0x3] =	wrdreg s4  }
0xaa: {  	[dreg:$0x4] =	wrdreg $0xC0  }
0xab: {  	_ =	task [dreg:s6], $0x5FFFF  }
0xac: {  	[dreg:$0x1] =	wrdreg $0xFFFFFFFF  }
0xad: {  	[dreg:$0x0] =	wrdreg $0x60  }
0xae: {  	[dreg:$0x2] =	wrdreg s24  }
0xaf: {  	[dreg:$0x3] =	wrdreg $0xA0000  }
0xb0: {  	[dreg:$0x4] =	wrdreg $0x9  }
0xb1: {  	_ =	task.clear_ibuf [dreg:s6], $0x5FFFF;
	_ =	strace $0x9000004C  }
0xb2: {  	s29 =	simm.s32 $0x9;
	_ =	strace $0x8000004E  }
0xb3: {  	_ =	swait.ge [sflag:s29], $0x1  }
0xb4: {  	[sflag:s29] =	ssyncadd.s32 $0xFFFFFFFF  }
0xb5: {  	_ =	strace $0x9000004E  }
0xb6: {  	_ =	sfence  }
0xb7: {  	s30 =	sld [smem:$0x0];
	_ =	sdelay $0x2  }
0xb8: {  	s31 =	sshll.u32 s1, $0xD;
	s1 =	sshrl.u32 s1, $0x2  }
0xb9: {  	s3 =	sand.u32 $0x4000, s31;
	s1 =	sadd.s32 s1, s30  }
0xba: {  	s0 =	sor.u32 s3, s0;
	s1 =	sshll.u32 s1, $0x11  }
0xbb: {  	s0 =	sor.u32 s1, s0  }
0xbc: {  	s0 =	sadd.s32 $0x8F2B, s0  }
0xbd: {  	[sflag:s0] =	ssyncadd.remote.s32 $0x1  }
0xbe: {  	_ =	sfence.sel $0xFFFF  }
0xbf: {  	[dreg:$0x0] =	wrdreg $0xFFFFFFFF;
	(pc) =	sbr.abs _section_cstart, $3  }
0xc0: {  	[dreg:$0x1] =	wrdreg $0xFFFFFFFF  }
0xc1: {  	_ =	task.clear_ibuf [dreg:s6], $0x2FFFF;
	_ =	strace $0x9FFFFFFF  }
0xc2: {  	(tm) =	ssettm $0x7FFFFFFF  }
0xc3: {  	_ =	shalt  }
tec
execute0_lowered:
.L_overlay_start_1:
0x0: {  	(tag) =	ssettag $0x1  }
0x1: {  	s0 =	rddreg [dreg:$0x0]  }
0x2: {  	s1 =	rddreg [dreg:$0x1];
	s2 =	srdreg.scid;
	s3 =	simm.s32 $0x0  }
0x3: {  	s22 =	stileid.u32;
	s15 =	simm.s32 $0x5;
	s16 =	simm.s32 $0x1000  }
0x4: {  	s17 =	simm.s32 $0x40;
	s18 =	simm.s32 $0x2000;
	s19 =	simm.s32 $0x4000  }
0x5: {  	s28 =	simm.s32 $0x3;
	s29 =	simm.s32 $0x100;
	s30 =	simm.s32 $0x140  }
0x6: {  	s31 =	simm.s32 $0x2;
	s2 =	sand.u32 $0x1, s2;
	s8 =	smul.u32 $0x4F000, s22  }
0x7: {  	[smem:$0x7FF] =	sst s3;
	s5 =	sadd.s32 $0x5B800, s0;
	s11 =	smul.u32 $0x4E000, s22  }
0x8: {  	s7 =	sadd.s32 $0xE00, s0;
	s10 =	sadd.s32 $0xAE00, s0;
	s14 =	smul.u32 $0x2700, s22  }
0x9: {  	s21 =	sshll.u32 s22, $0x6;
	p0 =	seq.s32 s22, $0xF;
	s4 =	sshll.u32 s2, $0x4  }
0xa: {  	_ =	strace $0x8000004D;
	s9 =	ssub.s32 $0x2, s2;
	s12 =	smul.u32 $0x27100, s2  }
0xb: {  	[dreg:$0x3] =	wrdreg s10;
	s2 =	smul.u32 $0x138800, s2;
	s24 =	sor.u32 $0x1C05, s21  }
0xc: {  	s10 =	smul.u32 $0x5000, s22;
	s21 =	simm.s32 $0x6000;
	s6 =	sor.u32 s22, s4  }
0xd: {  	s4 =	sadd.s32 $0x6F800, s0;
	s20 =	sshrl.u32 s9, $0x1;
	s0 =	sadd.s32 $0xBDC00, s0  }
0xe: {  	s8 =	sshrl.u32 s8, $0x2;
	s11 =	sshrl.u32 s11, $0x2;
	s22 =	simm.s32 $0xC0  }
0xf: {  	[dreg:$0x4] =	wrdreg s24;
	s6 =	smul.u32 $0x5000, s6;
	s13 =	ssub.s32 s9, s20  }
0x10: {  	s8 =	sadd.s32 s8, s1;
	s12 =	sadd.s32 s14, s12;
	s2 =	sshrl.u32 s2, $0x3  }
0x11: {  	s11 =	sadd.s32 s11, s1;
	s20 =	simm.s32 $0x80;
	s23 =	sadd.s32 s0, s12  }
0x12: {  	s0 =	sadd.s32 s0, s2;
	s2 =	sadd.s32 $0x124800, s1;
	s25 =	smax.u32 s13, $0x1  }
0x13: {  	s26 =	sshrl.u32 s8, $0x3;
	s8 =	simm.s32 $0xF80;
	[dreg:$0x5] =	wrdreg s23  }
0x14: {  	s12 =	simm.s32 $0x1F00;
	s13 =	simm.s32 $0x1F80;
	[dreg:$0x7] =	wrdreg s25  }
0x15: {  	s0 =	sadd.s32 $0x24900, s0;
	[dreg:$0x8] =	wrdreg s26;
	s23 =	simm.s32 $0x8000  }
0x16: {  	s26 =	simm.s32 $0x1;
	[dreg:$0x6] =	wrdreg s0;
	s0 =	sshrl.u32 @p0 s2, $0x3  }
0x17: {  	s2 =	simm.s32 $0x4;
	[dreg:$0x9] =	wrdreg s0;
	s0 =	sshrl.u32 @!p0 s11, $0x3  }
0x18: {  	s11 =	simm.s32 $0xFC0;
	[dreg:$0xa] =	wrdreg s0;
	s0 =	simm.s32 $0x1080  }
.LBB2_1:
0x19: {  	s9 =	rddreg [dreg:$0x3]  }
0x1a: {  	s14 =	rddreg [dreg:$0x8]  }
0x1b: {  	[spmem:s14], [sflag:s24] =	dma.local [hbm:s9], $0x2780  }
0x1c: {  	_ =	swait.ge [sflag:s15], $0x2780  }
0x1d: {  	[sflag:s15] =	ssyncset.done $0x0  }
0x1e: {  	[sflag:s15] =	ssyncadd.s32 $0xFFFFD880  }
0x1f: {  	s14 =	simm.s32 $0x0;
	[bflag:$0x0] =	sbarrier.arrive $0xFFFF  }
.LBB2_2:
0x20: {  	s24 =	sshll.u32 s14, $0xC  }
0x21: {  	s25 =	sadd.s32 s6, s24  }
0x22: {  	s25 =	sshrl.u32 s25, $0x3  }
0x23: {  	s9 =	simm.s32 $0x0;
	s25 =	sadd.s32 s5, s25  }
0x24: {  	[tilespmem:s9], [sflag:$0x5] =	stream.linear.gather [hbm4b:s25+s9], $0x1000, $0x38;
	[tilespmem:$0x1DC00] =	vst v63  }
0x25: {  	s24 =	sadd.s32 s10, s24;
	_ =	swait.ge [sflag:s15], $0x1000  }
0x26: {  	s24 =	sshrl.u32 s24, $0x3;
	[sflag:s15] =	ssyncset.done $0x0  }
0x27: {  	s24 =	sadd.s32 s7, s24;
	[sflag:s15] =	ssyncadd.s32 $0xFFFFF000  }
0x28: {  	[tilespmem:s16], [sflag:$0x5] =	stream.linear.gather [hbm4b:s24+s9], $0x1000, $0x38;
	[tilespmem:$0x1DC00] =	vst v63  }
0x29: {  	_ =	swait.ge [sflag:s15], $0x1000  }
0x2a: {  	[sflag:s15] =	ssyncset.done $0x0  }
0x2b: {  	[sflag:s15] =	ssyncadd.s32 $0xFFFFF000  }
0x2c: {  	[tilespmem:s18], [sflag:$0x1] =	stream.indirect.gather [hbm4b:s4+s17], $0x80, s9, s17, $0xb8;
	[tilespmem:$0x1DC00] =	vst v63  }
0x2d: {  	_ = 	snop  }
0x2e: {  	[tilespmem:s19], [sflag:$0x1] =	stream.indirect.gather [hbm4b:s4+s17], $0x80, s17, s17, $0xb8;
	[tilespmem:$0x1DC00] =	vst v63  }
0x2f: {  	_ = 	snop  }
0x30: {  	[tilespmem:s21], [sflag:$0x2] =	stream.indirect.gather [hbm4b:s4+s17], $0x80, s20, s17, $0xb8;
	[tilespmem:$0x1DC00] =	vst v63  }
0x31: {  	_ = 	snop  }
0x32: {  	[tilespmem:s23], [sflag:$0x2] =	stream.indirect.gather [hbm4b:s4+s17], $0x80, s22, s17, $0xb8;
	[tilespmem:$0x1DC00] =	vst v63  }
0x33: {  	_ =	swait.ge [sflag:s26], $0x4000  }
0x34: {  	[sflag:s26] =	ssyncset.done $0x0  }
0x35: {  	[sflag:s26] =	ssyncadd.s32 $0xFFFFC000  }
0x36: {  	[spmem:s1] =	stream.indirect.scatter.add.f32 [tilespmem:s18], [sflag:$0x3], $0x80, s16, s20, $0xb8;
	[tilespmem:$0x1DC00] =	vst v63  }
0x37: {  	_ =	swait.ge [sflag:s28], $0x4000  }
0x38: {  	[sflag:s28] =	ssyncset.done $0x0  }
0x39: {  	[sflag:s28] =	ssyncadd.s32 $0xFFFFC000  }
0x3a: {  	[tilespmem:s18], [sflag:$0x1] =	stream.indirect.gather [hbm4b:s4+s17], $0x80, s29, s17, $0xb8;
	[tilespmem:$0x1DC00] =	vst v63  }
0x3b: {  	_ = 	snop  }
0x3c: {  	[tilespmem:s19], [sflag:$0x1] =	stream.indirect.gather [hbm4b:s4+s17], $0x80, s30, s17, $0xb8;
	[tilespmem:$0x1DC00] =	vst v63  }
0x3d: {  	_ =	swait.ge [sflag:s31], $0x4000  }
0x3e: {  	[sflag:s31] =	ssyncset.done $0x0  }
0x3f: {  	[sflag:s31] =	ssyncadd.s32 $0xFFFFC000  }
0x40: {  	[spmem:s1] =	stream.indirect.scatter.add.f32 [tilespmem:s21], [sflag:$0x4], $0x80, s0, s20, $0xb8;
	[tilespmem:$0x1DC00] =	vst v63  }
0x41: {  	_ =	swait.ge [sflag:s2], $0x4000  }
0x42: {  	[sflag:s2] =	ssyncset.done $0x0  }
0x43: {  	s25 =	simm.s32 $0x180;
	[sflag:s2] =	ssyncadd.s32 $0xFFFFC000  }
0x44: {  	[tilespmem:s21], [sflag:$0x2] =	stream.indirect.gather [hbm4b:s4+s17], $0x80, s25, s17, $0xb8;
	[tilespmem:$0x1DC00] =	vst v63  }
0x45: {  	s24 =	simm.s32 $0x1C0  }
0x46: {  	[tilespmem:s23], [sflag:$0x2] =	stream.indirect.gather [hbm4b:s4+s17], $0x80, s24, s17, $0xb8;
	[tilespmem:$0x1DC00] =	vst v63  }
0x47: {  	_ =	swait.ge [sflag:s26], $0x4000  }
0x48: {  	[sflag:s26] =	ssyncset.done $0x0  }
0x49: {  	s25 =	simm.s32 $0x1100;
	[sflag:s26] =	ssyncadd.s32 $0xFFFFC000  }
0x4a: {  	[spmem:s1] =	stream.indirect.scatter.add.f32 [tilespmem:s18], [sflag:$0x3], $0x80, s25, s20, $0xb8;
	[tilespmem:$0x1DC00] =	vst v63  }
0x4b: {  	_ =	swait.ge [sflag:s28], $0x4000  }
0x4c: {  	[sflag:s28] =	ssyncset.done $0x0  }
0x4d: {  	s24 =	simm.s32 $0x200;
	[sflag:s28] =	ssyncadd.s32 $0xFFFFC000  }
0x4e: {  	[tilespmem:s18], [sflag:$0x1] =	stream.indirect.gather [hbm4b:s4+s17], $0x80, s24, s17, $0xb8;
	[tilespmem:$0x1DC00] =	vst v63  }
0x4f: {  	s25 =	simm.s32 $0x240  }
0x50: {  	[tilespmem:s19], [sflag:$0x1] =	stream.indirect.gather [hbm4b:s4+s17], $0x80, s25, s17, $0xb8;
	[tilespmem:$0x1DC00] =	vst v63  }
0x51: {  	_ =	swait.ge [sflag:s31], $0x4000  }
0x52: {  	[sflag:s31] =	ssyncset.done $0x0  }
0x53: {  	s24 =	simm.s32 $0x400;
	s25 =	simm.s32 $0x1180;
	[sflag:s31] =	ssyncadd.s32 $0xFFFFC000  }
.LBB2_3:
0x54: {  	[spmem:s1] =	stream.indirect.scatter.add.f32 [tilespmem:s21], [sflag:$0x4], $0x80, s25, s20, $0xb8;
	[tilespmem:$0x1DC00] =	vst v63  }
0x55: {  	s9 =	smov.u32 s24  }
0x56: {  	p1 =	sne.s32 s24, $0x3400;
	s24 =	sadd.s32 $0x400, s24;
	_ =	swait.ge [sflag:s2], $0x4000  }
0x57: {  	s9 =	sshra.s32 s9, $0x2;
	[sflag:s2] =	ssyncset.done $0x0  }
0x58: {  	s25 =	sadd.s32 $0x180, s9;
	[sflag:s2] =	ssyncadd.s32 $0xFFFFC000  }
0x59: {  	[tilespmem:s21], [sflag:$0x2] =	stream.indirect.gather [hbm4b:s4+s17], $0x80, s25, s17, $0xb8;
	[tilespmem:$0x1DC00] =	vst v63  }
0x5a: {  	s25 =	sadd.s32 $0x1C0, s9  }
0x5b: {  	[tilespmem:s23], [sflag:$0x2] =	stream.indirect.gather [hbm4b:s4+s17], $0x80, s25, s17, $0xb8;
	[tilespmem:$0x1DC00] =	vst v63  }
0x5c: {  	_ =	swait.ge [sflag:s26], $0x4000  }
0x5d: {  	[sflag:s26] =	ssyncset.done $0x0  }
0x5e: {  	s25 =	sadd.s32 $0x1100, s9;
	[sflag:s26] =	ssyncadd.s32 $0xFFFFC000  }
0x5f: {  	[spmem:s1] =	stream.indirect.scatter.add.f32 [tilespmem:s18], [sflag:$0x3], $0x80, s25, s20, $0xb8;
	[tilespmem:$0x1DC00] =	vst v63  }
0x60: {  	_ =	swait.ge [sflag:s28], $0x4000  }
0x61: {  	[sflag:s28] =	ssyncset.done $0x0  }
0x62: {  	s25 =	sadd.s32 $0x200, s9;
	[sflag:s28] =	ssyncadd.s32 $0xFFFFC000  }
0x63: {  	[tilespmem:s18], [sflag:$0x1] =	stream.indirect.gather [hbm4b:s4+s17], $0x80, s25, s17, $0xb8;
	[tilespmem:$0x1DC00] =	vst v63  }
.Ltmp0:
0x64: {  	s25 =	sadd.s32 $0x240, s9;
	(pc) =	sbr.rel @p1 .LBB2_3-.Ltmp0, $4  }
0x65: {  	[tilespmem:s19], [sflag:$0x1] =	stream.indirect.gather [hbm4b:s4+s17], $0x80, s25, s17, $0xb8;
	[tilespmem:$0x1DC00] =	vst v63  }
0x66: {  	_ =	swait.ge [sflag:s31], $0x4000  }
0x67: {  	[sflag:s31] =	ssyncset.done $0x0  }
0x68: {  	s25 =	sadd.s32 $0x1180, s9;
	[sflag:s31] =	ssyncadd.s32 $0xFFFFC000  }
0x69: {  	[spmem:s1] =	stream.indirect.scatter.add.f32 [tilespmem:s21], [sflag:$0x4], $0x80, s25, s20, $0xb8;
	[tilespmem:$0x1DC00] =	vst v63  }
0x6a: {  	_ =	swait.ge [sflag:s2], $0x4000  }
0x6b: {  	[sflag:s2] =	ssyncset.done $0x0  }
0x6c: {  	[sflag:s2] =	ssyncadd.s32 $0xFFFFC000  }
0x6d: {  	[tilespmem:s21], [sflag:$0x2] =	stream.indirect.gather [hbm4b:s4+s17], $0x80, s8, s17, $0xb8;
	[tilespmem:$0x1DC00] =	vst v63  }
0x6e: {  	_ = 	snop  }
0x6f: {  	[tilespmem:s23], [sflag:$0x2] =	stream.indirect.gather [hbm4b:s4+s17], $0x80, s11, s17, $0xb8;
	[tilespmem:$0x1DC00] =	vst v63  }
0x70: {  	_ =	swait.ge [sflag:s26], $0x4000  }
0x71: {  	[sflag:s26] =	ssyncset.done $0x0  }
0x72: {  	[sflag:s26] =	ssyncadd.s32 $0xFFFFC000  }
0x73: {  	[spmem:s1] =	stream.indirect.scatter.add.f32 [tilespmem:s18], [sflag:$0x3], $0x80, s12, s20, $0xb8;
	[tilespmem:$0x1DC00] =	vst v63  }
0x74: {  	_ =	swait.ge [sflag:s31], $0x4000  }
0x75: {  	[sflag:s31] =	ssyncset.done $0x0  }
0x76: {  	s14 =	sadd.s32 $0x1, s14;
	[sflag:s31] =	ssyncadd.s32 $0xFFFFC000  }
0x77: {  	[spmem:s1] =	stream.indirect.scatter.add.f32 [tilespmem:s21], [sflag:$0x4], $0x80, s13, s20, $0xb8;
	[tilespmem:$0x1DC00] =	vst v63  }
0x78: {  	p1 =	sne.s32 s14, $0x5;
	_ =	swait.ge [sflag:s28], $0x4000  }
.Ltmp1:
0x79: {  	[sflag:s28] =	ssyncset.done $0x0;
	(pc) =	sbr.rel @p1 .LBB2_2-.Ltmp1, $4  }
0x7a: {  	[sflag:s28] =	ssyncadd.s32 $0xFFFFC000  }
0x7b: {  	_ =	swait.ge [sflag:s2], $0x4000  }
0x7c: {  	[sflag:s2] =	ssyncset.done $0x0  }
0x7d: {  	[sflag:s2] =	ssyncadd.s32 $0xFFFFC000  }
0x7e: {  	[bflag:$0x0] =	sbarrier.arrive $0xFFFF  }
0x7f: {  	s24 =	rddreg [dreg:$0x4]  }
0x80: {  	s9 =	rddreg [dreg:$0x6]  }
0x81: {  	s14 =	rddreg [dreg:$0x9]  }
0x82: {  	[hbm:s9], [sflag:s24] =	dma.local @p0 [spmem:s14], $0x2800  }
0x83: {  	s9 =	simm.s32 @p0 $0x5  }
0x84: {  	_ =	swait.ge @p0 [sflag:s9], $0x2800  }
0x85: {  	[sflag:s9] =	ssyncset.done @p0 $0x0;
	s14 =	rddreg [dreg:$0xa]  }
0x86: {  	[sflag:s9] =	ssyncadd.s32 @p0 $0xFFFFD800;
	s9 =	rddreg [dreg:$0x5]  }
0x87: {  	[hbm:s9], [sflag:s24] =	dma.local @!p0 [spmem:s14], $0x2700  }
0x88: {  	s9 =	simm.s32 @!p0 $0x5  }
0x89: {  	_ =	swait.ge @!p0 [sflag:s9], $0x2700  }
0x8a: {  	s3 =	sadd.s32 $0x1, s3;
	s25 =	rddreg [dreg:$0x7]  }
0x8b: {  	p1 =	sne.s32 s3, s25  }
.Ltmp2:
0x8c: {  	_ = 	snop;
	(pc) =	sbr.rel @p1 .LBB2_1-.Ltmp2, $3  }
0x8d: {  	_ =	sdelay $0x1  }
0x8e: {  	[sflag:s9] =	ssyncset.done @!p0 $0x0  }
0x8f: {  	[sflag:s9] =	ssyncadd.s32 @!p0 $0xFFFFD900  }
0x90: {  	_ =	sfence.sel $0x180000  }
0x91: {  	[bflag:$0x0] =	sbarrier.arrive $0xFFFF  }
0x92: {  	_ =	strace $0x9000004D  }
0x93: {  	s0 =	stileid.u32;
	[bflag:$0x2] =	sbarrier.arrive $0xFFFF  }
0x94: {  	p0 =	sne.s32 s0, $0x0;
	s0 =	rddreg [dreg:$0x2]  }
0x95: {  	s0 =	sadd.s32 @!p0 $0x100000, s0  }
0x96: {  	[sflag:s0] =	ssyncadd.tile.s32 @!p0 $0x1;
	_ =	shalt  }
.Lfunc_end2:
_tile_overlayer_lowered:
.L_overlay_start_2:
0x97: {  	(tag) =	ssettag $0x2  }
0x98: {  	s0 =	rddreg [dreg:$0x0];
	s2 =	stileid.u32  }
0x99: {  	s1 =	rddreg [dreg:$0x1];
	p0 =	sne.s32 s2, $0x0  }
0x9a: {  	s3 =	rddreg [dreg:$0x2];
	[bflag:$0x3] =	sbarrier.arrive $0xFFFF;
	s2 =	simm.s32 @!p0 $0x1C05  }
0x9b: {  	[timem:s3], [sflag:s2] =	dma.local @!p0 [hbm:s0], s1  }
0x9c: {  	s0 =	simm.s32 @!p0 $0x5  }
0x9d: {  	_ =	swait.ge @!p0 [sflag:s0], s1  }
0x9e: {  	s1 =	ssub.s32 @!p0 $0x0, s1;
	[sflag:s0] =	ssyncset.done @!p0 $0x0  }
0x9f: {  	[sflag:s0] =	ssyncadd.s32 @!p0 s1  }
0xa0: {  	[bflag:$0x3] =	sbarrier.arrive $0xFFFF  }
0xa1: {  	_ =	shalt  }

// kernel: kernel.21.cloned.1.call-start
scs
__scs_entry_jumppad:
0x0: {  	(pc) =	sbr.rel $0x88, $3  }
0x1: {  	(tag) =	ssettag $0x0;
	lr =	simm.s32 $0x1  }
0x2: {  	[smem:$0x3F8D] =	sst lr;
	_ =	strace $0xD0000000  }
0x3: {  	_ = 	snop  }
0x4: {  	_ = 	snop  }
0x5: {  	_ = 	snop  }
0x6: {  	_ = 	snop  }
0x7: {  	_ = 	snop  }
__scs_overlays_trampoline_lowered:
0x8: {  	[smem:$0x3F9C] =	sst s0  }
0x9: {  	[smem:$0x3F9D] =	sst s1  }
0xa: {  	[smem:$0x3F9E] =	sst s2  }
0xb: {  	[smem:$0x3F9F] =	sst s3  }
0xc: {  	[smem:$0x3FA0] =	sst s4  }
0xd: {  	[smem:$0x3FA1] =	sst s5  }
0xe: {  	[smem:$0x3FA2] =	sst s6  }
0xf: {  	[smem:$0x3FA3] =	sst s7  }
0x10: {  	[smem:$0x3FA4] =	sst s8  }
0x11: {  	[smem:$0x3FA5] =	sst s9;
	s0 =	simm.s32 @!p0 $0x0  }
0x12: {  	s1 =	sld [smem:$0x3F8B];
	s0 =	simm.s32 @p0 $0x1  }
0x13: {  	[smem:$0x3FA6] =	sst s0;
	s0 =	simm.s32 @!p1 $0x0  }
0x14: {  	s2 =	sld [smem:$0x3F8A];
	s0 =	simm.s32 @p1 $0x1  }
0x15: {  	[smem:$0x3FA7] =	sst s0;
	s0 =	simm.s32 @!p2 $0x0  }
0x16: {  	s3 =	sld [smem:$0x3FDB];
	s0 =	simm.s32 @p2 $0x1  }
0x17: {  	s4 =	simm.s32 $0x1BF5;
	[smem:$0x3FA9] =	sst s0  }
0x18: {  	s0 =	sld [smem:$0x3F8C];
	_ =	swait.ge [sflag:s4], $0x0  }
0x19: {  	s7 =	sld [smem:$0x3F8D]  }
0x1a: {  	s8 =	sadd.s32 $0xFFFFE003, lr  }
0x1b: {  	s9 =	sadd.s32 $0xFFFFFEF7, lr;
	s5 =	simm.s32 $0xFFFFFFFF;
	p2 =	slt.u32 s8, $0xFFFFF086  }
0x1c: {  	p1 =	slt.u32 s9, $0xF7A;
	s5 =	simm.s32 @!p2 $0x0  }
0x1d: {  	s5 =	simm.s32 @p1 $0x1;
	p0 =	seq.s32 s7, s2  }
0x1e: {  	s7 =	smul.u32 @!p0 $0xF7A, s2;
	p2 =	seq.s32 @!p0 s5, $0x0  }
0x1f: {  	s9 =	smul.u32 $0xF7A, s1;
	s8 =	simm.s32 @!p0 $0x1BF5;
	p2 =	por !p2, p0  }
0x20: {  	[sflag:s8] =	ssyncset.s32 @!p0 $0xFFFFF086;
	s6 =	sadd.s32 @!p0 s3, s7;
	s7 =	simm.s32 @!p0 $0x108  }
0x21: {  	s3 =	sadd.s32 s3, s9;
	s6 =	sadd.s32 @!p0 $0x88, s6;
	s7 =	simm.s32 @p2 $0x1082  }
0x22: {  	[simem:s7], [sflag:s8] =	dma.local @!p0 [hbm:s6], $0xF7A  }
0x23: {  	s9 =	sor.u32 $0xD0000000, s2;
	s6 =	simm.s32 $0x108;
	_ =	swait.ge @!p0 [sflag:s8], $0x0  }
0x24: {  	s3 =	sadd.s32 $0x88, s3;
	s6 =	simm.s32 @!p1 $0x1082;
	[sflag:s4] =	ssyncset.s32 $0xFFFFF086  }
0x25: {  	[simem:s6], [sflag:s4] =	dma.local [hbm:s3], $0xF7A  }
0x26: {  	[smem:$0x3F8D] =	sst s1;
	(tag) =	ssettag s2;
	_ =	strace s9  }
0x27: {  	s1 =	sld [smem:$0x3F9D]  }
0x28: {  	s2 =	sld [smem:$0x3F9E]  }
0x29: {  	s4 =	sld [smem:$0x3FA0]  }
0x2a: {  	p0 =	seq.s32 s5, $0x0;
	s5 =	sld [smem:$0x3FA1]  }
0x2b: {  	s6 =	sld [smem:$0x3FA2]  }
0x2c: {  	s7 =	sld [smem:$0x3FA3]  }
0x2d: {  	s3 =	simm.s32 $0x108;
	s8 =	sld [smem:$0x3FA4]  }
0x2e: {  	s3 =	simm.s32 @!p0 $0x1082;
	s9 =	sld [smem:$0x3FA5]  }
0x2f: {  	lr =	sadd.s32 s0, s3;
	s0 =	sld [smem:$0x3F9C]  }
0x30: {  	s3 =	sld [smem:$0x3F9F]  }
0x31: {  	[smem:$0x3FA8] =	sst s10  }
0x32: {  	s10 =	sld [smem:$0x3FA6];
	_ =	sdelay $0x3  }
0x33: {  	p0 =	seq.s32 s10, $0x1;
	s10 =	sld [smem:$0x3FA8];
	_ =	sdelay $0x3  }
0x34: {  	[smem:$0x3FA8] =	sst s10  }
0x35: {  	s10 =	sld [smem:$0x3FA7];
	_ =	sdelay $0x3  }
0x36: {  	p1 =	seq.s32 s10, $0x1;
	s10 =	sld [smem:$0x3FA8];
	_ =	sdelay $0x3  }
0x37: {  	[smem:$0x3FA8] =	sst s10  }
0x38: {  	s10 =	sld [smem:$0x3FA9]  }
0x39: {  	_ = 	snop;
	(pc) =	sbr.ind lr, $3  }
0x3a: {  	_ = 	snop  }
0x3b: {  	_ = 	snop  }
0x3c: {  	p2 =	seq.s32 s10, $0x1;
	s10 =	sld [smem:$0x3FA8]  }
0x3d: {  	_ =	shalt  }
0x3e: {  	_ =	shalt  }
0x3f: {  	_ =	shalt  }
0x40: {  	_ =	shalt  }
0x41: {  	_ =	shalt  }
0x42: {  	_ =	shalt  }
0x43: {  	_ =	shalt  }
0x44: {  	_ =	shalt  }
0x45: {  	_ =	shalt  }
0x46: {  	_ =	shalt  }
0x47: {  	_ =	shalt  }
0x48: {  	_ =	shalt  }
0x49: {  	_ =	shalt  }
0x4a: {  	_ =	shalt  }
0x4b: {  	_ =	shalt  }
0x4c: {  	_ =	shalt  }
0x4d: {  	_ =	shalt  }
0x4e: {  	_ =	shalt  }
0x4f: {  	_ =	shalt  }
0x50: {  	_ =	shalt  }
0x51: {  	_ =	shalt  }
0x52: {  	_ =	shalt  }
0x53: {  	_ =	shalt  }
0x54: {  	_ =	shalt  }
0x55: {  	_ =	shalt  }
0x56: {  	_ =	shalt  }
0x57: {  	_ =	shalt  }
0x58: {  	_ =	shalt  }
0x59: {  	_ =	shalt  }
0x5a: {  	_ =	shalt  }
0x5b: {  	_ =	shalt  }
0x5c: {  	_ =	shalt  }
0x5d: {  	_ =	shalt  }
0x5e: {  	_ =	shalt  }
0x5f: {  	_ =	shalt  }
0x60: {  	_ =	shalt  }
0x61: {  	_ =	shalt  }
0x62: {  	_ =	shalt  }
0x63: {  	_ =	shalt  }
0x64: {  	_ =	shalt  }
0x65: {  	_ =	shalt  }
0x66: {  	_ =	shalt  }
0x67: {  	_ =	shalt  }
0x68: {  	_ =	shalt  }
0x69: {  	_ =	shalt  }
0x6a: {  	_ =	shalt  }
0x6b: {  	_ =	shalt  }
0x6c: {  	_ =	shalt  }
0x6d: {  	_ =	shalt  }
0x6e: {  	_ =	shalt  }
0x6f: {  	_ =	shalt  }
0x70: {  	_ =	shalt  }
0x71: {  	_ =	shalt  }
0x72: {  	_ =	shalt  }
0x73: {  	_ =	shalt  }
0x74: {  	_ =	shalt  }
0x75: {  	_ =	shalt  }
0x76: {  	_ =	shalt  }
0x77: {  	_ =	shalt  }
0x78: {  	_ =	shalt  }
0x79: {  	_ =	shalt  }
0x7a: {  	_ =	shalt  }
0x7b: {  	_ =	shalt  }
0x7c: {  	_ =	shalt  }
0x7d: {  	_ =	shalt  }
0x7e: {  	_ =	shalt  }
0x7f: {  	_ =	shalt  }
0x80: {  	_ =	shalt  }
0x81: {  	_ =	shalt  }
0x82: {  	_ =	shalt  }
0x83: {  	_ =	shalt  }
0x84: {  	_ =	shalt  }
0x85: {  	_ =	shalt  }
0x86: {  	_ =	shalt  }
0x87: {  	_ =	shalt  }
.Lfunc_end0:
.L_simem_size_0:
called_computation.3_lowered:
.L_overlay_start_0:
0x88: {  	s2 =	sld [smem:$0x3FD9]  }
0x89: {  	s3 =	sld [smem:$0x3FFE];
	_ =	sdelay $0x1  }
0x8a: {  	s1 =	srdreg.scid  }
0x8b: {  	s0 =	sand.u32 $0x1, s1  }
0x8c: {  	s16 =	sshll.u32 s0, $0xA;
	s2 =	sadd.s32 s3, s2  }
0x8d: {  	s2 =	sadd.s32 s2, s16  }
0x8e: {  	[smem:$0x3FB4] =	sst s2  }
0x8f: {  	_ = 	snop  }
0x90: {  	(tm) =	ssettm $0x1  }
0x91: {  	s17 =	sld [smem:$0x3FFB];
	_ =	sdelay $0x3  }
0x92: {  	_ =	strace s17  }
0x93: {  	s2 =	sld [smem:$0x3FFC];
	_ =	sdelay $0x3  }
0x94: {  	_ =	strace s2  }
0x95: {  	s2 =	sld [smem:$0x3FFD];
	_ =	sdelay $0x3  }
0x96: {  	_ =	strace s2  }
0x97: {  	_ =	strace $0x8FFFFFFF  }
0x98: {  	s18 =	sld [smem:$0x3FDB];
	_ =	sdelay $0x1  }
0x99: {  	s19 =	simm.s32 $_scs_section_size  }
0x9a: {  	s4 =	simm.s32 $_size__tile_overlayer_lowered;
	s5 =	simm.s32 $_tile_overlayer_lowered  }
0x9b: {  	s22 =	simm.s32 $0x1BFF;
	s21 =	sshll.u32 s5, $0x1;
	s2 =	sadd.s32 s19, s18  }
0x9c: {  	s6 =	simm.s32 $0x0;
	s20 =	sshll.u32 s4, $0x1;
	s4 =	sadd.s32 s21, s2  }
0x9d: {  	[timem:s6], [sflag:s22] =	dma.local [hbm:s4], s20  }
0x9e: {  	_ =	swait.ge [sflag:s22], s20  }
0x9f: {  	s3 =	ssub.s32 $0x0, s20;
	[sflag:s22] =	ssyncset.done $0x0  }
0xa0: {  	[sflag:s22] =	ssyncadd.s32 s3;
	_ =	sdelay $0x1  }
0xa1: {  	s23 =	simm.s32 $0x1B8B  }
0xa2: {  	_ =	swait.ge [sflag:s23], $0x1  }
0xa3: {  	[sflag:s23] =	ssyncset.done $0x0  }
0xa4: {  	s25 =	simm.s32 $0x1B8E;
	s24 =	sld [smem:$0x3FFE];
	[sflag:s23] =	ssyncadd.s32 $0xFFFFFFFF  }
0xa5: {  	s26 =	simm.s32 $execute0_lowered;
	[smem:$0x3FD2] =	sst s25  }
0xa6: {  	s4 =	sshll.u32 s26, $0x1;
	_ =	strace $0x8000004F;
	[dreg:$0x1] =	wrdreg $0xFFFFFFFF  }
0xa7: {  	s28 =	simm.s32 $_size_execute0_lowered;
	s2 =	sadd.s32 s2, s4;
	[dreg:$0x0] =	wrdreg $0x0  }
0xa8: {  	s4 =	sshll.u32 s28, $0x1;
	[dreg:$0x2] =	wrdreg s2  }
0xa9: {  	[dreg:$0x3] =	wrdreg s4  }
0xaa: {  	[dreg:$0x4] =	wrdreg $0xC0  }
0xab: {  	_ =	task [dreg:s6], $0x5FFFF  }
0xac: {  	[dreg:$0x1] =	wrdreg $0xFFFFFFFF  }
0xad: {  	[dreg:$0x0] =	wrdreg $0x60  }
0xae: {  	[dreg:$0x2] =	wrdreg s24  }
0xaf: {  	[dreg:$0x3] =	wrdreg $0xA0000  }
0xb0: {  	[dreg:$0x4] =	wrdreg $0x9  }
0xb1: {  	_ =	task.clear_ibuf [dreg:s6], $0x5FFFF;
	_ =	strace $0x9000004F  }
0xb2: {  	s29 =	simm.s32 $0x9;
	_ =	strace $0x80000051  }
0xb3: {  	_ =	swait.ge [sflag:s29], $0x1  }
0xb4: {  	[sflag:s29] =	ssyncadd.s32 $0xFFFFFFFF  }
0xb5: {  	_ =	strace $0x90000051  }
0xb6: {  	_ =	sfence  }
0xb7: {  	s30 =	sld [smem:$0x0];
	_ =	sdelay $0x2  }
0xb8: {  	s31 =	sshll.u32 s1, $0xD;
	s1 =	sshrl.u32 s1, $0x2  }
0xb9: {  	s3 =	sand.u32 $0x4000, s31;
	s1 =	sadd.s32 s1, s30  }
0xba: {  	s0 =	sor.u32 s3, s0;
	s1 =	sshll.u32 s1, $0x11  }
0xbb: {  	s0 =	sor.u32 s1, s0  }
0xbc: {  	s0 =	sadd.s32 $0x8F2B, s0  }
0xbd: {  	[sflag:s0] =	ssyncadd.remote.s32 $0x1  }
0xbe: {  	_ =	sfence.sel $0xFFFF  }
0xbf: {  	[dreg:$0x0] =	wrdreg $0xFFFFFFFF;
	(pc) =	sbr.abs _section_cstart, $3  }
0xc0: {  	[dreg:$0x1] =	wrdreg $0xFFFFFFFF  }
0xc1: {  	_ =	task.clear_ibuf [dreg:s6], $0x2FFFF;
	_ =	strace $0x9FFFFFFF  }
0xc2: {  	(tm) =	ssettm $0x7FFFFFFF  }
0xc3: {  	_ =	shalt  }
tec
execute0_lowered:
.L_overlay_start_1:
0x0: {  	(tag) =	ssettag $0x1  }
0x1: {  	s0 =	rddreg [dreg:$0x0]  }
0x2: {  	s1 =	rddreg [dreg:$0x1];
	s2 =	srdreg.scid;
	s3 =	simm.s32 $0x0  }
0x3: {  	s22 =	stileid.u32;
	s15 =	simm.s32 $0x5;
	s16 =	simm.s32 $0x1000  }
0x4: {  	s17 =	simm.s32 $0x40;
	s18 =	simm.s32 $0x2000;
	s19 =	simm.s32 $0x4000  }
0x5: {  	s28 =	simm.s32 $0x3;
	s29 =	simm.s32 $0x100;
	s30 =	simm.s32 $0x140  }
0x6: {  	s31 =	simm.s32 $0x2;
	s2 =	sand.u32 $0x1, s2;
	s8 =	smul.u32 $0x4F000, s22  }
0x7: {  	[smem:$0x7FF] =	sst s3;
	s5 =	sadd.s32 $0x5B800, s0;
	s11 =	smul.u32 $0x4E000, s22  }
0x8: {  	s7 =	sadd.s32 $0xE00, s0;
	s10 =	sadd.s32 $0xAE00, s0;
	s14 =	smul.u32 $0x2700, s22  }
0x9: {  	s21 =	sshll.u32 s22, $0x6;
	p0 =	seq.s32 s22, $0xF;
	s4 =	sshll.u32 s2, $0x4  }
0xa: {  	_ =	strace $0x80000050;
	s9 =	ssub.s32 $0x2, s2;
	s12 =	smul.u32 $0x27100, s2  }
0xb: {  	[dreg:$0x3] =	wrdreg s10;
	s2 =	smul.u32 $0x138800, s2;
	s24 =	sor.u32 $0x1C05, s21  }
0xc: {  	s10 =	smul.u32 $0x5000, s22;
	s21 =	simm.s32 $0x6000;
	s6 =	sor.u32 s22, s4  }
0xd: {  	s4 =	sadd.s32 $0x6F800, s0;
	s20 =	sshrl.u32 s9, $0x1;
	s0 =	sadd.s32 $0xBDC00, s0  }
0xe: {  	s8 =	sshrl.u32 s8, $0x2;
	s11 =	sshrl.u32 s11, $0x2;
	s22 =	simm.s32 $0xC0  }
0xf: {  	[dreg:$0x4] =	wrdreg s24;
	s6 =	smul.u32 $0x5000, s6;
	s13 =	ssub.s32 s9, s20  }
0x10: {  	s8 =	sadd.s32 s8, s1;
	s12 =	sadd.s32 s14, s12;
	s2 =	sshrl.u32 s2, $0x3  }
0x11: {  	s11 =	sadd.s32 s11, s1;
	s20 =	simm.s32 $0x80;
	s23 =	sadd.s32 s0, s12  }
0x12: {  	s0 =	sadd.s32 s0, s2;
	s2 =	sadd.s32 $0x124800, s1;
	s25 =	smax.u32 s13, $0x1  }
0x13: {  	s26 =	sshrl.u32 s8, $0x3;
	s8 =	simm.s32 $0xF80;
	[dreg:$0x5] =	wrdreg s23  }
0x14: {  	s12 =	simm.s32 $0x1F00;
	s13 =	simm.s32 $0x1F80;
	[dreg:$0x7] =	wrdreg s25  }
0x15: {  	s0 =	sadd.s32 $0x24900, s0;
	[dreg:$0x8] =	wrdreg s26;
	s23 =	simm.s32 $0x8000  }
0x16: {  	s26 =	simm.s32 $0x1;
	[dreg:$0x6] =	wrdreg s0;
	s0 =	sshrl.u32 @p0 s2, $0x3  }
0x17: {  	s2 =	simm.s32 $0x4;
	[dreg:$0x9] =	wrdreg s0;
	s0 =	sshrl.u32 @!p0 s11, $0x3  }
0x18: {  	s11 =	simm.s32 $0xFC0;
	[dreg:$0xa] =	wrdreg s0;
	s0 =	simm.s32 $0x1080  }
.LBB2_1:
0x19: {  	s9 =	rddreg [dreg:$0x3]  }
0x1a: {  	s14 =	rddreg [dreg:$0x8]  }
0x1b: {  	[spmem:s14], [sflag:s24] =	dma.local [hbm:s9], $0x2780  }
0x1c: {  	_ =	swait.ge [sflag:s15], $0x2780  }
0x1d: {  	[sflag:s15] =	ssyncset.done $0x0  }
0x1e: {  	[sflag:s15] =	ssyncadd.s32 $0xFFFFD880  }
0x1f: {  	s14 =	simm.s32 $0x0;
	[bflag:$0x0] =	sbarrier.arrive $0xFFFF  }
.LBB2_2:
0x20: {  	s24 =	sshll.u32 s14, $0xC  }
0x21: {  	s25 =	sadd.s32 s6, s24  }
0x22: {  	s25 =	sshrl.u32 s25, $0x3  }
0x23: {  	s9 =	simm.s32 $0x0;
	s25 =	sadd.s32 s5, s25  }
0x24: {  	[tilespmem:s9], [sflag:$0x5] =	stream.linear.gather [hbm4b:s25+s9], $0x1000, $0x38;
	[tilespmem:$0x1DC00] =	vst v63  }
0x25: {  	s24 =	sadd.s32 s10, s24;
	_ =	swait.ge [sflag:s15], $0x1000  }
0x26: {  	s24 =	sshrl.u32 s24, $0x3;
	[sflag:s15] =	ssyncset.done $0x0  }
0x27: {  	s24 =	sadd.s32 s7, s24;
	[sflag:s15] =	ssyncadd.s32 $0xFFFFF000  }
0x28: {  	[tilespmem:s16], [sflag:$0x5] =	stream.linear.gather [hbm4b:s24+s9], $0x1000, $0x38;
	[tilespmem:$0x1DC00] =	vst v63  }
0x29: {  	_ =	swait.ge [sflag:s15], $0x1000  }
0x2a: {  	[sflag:s15] =	ssyncset.done $0x0  }
0x2b: {  	[sflag:s15] =	ssyncadd.s32 $0xFFFFF000  }
0x2c: {  	[tilespmem:s18], [sflag:$0x1] =	stream.indirect.gather [hbm4b:s4+s17], $0x80, s9, s17, $0xb8;
	[tilespmem:$0x1DC00] =	vst v63  }
0x2d: {  	_ = 	snop  }
0x2e: {  	[tilespmem:s19], [sflag:$0x1] =	stream.indirect.gather [hbm4b:s4+s17], $0x80, s17, s17, $0xb8;
	[tilespmem:$0x1DC00] =	vst v63  }
0x2f: {  	_ = 	snop  }
0x30: {  	[tilespmem:s21], [sflag:$0x2] =	stream.indirect.gather [hbm4b:s4+s17], $0x80, s20, s17, $0xb8;
	[tilespmem:$0x1DC00] =	vst v63  }
0x31: {  	_ = 	snop  }
0x32: {  	[tilespmem:s23], [sflag:$0x2] =	stream.indirect.gather [hbm4b:s4+s17], $0x80, s22, s17, $0xb8;
	[tilespmem:$0x1DC00] =	vst v63  }
0x33: {  	_ =	swait.ge [sflag:s26], $0x4000  }
0x34: {  	[sflag:s26] =	ssyncset.done $0x0  }
0x35: {  	[sflag:s26] =	ssyncadd.s32 $0xFFFFC000  }
0x36: {  	[spmem:s1] =	stream.indirect.scatter.add.f32 [tilespmem:s18], [sflag:$0x3], $0x80, s16, s20, $0xb8;
	[tilespmem:$0x1DC00] =	vst v63  }
0x37: {  	_ =	swait.ge [sflag:s28], $0x4000  }
0x38: {  	[sflag:s28] =	ssyncset.done $0x0  }
0x39: {  	[sflag:s28] =	ssyncadd.s32 $0xFFFFC000  }
0x3a: {  	[tilespmem:s18], [sflag:$0x1] =	stream.indirect.gather [hbm4b:s4+s17], $0x80, s29, s17, $0xb8;
	[tilespmem:$0x1DC00] =	vst v63  }
0x3b: {  	_ = 	snop  }
0x3c: {  	[tilespmem:s19], [sflag:$0x1] =	stream.indirect.gather [hbm4b:s4+s17], $0x80, s30, s17, $0xb8;
	[tilespmem:$0x1DC00] =	vst v63  }
0x3d: {  	_ =	swait.ge [sflag:s31], $0x4000  }
0x3e: {  	[sflag:s31] =	ssyncset.done $0x0  }
0x3f: {  	[sflag:s31] =	ssyncadd.s32 $0xFFFFC000  }
0x40: {  	[spmem:s1] =	stream.indirect.scatter.add.f32 [tilespmem:s21], [sflag:$0x4], $0x80, s0, s20, $0xb8;
	[tilespmem:$0x1DC00] =	vst v63  }
0x41: {  	_ =	swait.ge [sflag:s2], $0x4000  }
0x42: {  	[sflag:s2] =	ssyncset.done $0x0  }
0x43: {  	s25 =	simm.s32 $0x180;
	[sflag:s2] =	ssyncadd.s32 $0xFFFFC000  }
0x44: {  	[tilespmem:s21], [sflag:$0x2] =	stream.indirect.gather [hbm4b:s4+s17], $0x80, s25, s17, $0xb8;
	[tilespmem:$0x1DC00] =	vst v63  }
0x45: {  	s24 =	simm.s32 $0x1C0  }
0x46: {  	[tilespmem:s23], [sflag:$0x2] =	stream.indirect.gather [hbm4b:s4+s17], $0x80, s24, s17, $0xb8;
	[tilespmem:$0x1DC00] =	vst v63  }
0x47: {  	_ =	swait.ge [sflag:s26], $0x4000  }
0x48: {  	[sflag:s26] =	ssyncset.done $0x0  }
0x49: {  	s25 =	simm.s32 $0x1100;
	[sflag:s26] =	ssyncadd.s32 $0xFFFFC000  }
0x4a: {  	[spmem:s1] =	stream.indirect.scatter.add.f32 [tilespmem:s18], [sflag:$0x3], $0x80, s25, s20, $0xb8;
	[tilespmem:$0x1DC00] =	vst v63  }
0x4b: {  	_ =	swait.ge [sflag:s28], $0x4000  }
0x4c: {  	[sflag:s28] =	ssyncset.done $0x0  }
0x4d: {  	s24 =	simm.s32 $0x200;
	[sflag:s28] =	ssyncadd.s32 $0xFFFFC000  }
0x4e: {  	[tilespmem:s18], [sflag:$0x1] =	stream.indirect.gather [hbm4b:s4+s17], $0x80, s24, s17, $0xb8;
	[tilespmem:$0x1DC00] =	vst v63  }
0x4f: {  	s25 =	simm.s32 $0x240  }
0x50: {  	[tilespmem:s19], [sflag:$0x1] =	stream.indirect.gather [hbm4b:s4+s17], $0x80, s25, s17, $0xb8;
	[tilespmem:$0x1DC00] =	vst v63  }
0x51: {  	_ =	swait.ge [sflag:s31], $0x4000  }
0x52: {  	[sflag:s31] =	ssyncset.done $0x0  }
0x53: {  	s24 =	simm.s32 $0x400;
	s25 =	simm.s32 $0x1180;
	[sflag:s31] =	ssyncadd.s32 $0xFFFFC000  }
.LBB2_3:
0x54: {  	[spmem:s1] =	stream.indirect.scatter.add.f32 [tilespmem:s21], [sflag:$0x4], $0x80, s25, s20, $0xb8;
	[tilespmem:$0x1DC00] =	vst v63  }
0x55: {  	s9 =	smov.u32 s24  }
0x56: {  	p1 =	sne.s32 s24, $0x3400;
	s24 =	sadd.s32 $0x400, s24;
	_ =	swait.ge [sflag:s2], $0x4000  }
0x57: {  	s9 =	sshra.s32 s9, $0x2;
	[sflag:s2] =	ssyncset.done $0x0  }
0x58: {  	s25 =	sadd.s32 $0x180, s9;
	[sflag:s2] =	ssyncadd.s32 $0xFFFFC000  }
0x59: {  	[tilespmem:s21], [sflag:$0x2] =	stream.indirect.gather [hbm4b:s4+s17], $0x80, s25, s17, $0xb8;
	[tilespmem:$0x1DC00] =	vst v63  }
0x5a: {  	s25 =	sadd.s32 $0x1C0, s9  }
0x5b: {  	[tilespmem:s23], [sflag:$0x2] =	stream.indirect.gather [hbm4b:s4+s17], $0x80, s25, s17, $0xb8;
	[tilespmem:$0x1DC00] =	vst v63  }
0x5c: {  	_ =	swait.ge [sflag:s26], $0x4000  }
0x5d: {  	[sflag:s26] =	ssyncset.done $0x0  }
0x5e: {  	s25 =	sadd.s32 $0x1100, s9;
	[sflag:s26] =	ssyncadd.s32 $0xFFFFC000  }
0x5f: {  	[spmem:s1] =	stream.indirect.scatter.add.f32 [tilespmem:s18], [sflag:$0x3], $0x80, s25, s20, $0xb8;
	[tilespmem:$0x1DC00] =	vst v63  }
0x60: {  	_ =	swait.ge [sflag:s28], $0x4000  }
0x61: {  	[sflag:s28] =	ssyncset.done $0x0  }
0x62: {  	s25 =	sadd.s32 $0x200, s9;
	[sflag:s28] =	ssyncadd.s32 $0xFFFFC000  }
0x63: {  	[tilespmem:s18], [sflag:$0x1] =	stream.indirect.gather [hbm4b:s4+s17], $0x80, s25, s17, $0xb8;
	[tilespmem:$0x1DC00] =	vst v63  }
.Ltmp0:
0x64: {  	s25 =	sadd.s32 $0x240, s9;
	(pc) =	sbr.rel @p1 .LBB2_3-.Ltmp0, $4  }
0x65: {  	[tilespmem:s19], [sflag:$0x1] =	stream.indirect.gather [hbm4b:s4+s17], $0x80, s25, s17, $0xb8;
	[tilespmem:$0x1DC00] =	vst v63  }
0x66: {  	_ =	swait.ge [sflag:s31], $0x4000  }
0x67: {  	[sflag:s31] =	ssyncset.done $0x0  }
0x68: {  	s25 =	sadd.s32 $0x1180, s9;
	[sflag:s31] =	ssyncadd.s32 $0xFFFFC000  }
0x69: {  	[spmem:s1] =	stream.indirect.scatter.add.f32 [tilespmem:s21], [sflag:$0x4], $0x80, s25, s20, $0xb8;
	[tilespmem:$0x1DC00] =	vst v63  }
0x6a: {  	_ =	swait.ge [sflag:s2], $0x4000  }
0x6b: {  	[sflag:s2] =	ssyncset.done $0x0  }
0x6c: {  	[sflag:s2] =	ssyncadd.s32 $0xFFFFC000  }
0x6d: {  	[tilespmem:s21], [sflag:$0x2] =	stream.indirect.gather [hbm4b:s4+s17], $0x80, s8, s17, $0xb8;
	[tilespmem:$0x1DC00] =	vst v63  }
0x6e: {  	_ = 	snop  }
0x6f: {  	[tilespmem:s23], [sflag:$0x2] =	stream.indirect.gather [hbm4b:s4+s17], $0x80, s11, s17, $0xb8;
	[tilespmem:$0x1DC00] =	vst v63  }
0x70: {  	_ =	swait.ge [sflag:s26], $0x4000  }
0x71: {  	[sflag:s26] =	ssyncset.done $0x0  }
0x72: {  	[sflag:s26] =	ssyncadd.s32 $0xFFFFC000  }
0x73: {  	[spmem:s1] =	stream.indirect.scatter.add.f32 [tilespmem:s18], [sflag:$0x3], $0x80, s12, s20, $0xb8;
	[tilespmem:$0x1DC00] =	vst v63  }
0x74: {  	_ =	swait.ge [sflag:s31], $0x4000  }
0x75: {  	[sflag:s31] =	ssyncset.done $0x0  }
0x76: {  	s14 =	sadd.s32 $0x1, s14;
	[sflag:s31] =	ssyncadd.s32 $0xFFFFC000  }
0x77: {  	[spmem:s1] =	stream.indirect.scatter.add.f32 [tilespmem:s21], [sflag:$0x4], $0x80, s13, s20, $0xb8;
	[tilespmem:$0x1DC00] =	vst v63  }
0x78: {  	p1 =	sne.s32 s14, $0x5;
	_ =	swait.ge [sflag:s28], $0x4000  }
.Ltmp1:
0x79: {  	[sflag:s28] =	ssyncset.done $0x0;
	(pc) =	sbr.rel @p1 .LBB2_2-.Ltmp1, $4  }
0x7a: {  	[sflag:s28] =	ssyncadd.s32 $0xFFFFC000  }
0x7b: {  	_ =	swait.ge [sflag:s2], $0x4000  }
0x7c: {  	[sflag:s2] =	ssyncset.done $0x0  }
0x7d: {  	[sflag:s2] =	ssyncadd.s32 $0xFFFFC000  }
0x7e: {  	[bflag:$0x0] =	sbarrier.arrive $0xFFFF  }
0x7f: {  	s24 =	rddreg [dreg:$0x4]  }
0x80: {  	s9 =	rddreg [dreg:$0x6]  }
0x81: {  	s14 =	rddreg [dreg:$0x9]  }
0x82: {  	[hbm:s9], [sflag:s24] =	dma.local @p0 [spmem:s14], $0x2800  }
0x83: {  	s9 =	simm.s32 @p0 $0x5  }
0x84: {  	_ =	swait.ge @p0 [sflag:s9], $0x2800  }
0x85: {  	[sflag:s9] =	ssyncset.done @p0 $0x0;
	s14 =	rddreg [dreg:$0xa]  }
0x86: {  	[sflag:s9] =	ssyncadd.s32 @p0 $0xFFFFD800;
	s9 =	rddreg [dreg:$0x5]  }
0x87: {  	[hbm:s9], [sflag:s24] =	dma.local @!p0 [spmem:s14], $0x2700  }
0x88: {  	s9 =	simm.s32 @!p0 $0x5  }
0x89: {  	_ =	swait.ge @!p0 [sflag:s9], $0x2700  }
0x8a: {  	s3 =	sadd.s32 $0x1, s3;
	s25 =	rddreg [dreg:$0x7]  }
0x8b: {  	p1 =	sne.s32 s3, s25  }
.Ltmp2:
0x8c: {  	_ = 	snop;
	(pc) =	sbr.rel @p1 .LBB2_1-.Ltmp2, $3  }
0x8d: {  	_ =	sdelay $0x1  }
0x8e: {  	[sflag:s9] =	ssyncset.done @!p0 $0x0  }
0x8f: {  	[sflag:s9] =	ssyncadd.s32 @!p0 $0xFFFFD900  }
0x90: {  	_ =	sfence.sel $0x180000  }
0x91: {  	[bflag:$0x0] =	sbarrier.arrive $0xFFFF  }
0x92: {  	_ =	strace $0x90000050  }
0x93: {  	s0 =	stileid.u32;
	[bflag:$0x2] =	sbarrier.arrive $0xFFFF  }
0x94: {  	p0 =	sne.s32 s0, $0x0;
	s0 =	rddreg [dreg:$0x2]  }
0x95: {  	s0 =	sadd.s32 @!p0 $0x100000, s0  }
0x96: {  	[sflag:s0] =	ssyncadd.tile.s32 @!p0 $0x1;
	_ =	shalt  }
.Lfunc_end2:
_tile_overlayer_lowered:
.L_overlay_start_2:
0x97: {  	(tag) =	ssettag $0x2  }
0x98: {  	s0 =	rddreg [dreg:$0x0];
	s2 =	stileid.u32  }
0x99: {  	s1 =	rddreg [dreg:$0x1];
	p0 =	sne.s32 s2, $0x0  }
0x9a: {  	s3 =	rddreg [dreg:$0x2];
	[bflag:$0x3] =	sbarrier.arrive $0xFFFF;
	s2 =	simm.s32 @!p0 $0x1C05  }
0x9b: {  	[timem:s3], [sflag:s2] =	dma.local @!p0 [hbm:s0], s1  }
0x9c: {  	s0 =	simm.s32 @!p0 $0x5  }
0x9d: {  	_ =	swait.ge @!p0 [sflag:s0], s1  }
0x9e: {  	s1 =	ssub.s32 @!p0 $0x0, s1;
	[sflag:s0] =	ssyncset.done @!p0 $0x0  }
0x9f: {  	[sflag:s0] =	ssyncadd.s32 @!p0 s1  }
0xa0: {  	[bflag:$0x3] =	sbarrier.arrive $0xFFFF  }
0xa1: {  	_ =	shalt  }

</sc_bundles>
